<compile_context>
chip_gen: v7x
topology: tpu7x:2x2x1
jax: 0.10.2.dev20260603
libtpu: 0.0.44.dev20260713+nightly
codegen_flags: <defaults>
</compile_context>

<pallas_src>
import functools

import jax
import jax.numpy as jnp
from jax import lax
from jax.experimental import pallas as pl
from jax.experimental.pallas import tpu as pltpu
from jax.experimental.pallas import tpu_sc as plsc

_NC, _NS, _L = 2, 16, 16
_NW = _NC * _NS
_CH = 16


def _blend(dst, src, n_vec):
    @plsc.parallel_loop(0, n_vec, 1, unroll=8)
    def _(i):
        s = pl.ds(i * _L, _L)
        dst[s] = 0.7 * dst[s] + 0.3 * src[s]


def _add(dst, src, n_vec):
    @plsc.parallel_loop(0, n_vec, 1, unroll=8)
    def _(i):
        s = pl.ds(i * _L, _L)
        dst[s] = dst[s] + src[s]


def _sc_body(batch, seq_len, d_model, x_hbm, pos_hbm, pe_hbm, out_hbm,
             pos_v, pe_v, xo_v, stab, sx, sst):
    wid = lax.axis_index("s") * _NC + lax.axis_index("c")
    rows_per_w = seq_len // _NW
    n_chunks = rows_per_w // _CH
    cw = _CH * d_model
    n_vec = cw // _L
    base = wid * rows_per_w * d_model

    def tab_off(ci):
        return base + ci * cw

    def x_off(ci, b):
        return b * seq_len * d_model + tab_off(ci)

    steps = [(ci, b) for ci in range(n_chunks) for b in range(batch)]
    n_steps = len(steps)

    tab_d = [
        pltpu.async_copy(pos_hbm.at[pl.ds(tab_off(0), cw)], pos_v[0], stab),
        pltpu.async_copy(pe_hbm.at[pl.ds(tab_off(0), cw)], pe_v[0], stab),
    ]
    xl_d = pltpu.async_copy(
        x_hbm.at[pl.ds(x_off(0, 0), cw)], xo_v[0], sx[0])
    st_d = [None, None]

    for k, (ci, b) in enumerate(steps):
        p = k % 2
        cp = ci % 2
        if b == 0:
            tab_d[0].wait()
            tab_d[1].wait()
            if ci + 1 < n_chunks:
                ncp = (ci + 1) % 2
                tab_d = [
                    pltpu.async_copy(
                        pos_hbm.at[pl.ds(tab_off(ci + 1), cw)],
                        pos_v[ncp], stab),
                    pltpu.async_copy(
                        pe_hbm.at[pl.ds(tab_off(ci + 1), cw)],
                        pe_v[ncp], stab),
                ]
            _blend(pos_v[cp], pe_v[cp], n_vec)
        xl_d.wait()
        if k + 1 < n_steps:
            np_ = (k + 1) % 2
            if st_d[np_] is not None:
                st_d[np_].wait()
                st_d[np_] = None
            nci, nb = steps[k + 1]
            xl_d = pltpu.async_copy(
                x_hbm.at[pl.ds(x_off(nci, nb), cw)], xo_v[np_], sx[np_])
        _add(xo_v[p], pos_v[cp], n_vec)
        st_d[p] = pltpu.async_copy(
            xo_v[p], out_hbm.at[pl.ds(x_off(ci, b), cw)], sst[p])

    for d in st_d:
        if d is not None:
            d.wait()


def kernel(x, pos_table, pe):
    batch, seq_len, d_model = x.shape
    cw = _CH * d_model
    mesh = plsc.VectorSubcoreMesh(core_axis_name="c", subcore_axis_name="s")
    sc_call = pl.kernel(
        functools.partial(_sc_body, batch, seq_len, d_model),
        out_type=jax.ShapeDtypeStruct((batch * seq_len * d_model,), x.dtype),
        mesh=mesh,
        scratch_types=[
            [pltpu.VMEM((cw,), jnp.float32) for _ in range(2)],
            [pltpu.VMEM((cw,), jnp.float32) for _ in range(2)],
            [pltpu.VMEM((cw,), jnp.float32) for _ in range(2)],
            pltpu.SemaphoreType.DMA,
            [pltpu.SemaphoreType.DMA for _ in range(2)],
            [pltpu.SemaphoreType.DMA for _ in range(2)],
        ],
    )
    out = sc_call(
        x.reshape(-1),
        pos_table[:seq_len].reshape(-1),
        pe[:seq_len].reshape(-1),
    )
    return out.reshape(x.shape)

# --- scband reference (transcript-rebuilt; emitter-appended) ---
"""Pipeline reference for scband-positional-encoding-62448824484348 (READ-ONLY COPY).

The authoritative reference and input builder live on the scoring server;
editing this copy changes nothing except your own understanding.
"""

import jax, jax.numpy as jnp
import numpy as np
import math

BATCH, SEQ_LEN, D_MODEL, MAX_LEN = 4, 2048, 1024, 2048

def _make_pe(max_len, d_model):
    position = np.arange(max_len, dtype=np.float32)[:, None]
    div_term = np.exp(np.arange(0, d_model, 2, dtype=np.float32) * (-math.log(10000.0) / d_model))
    pe = np.zeros((max_len, d_model), dtype=np.float32)
    pe[:, 0::2] = np.sin(position * div_term)
    pe[:, 1::2] = np.cos(position * div_term)
    return jnp.asarray(pe)

def setup_inputs(seed: int = 0) -> dict:
    key = jax.random.key(seed)
    k1, k2 = jax.random.split(key)
    x = jax.random.normal(k1, (BATCH, SEQ_LEN, D_MODEL), dtype=jnp.float32)
    pos_table = jax.random.normal(k2, (MAX_LEN, D_MODEL), dtype=jnp.float32) * 0.02
    pe = _make_pe(MAX_LEN, D_MODEL)
    return {"x": x, "pos_table": pos_table, "pe": pe}

def reference(x, pos_table, pe):
    # dropout p=0.0 -> identity (eval-equivalent)
    seq_len = x.shape[1]
    positions = jnp.arange(seq_len)
    pos_embed = jnp.take(pos_table, positions, axis=0)  # embedding lookup
    sinusoidal = pe[:seq_len]
    combined = 0.7 * pos_embed + 0.3 * sinusoidal
    return x + combined[None, :, :]

if __name__ == "__main__":
    import jax
    _d = setup_inputs()
    print(jax.jit(kernel)(*tuple(_d.values())))

</pallas_src>

<mosaic_0001>
#map = affine_map<(d0, d1) -> (0)>
module attributes {stable_mosaic.version = 14 : i64} {
  func.func @_sc_body(%arg0: i32, %arg1: i32, %arg2: memref<8388608xf32, #tpu.memory_space<hbm>>, %arg3: memref<2097152xf32, #tpu.memory_space<hbm>>, %arg4: memref<2097152xf32, #tpu.memory_space<hbm>>, %arg5: memref<8388608xf32, #tpu.memory_space<hbm>>, %arg6: memref<16384xf32, #tpu.memory_space<vmem>>, %arg7: memref<16384xf32, #tpu.memory_space<vmem>>, %arg8: memref<16384xf32, #tpu.memory_space<vmem>>, %arg9: memref<16384xf32, #tpu.memory_space<vmem>>, %arg10: memref<16384xf32, #tpu.memory_space<vmem>>, %arg11: memref<16384xf32, #tpu.memory_space<vmem>>, %arg12: memref<!tpu.dma_semaphore, #tpu.memory_space<semaphore_mem>>, %arg13: memref<!tpu.dma_semaphore, #tpu.memory_space<semaphore_mem>>, %arg14: memref<!tpu.dma_semaphore, #tpu.memory_space<semaphore_mem>>, %arg15: memref<!tpu.dma_semaphore, #tpu.memory_space<semaphore_mem>>, %arg16: memref<!tpu.dma_semaphore, #tpu.memory_space<semaphore_mem>>) attributes {dimension_semantics = [#tpu.dimension_semantics<core_parallel>, #tpu.dimension_semantics<subcore_parallel>], iteration_bounds = array<i64: 2, 16>, scalar_prefetch = 0 : i64, scratch_operands = 11 : i64, tpu.core_type = #tpu.core_type<sc_vector_subcore>, window_params = [{transform_indices = #map}, {transform_indices = #map}, {transform_indices = #map}, {transform_indices = #map}]} {
    %mul3A = arith.constant 2 : i32
    %mul3A_0 = arith.muli %arg1, %mul3A : i32
    %add3A = arith.addi %mul3A_0, %arg0 : i32
    %mul3A_1 = arith.constant 64 : i32
    %mul3A_2 = arith.muli %add3A, %mul3A_1 : i32
    %mul3A_3 = arith.constant 1024 : i32
    %mul3A_4 = arith.muli %mul3A_2, %mul3A_3 : i32
    %add3A_5 = arith.constant 0 : i32
    %add3A_6 = arith.addi %mul3A_4, %add3A_5 : i32
    %dma_start3A = tpu.memref_slice %arg3[%add3A_6] : memref<2097152xf32, #tpu.memory_space<hbm>> -> memref<16384xf32, #tpu.memory_space<hbm>>
    %dma_start3A_7 = tpu.memref_slice %arg3[%add3A_6] : memref<2097152xf32, #tpu.memory_space<hbm>> -> memref<16384xf32, #tpu.memory_space<hbm>>
    tpu.enqueue_dma source(%dma_start3A_7 : memref<16384xf32, #tpu.memory_space<hbm>>) target(%arg6 : memref<16384xf32, #tpu.memory_space<vmem>>) target_semaphore(%arg12 : memref<!tpu.dma_semaphore, #tpu.memory_space<semaphore_mem>>)
    %add3A_8 = arith.constant 0 : i32
    %add3A_9 = arith.addi %mul3A_4, %add3A_8 : i32
    %dma_start3A_10 = tpu.memref_slice %arg4[%add3A_9] : memref<2097152xf32, #tpu.memory_space<hbm>> -> memref<16384xf32, #tpu.memory_space<hbm>>
    %dma_start3A_11 = tpu.memref_slice %arg4[%add3A_9] : memref<2097152xf32, #tpu.memory_space<hbm>> -> memref<16384xf32, #tpu.memory_space<hbm>>
    tpu.enqueue_dma source(%dma_start3A_11 : memref<16384xf32, #tpu.memory_space<hbm>>) target(%arg8 : memref<16384xf32, #tpu.memory_space<vmem>>) target_semaphore(%arg12 : memref<!tpu.dma_semaphore, #tpu.memory_space<semaphore_mem>>)
    %add3A_12 = arith.constant 0 : i32
    %add3A_13 = arith.addi %mul3A_4, %add3A_12 : i32
    %add3A_14 = arith.constant 0 : i32
    %add3A_15 = arith.addi %add3A_14, %add3A_13 : i32
    %dma_start3A_16 = tpu.memref_slice %arg2[%add3A_15] : memref<8388608xf32, #tpu.memory_space<hbm>> -> memref<16384xf32, #tpu.memory_space<hbm>>
    %dma_start3A_17 = tpu.memref_slice %arg2[%add3A_15] : memref<8388608xf32, #tpu.memory_space<hbm>> -> memref<16384xf32, #tpu.memory_space<hbm>>
    tpu.enqueue_dma source(%dma_start3A_17 : memref<16384xf32, #tpu.memory_space<hbm>>) target(%arg10 : memref<16384xf32, #tpu.memory_space<vmem>>) target_semaphore(%arg13 : memref<!tpu.dma_semaphore, #tpu.memory_space<semaphore_mem>>)
    %dma_wait3A = tpu.memref_slice %arg3[%add3A_6] : memref<2097152xf32, #tpu.memory_space<hbm>> -> memref<16384xf32, #tpu.memory_space<hbm>>
    %dma_wait3A_18 = tpu.memref_slice %arg3[%add3A_6] : memref<2097152xf32, #tpu.memory_space<hbm>> -> memref<16384xf32, #tpu.memory_space<hbm>>
    tpu.wait_dma2 semaphore(%arg12 : memref<!tpu.dma_semaphore, #tpu.memory_space<semaphore_mem>>) src(%dma_wait3A_18 : memref<16384xf32, #tpu.memory_space<hbm>>) dst(%arg6 : memref<16384xf32, #tpu.memory_space<vmem>>)
    %dma_wait3A_19 = tpu.memref_slice %arg4[%add3A_9] : memref<2097152xf32, #tpu.memory_space<hbm>> -> memref<16384xf32, #tpu.memory_space<hbm>>
    %dma_wait3A_20 = tpu.memref_slice %arg4[%add3A_9] : memref<2097152xf32, #tpu.memory_space<hbm>> -> memref<16384xf32, #tpu.memory_space<hbm>>
    tpu.wait_dma2 semaphore(%arg12 : memref<!tpu.dma_semaphore, #tpu.memory_space<semaphore_mem>>) src(%dma_wait3A_20 : memref<16384xf32, #tpu.memory_space<hbm>>) dst(%arg8 : memref<16384xf32, #tpu.memory_space<vmem>>)
    %add3A_21 = arith.constant 16384 : i32
    %add3A_22 = arith.addi %mul3A_4, %add3A_21 : i32
    %dma_start3A_23 = tpu.memref_slice %arg3[%add3A_22] : memref<2097152xf32, #tpu.memory_space<hbm>> -> memref<16384xf32, #tpu.memory_space<hbm>>
    %dma_start3A_24 = tpu.memref_slice %arg3[%add3A_22] : memref<2097152xf32, #tpu.memory_space<hbm>> -> memref<16384xf32, #tpu.memory_space<hbm>>
    tpu.enqueue_dma source(%dma_start3A_24 : memref<16384xf32, #tpu.memory_space<hbm>>) target(%arg7 : memref<16384xf32, #tpu.memory_space<vmem>>) target_semaphore(%arg12 : memref<!tpu.dma_semaphore, #tpu.memory_space<semaphore_mem>>)
    %add3A_25 = arith.constant 16384 : i32
    %add3A_26 = arith.addi %mul3A_4, %add3A_25 : i32
    %dma_start3A_27 = tpu.memref_slice %arg4[%add3A_26] : memref<2097152xf32, #tpu.memory_space<hbm>> -> memref<16384xf32, #tpu.memory_space<hbm>>
    %dma_start3A_28 = tpu.memref_slice %arg4[%add3A_26] : memref<2097152xf32, #tpu.memory_space<hbm>> -> memref<16384xf32, #tpu.memory_space<hbm>>
    tpu.enqueue_dma source(%dma_start3A_28 : memref<16384xf32, #tpu.memory_space<hbm>>) target(%arg9 : memref<16384xf32, #tpu.memory_space<vmem>>) target_semaphore(%arg12 : memref<!tpu.dma_semaphore, #tpu.memory_space<semaphore_mem>>)
    %parallel_loop3A = arith.constant 0 : i32
    %parallel_loop3A_29 = arith.constant 1024 : i32
    %parallel_loop3A_30 = arith.constant 1 : i32
    scf.for %parallel_loop3A_366 = %parallel_loop3A to %parallel_loop3A_29 step %parallel_loop3A_30  : i32 {
      %parallel_loop3A_367 = arith.constant 16 : i32
      %parallel_loop3A_368 = arith.muli %parallel_loop3A_366, %parallel_loop3A_367 : i32
      %parallel_loop3A_369 = arith.index_cast %parallel_loop3A_368 : i32 to index
      %parallel_loop3A_370 = tpu.vector_load %arg6[%parallel_loop3A_369] {strides = array<i32>} : memref<16384xf32, #tpu.memory_space<vmem>>, vector<16xf32>,
      %parallel_loop3A_371 = vector.shape_cast %parallel_loop3A_370 : vector<16xf32> to vector<16xf32>
      %parallel_loop3A_372 = arith.constant 0.699999988 : f32
      %parallel_loop3A_373 = vector.broadcast %parallel_loop3A_372 : f32 to vector<16xf32>
      %parallel_loop3A_374 = arith.mulf %parallel_loop3A_373, %parallel_loop3A_371 : vector<16xf32>
      %parallel_loop3A_375 = arith.index_cast %parallel_loop3A_368 : i32 to index
      %parallel_loop3A_376 = tpu.vector_load %arg8[%parallel_loop3A_375] {strides = array<i32>} : memref<16384xf32, #tpu.memory_space<vmem>>, vector<16xf32>,
      %parallel_loop3A_377 = vector.shape_cast %parallel_loop3A_376 : vector<16xf32> to vector<16xf32>
      %parallel_loop3A_378 = arith.constant 3.000000e-01 : f32
      %parallel_loop3A_379 = vector.broadcast %parallel_loop3A_378 : f32 to vector<16xf32>
      %parallel_loop3A_380 = arith.mulf %parallel_loop3A_379, %parallel_loop3A_377 : vector<16xf32>
      %parallel_loop3A_381 = arith.addf %parallel_loop3A_374, %parallel_loop3A_380 : vector<16xf32>
      %parallel_loop3A_382 = arith.index_cast %parallel_loop3A_368 : i32 to index
      %parallel_loop3A_383 = tpu.vector_load %arg6[%parallel_loop3A_382] {strides = array<i32>} : memref<16384xf32, #tpu.memory_space<vmem>>, vector<16xf32>,
      %parallel_loop3A_384 = vector.shape_cast %parallel_loop3A_383 : vector<16xf32> to vector<16xf32>
      %parallel_loop3A_385 = vector.shape_cast %parallel_loop3A_381 : vector<16xf32> to vector<16xf32>
      tpu.vector_store %arg6[%parallel_loop3A_382], %parallel_loop3A_385 {strides = array<i32>} : memref<16384xf32, #tpu.memory_space<vmem>>, vector<16xf32>,
    } {sc.loop_unroll_factor = 8 : i64, sc.parallel_access}
    %dma_wait3A_31 = tpu.memref_slice %arg2[%add3A_15] : memref<8388608xf32, #tpu.memory_space<hbm>> -> memref<16384xf32, #tpu.memory_space<hbm>>
    %dma_wait3A_32 = tpu.memref_slice %arg2[%add3A_15] : memref<8388608xf32, #tpu.memory_space<hbm>> -> memref<16384xf32, #tpu.memory_space<hbm>>
    tpu.wait_dma2 semaphore(%arg13 : memref<!tpu.dma_semaphore, #tpu.memory_space<semaphore_mem>>) src(%dma_wait3A_32 : memref<16384xf32, #tpu.memory_space<hbm>>) dst(%arg10 : memref<16384xf32, #tpu.memory_space<vmem>>)
    %add3A_33 = arith.constant 0 : i32
    %add3A_34 = arith.addi %mul3A_4, %add3A_33 : i32
    %add3A_35 = arith.constant 2097152 : i32
    %add3A_36 = arith.addi %add3A_35, %add3A_34 : i32
    %dma_start3A_37 = tpu.memref_slice %arg2[%add3A_36] : memref<8388608xf32, #tpu.memory_space<hbm>> -> memref<16384xf32, #tpu.memory_space<hbm>>
    %dma_start3A_38 = tpu.memref_slice %arg2[%add3A_36] : memref<8388608xf32, #tpu.memory_space<hbm>> -> memref<16384xf32, #tpu.memory_space<hbm>>
    tpu.enqueue_dma source(%dma_start3A_38 : memref<16384xf32, #tpu.memory_space<hbm>>) target(%arg11 : memref<16384xf32, #tpu.memory_space<vmem>>) target_semaphore(%arg14 : memref<!tpu.dma_semaphore, #tpu.memory_space<semaphore_mem>>)
    %parallel_loop3A_39 = arith.constant 0 : i32
    %parallel_loop3A_40 = arith.constant 1024 : i32
    %parallel_loop3A_41 = arith.constant 1 : i32
    scf.for %parallel_loop3A_366 = %parallel_loop3A_39 to %parallel_loop3A_40 step %parallel_loop3A_41  : i32 {
      %parallel_loop3A_367 = arith.constant 16 : i32
      %parallel_loop3A_368 = arith.muli %parallel_loop3A_366, %parallel_loop3A_367 : i32
      %parallel_loop3A_369 = arith.index_cast %parallel_loop3A_368 : i32 to index
      %parallel_loop3A_370 = tpu.vector_load %arg10[%parallel_loop3A_369] {strides = array<i32>} : memref<16384xf32, #tpu.memory_space<vmem>>, vector<16xf32>,
      %parallel_loop3A_371 = vector.shape_cast %parallel_loop3A_370 : vector<16xf32> to vector<16xf32>
      %parallel_loop3A_372 = arith.index_cast %parallel_loop3A_368 : i32 to index
      %parallel_loop3A_373 = tpu.vector_load %arg6[%parallel_loop3A_372] {strides = array<i32>} : memref<16384xf32, #tpu.memory_space<vmem>>, vector<16xf32>,
      %parallel_loop3A_374 = vector.shape_cast %parallel_loop3A_373 : vector<16xf32> to vector<16xf32>
      %parallel_loop3A_375 = arith.addf %parallel_loop3A_371, %parallel_loop3A_374 : vector<16xf32>
      %parallel_loop3A_376 = arith.index_cast %parallel_loop3A_368 : i32 to index
      %parallel_loop3A_377 = tpu.vector_load %arg10[%parallel_loop3A_376] {strides = array<i32>} : memref<16384xf32, #tpu.memory_space<vmem>>, vector<16xf32>,
      %parallel_loop3A_378 = vector.shape_cast %parallel_loop3A_377 : vector<16xf32> to vector<16xf32>
      %parallel_loop3A_379 = vector.shape_cast %parallel_loop3A_375 : vector<16xf32> to vector<16xf32>
      tpu.vector_store %arg10[%parallel_loop3A_376], %parallel_loop3A_379 {strides = array<i32>} : memref<16384xf32, #tpu.memory_space<vmem>>, vector<16xf32>,
    } {sc.loop_unroll_factor = 8 : i64, sc.parallel_access}
    %add3A_42 = arith.constant 0 : i32
    %add3A_43 = arith.addi %mul3A_4, %add3A_42 : i32
    %add3A_44 = arith.constant 0 : i32
    %add3A_45 = arith.addi %add3A_44, %add3A_43 : i32
    %dma_start3A_46 = tpu.memref_slice %arg5[%add3A_45] : memref<8388608xf32, #tpu.memory_space<hbm>> -> memref<16384xf32, #tpu.memory_space<hbm>>
    %dma_start3A_47 = tpu.memref_slice %arg5[%add3A_45] : memref<8388608xf32, #tpu.memory_space<hbm>> -> memref<16384xf32, #tpu.memory_space<hbm>>
    tpu.enqueue_dma source(%arg10 : memref<16384xf32, #tpu.memory_space<vmem>>) target(%dma_start3A_47 : memref<16384xf32, #tpu.memory_space<hbm>>) target_semaphore(%arg15 : memref<!tpu.dma_semaphore, #tpu.memory_space<semaphore_mem>>)
    %dma_wait3A_48 = tpu.memref_slice %arg2[%add3A_36] : memref<8388608xf32, #tpu.memory_space<hbm>> -> memref<16384xf32, #tpu.memory_space<hbm>>
    %dma_wait3A_49 = tpu.memref_slice %arg2[%add3A_36] : memref<8388608xf32, #tpu.memory_space<hbm>> -> memref<16384xf32, #tpu.memory_space<hbm>>
    tpu.wait_dma2 semaphore(%arg14 : memref<!tpu.dma_semaphore, #tpu.memory_space<semaphore_mem>>) src(%dma_wait3A_49 : memref<16384xf32, #tpu.memory_space<hbm>>) dst(%arg11 : memref<16384xf32, #tpu.memory_space<vmem>>)
    %dma_wait3A_50 = tpu.memref_slice %arg5[%add3A_45] : memref<8388608xf32, #tpu.memory_space<hbm>> -> memref<16384xf32, #tpu.memory_space<hbm>>
    %dma_wait3A_51 = tpu.memref_slice %arg5[%add3A_45] : memref<8388608xf32, #tpu.memory_space<hbm>> -> memref<16384xf32, #tpu.memory_space<hbm>>
    tpu.wait_dma2 semaphore(%arg15 : memref<!tpu.dma_semaphore, #tpu.memory_space<semaphore_mem>>) src(%arg10 : memref<16384xf32, #tpu.memory_space<vmem>>) dst(%dma_wait3A_51 : memref<16384xf32, #tpu.memory_space<hbm>>)
    %add3A_52 = arith.constant 0 : i32
    %add3A_53 = arith.addi %mul3A_4, %add3A_52 : i32
    %add3A_54 = arith.constant 4194304 : i32
    %add3A_55 = arith.addi %add3A_54, %add3A_53 : i32
    %dma_start3A_56 = tpu.memref_slice %arg2[%add3A_55] : memref<8388608xf32, #tpu.memory_space<hbm>> -> memref<16384xf32, #tpu.memory_space<hbm>>
    %dma_start3A_57 = tpu.memref_slice %arg2[%add3A_55] : memref<8388608xf32, #tpu.memory_space<hbm>> -> memref<16384xf32, #tpu.memory_space<hbm>>
    tpu.enqueue_dma source(%dma_start3A_57 : memref<16384xf32, #tpu.memory_space<hbm>>) target(%arg10 : memref<16384xf32, #tpu.memory_space<vmem>>) target_semaphore(%arg13 : memref<!tpu.dma_semaphore, #tpu.memory_space<semaphore_mem>>)
    %parallel_loop3A_58 = arith.constant 0 : i32
    %parallel_loop3A_59 = arith.constant 1024 : i32
    %parallel_loop3A_60 = arith.constant 1 : i32
    scf.for %parallel_loop3A_366 = %parallel_loop3A_58 to %parallel_loop3A_59 step %parallel_loop3A_60  : i32 {
      %parallel_loop3A_367 = arith.constant 16 : i32
      %parallel_loop3A_368 = arith.muli %parallel_loop3A_366, %parallel_loop3A_367 : i32
      %parallel_loop3A_369 = arith.index_cast %parallel_loop3A_368 : i32 to index
      %parallel_loop3A_370 = tpu.vector_load %arg11[%parallel_loop3A_369] {strides = array<i32>} : memref<16384xf32, #tpu.memory_space<vmem>>, vector<16xf32>,
      %parallel_loop3A_371 = vector.shape_cast %parallel_loop3A_370 : vector<16xf32> to vector<16xf32>
      %parallel_loop3A_372 = arith.index_cast %parallel_loop3A_368 : i32 to index
      %parallel_loop3A_373 = tpu.vector_load %arg6[%parallel_loop3A_372] {strides = array<i32>} : memref<16384xf32, #tpu.memory_space<vmem>>, vector<16xf32>,
      %parallel_loop3A_374 = vector.shape_cast %parallel_loop3A_373 : vector<16xf32> to vector<16xf32>
      %parallel_loop3A_375 = arith.addf %parallel_loop3A_371, %parallel_loop3A_374 : vector<16xf32>
      %parallel_loop3A_376 = arith.index_cast %parallel_loop3A_368 : i32 to index
      %parallel_loop3A_377 = tpu.vector_load %arg11[%parallel_loop3A_376] {strides = array<i32>} : memref<16384xf32, #tpu.memory_space<vmem>>, vector<16xf32>,
      %parallel_loop3A_378 = vector.shape_cast %parallel_loop3A_377 : vector<16xf32> to vector<16xf32>
      %parallel_loop3A_379 = vector.shape_cast %parallel_loop3A_375 : vector<16xf32> to vector<16xf32>
      tpu.vector_store %arg11[%parallel_loop3A_376], %parallel_loop3A_379 {strides = array<i32>} : memref<16384xf32, #tpu.memory_space<vmem>>, vector<16xf32>,
    } {sc.loop_unroll_factor = 8 : i64, sc.parallel_access}
    %add3A_61 = arith.constant 0 : i32
    %add3A_62 = arith.addi %mul3A_4, %add3A_61 : i32
    %add3A_63 = arith.constant 2097152 : i32
    %add3A_64 = arith.addi %add3A_63, %add3A_62 : i32
    %dma_start3A_65 = tpu.memref_slice %arg5[%add3A_64] : memref<8388608xf32, #tpu.memory_space<hbm>> -> memref<16384xf32, #tpu.memory_space<hbm>>
    %dma_start3A_66 = tpu.memref_slice %arg5[%add3A_64] : memref<8388608xf32, #tpu.memory_space<hbm>> -> memref<16384xf32, #tpu.memory_space<hbm>>
    tpu.enqueue_dma source(%arg11 : memref<16384xf32, #tpu.memory_space<vmem>>) target(%dma_start3A_66 : memref<16384xf32, #tpu.memory_space<hbm>>) target_semaphore(%arg16 : memref<!tpu.dma_semaphore, #tpu.memory_space<semaphore_mem>>)
    %dma_wait3A_67 = tpu.memref_slice %arg2[%add3A_55] : memref<8388608xf32, #tpu.memory_space<hbm>> -> memref<16384xf32, #tpu.memory_space<hbm>>
    %dma_wait3A_68 = tpu.memref_slice %arg2[%add3A_55] : memref<8388608xf32, #tpu.memory_space<hbm>> -> memref<16384xf32, #tpu.memory_space<hbm>>
    tpu.wait_dma2 semaphore(%arg13 : memref<!tpu.dma_semaphore, #tpu.memory_space<semaphore_mem>>) src(%dma_wait3A_68 : memref<16384xf32, #tpu.memory_space<hbm>>) dst(%arg10 : memref<16384xf32, #tpu.memory_space<vmem>>)
    %dma_wait3A_69 = tpu.memref_slice %arg5[%add3A_64] : memref<8388608xf32, #tpu.memory_space<hbm>> -> memref<16384xf32, #tpu.memory_space<hbm>>
    %dma_wait3A_70 = tpu.memref_slice %arg5[%add3A_64] : memref<8388608xf32, #tpu.memory_space<hbm>> -> memref<16384xf32, #tpu.memory_space<hbm>>
    tpu.wait_dma2 semaphore(%arg16 : memref<!tpu.dma_semaphore, #tpu.memory_space<semaphore_mem>>) src(%arg11 : memref<16384xf32, #tpu.memory_space<vmem>>) dst(%dma_wait3A_70 : memref<16384xf32, #tpu.memory_space<hbm>>)
    %add3A_71 = arith.constant 0 : i32
    %add3A_72 = arith.addi %mul3A_4, %add3A_71 : i32
    %add3A_73 = arith.constant 6291456 : i32
    %add3A_74 = arith.addi %add3A_73, %add3A_72 : i32
    %dma_start3A_75 = tpu.memref_slice %arg2[%add3A_74] : memref<8388608xf32, #tpu.memory_space<hbm>> -> memref<16384xf32, #tpu.memory_space<hbm>>
    %dma_start3A_76 = tpu.memref_slice %arg2[%add3A_74] : memref<8388608xf32, #tpu.memory_space<hbm>> -> memref<16384xf32, #tpu.memory_space<hbm>>
    tpu.enqueue_dma source(%dma_start3A_76 : memref<16384xf32, #tpu.memory_space<hbm>>) target(%arg11 : memref<16384xf32, #tpu.memory_space<vmem>>) target_semaphore(%arg14 : memref<!tpu.dma_semaphore, #tpu.memory_space<semaphore_mem>>)
    %parallel_loop3A_77 = arith.constant 0 : i32
    %parallel_loop3A_78 = arith.constant 1024 : i32
    %parallel_loop3A_79 = arith.constant 1 : i32
    scf.for %parallel_loop3A_366 = %parallel_loop3A_77 to %parallel_loop3A_78 step %parallel_loop3A_79  : i32 {
      %parallel_loop3A_367 = arith.constant 16 : i32
      %parallel_loop3A_368 = arith.muli %parallel_loop3A_366, %parallel_loop3A_367 : i32
      %parallel_loop3A_369 = arith.index_cast %parallel_loop3A_368 : i32 to index
      %parallel_loop3A_370 = tpu.vector_load %arg10[%parallel_loop3A_369] {strides = array<i32>} : memref<16384xf32, #tpu.memory_space<vmem>>, vector<16xf32>,
      %parallel_loop3A_371 = vector.shape_cast %parallel_loop3A_370 : vector<16xf32> to vector<16xf32>
      %parallel_loop3A_372 = arith.index_cast %parallel_loop3A_368 : i32 to index
      %parallel_loop3A_373 = tpu.vector_load %arg6[%parallel_loop3A_372] {strides = array<i32>} : memref<16384xf32, #tpu.memory_space<vmem>>, vector<16xf32>,
      %parallel_loop3A_374 = vector.shape_cast %parallel_loop3A_373 : vector<16xf32> to vector<16xf32>
      %parallel_loop3A_375 = arith.addf %parallel_loop3A_371, %parallel_loop3A_374 : vector<16xf32>
      %parallel_loop3A_376 = arith.index_cast %parallel_loop3A_368 : i32 to index
      %parallel_loop3A_377 = tpu.vector_load %arg10[%parallel_loop3A_376] {strides = array<i32>} : memref<16384xf32, #tpu.memory_space<vmem>>, vector<16xf32>,
      %parallel_loop3A_378 = vector.shape_cast %parallel_loop3A_377 : vector<16xf32> to vector<16xf32>
      %parallel_loop3A_379 = vector.shape_cast %parallel_loop3A_375 : vector<16xf32> to vector<16xf32>
      tpu.vector_store %arg10[%parallel_loop3A_376], %parallel_loop3A_379 {strides = array<i32>} : memref<16384xf32, #tpu.memory_space<vmem>>, vector<16xf32>,
    } {sc.loop_unroll_factor = 8 : i64, sc.parallel_access}
    %add3A_80 = arith.constant 0 : i32
    %add3A_81 = arith.addi %mul3A_4, %add3A_80 : i32
    %add3A_82 = arith.constant 4194304 : i32
    %add3A_83 = arith.addi %add3A_82, %add3A_81 : i32
    %dma_start3A_84 = tpu.memref_slice %arg5[%add3A_83] : memref<8388608xf32, #tpu.memory_space<hbm>> -> memref<16384xf32, #tpu.memory_space<hbm>>
    %dma_start3A_85 = tpu.memref_slice %arg5[%add3A_83] : memref<8388608xf32, #tpu.memory_space<hbm>> -> memref<16384xf32, #tpu.memory_space<hbm>>
    tpu.enqueue_dma source(%arg10 : memref<16384xf32, #tpu.memory_space<vmem>>) target(%dma_start3A_85 : memref<16384xf32, #tpu.memory_space<hbm>>) target_semaphore(%arg15 : memref<!tpu.dma_semaphore, #tpu.memory_space<semaphore_mem>>)
    %dma_wait3A_86 = tpu.memref_slice %arg2[%add3A_74] : memref<8388608xf32, #tpu.memory_space<hbm>> -> memref<16384xf32, #tpu.memory_space<hbm>>
    %dma_wait3A_87 = tpu.memref_slice %arg2[%add3A_74] : memref<8388608xf32, #tpu.memory_space<hbm>> -> memref<16384xf32, #tpu.memory_space<hbm>>
    tpu.wait_dma2 semaphore(%arg14 : memref<!tpu.dma_semaphore, #tpu.memory_space<semaphore_mem>>) src(%dma_wait3A_87 : memref<16384xf32, #tpu.memory_space<hbm>>) dst(%arg11 : memref<16384xf32, #tpu.memory_space<vmem>>)
    %dma_wait3A_88 = tpu.memref_slice %arg5[%add3A_83] : memref<8388608xf32, #tpu.memory_space<hbm>> -> memref<16384xf32, #tpu.memory_space<hbm>>
    %dma_wait3A_89 = tpu.memref_slice %arg5[%add3A_83] : memref<8388608xf32, #tpu.memory_space<hbm>> -> memref<16384xf32, #tpu.memory_space<hbm>>
    tpu.wait_dma2 semaphore(%arg15 : memref<!tpu.dma_semaphore, #tpu.memory_space<semaphore_mem>>) src(%arg10 : memref<16384xf32, #tpu.memory_space<vmem>>) dst(%dma_wait3A_89 : memref<16384xf32, #tpu.memory_space<hbm>>)
    %add3A_90 = arith.constant 16384 : i32
    %add3A_91 = arith.addi %mul3A_4, %add3A_90 : i32
    %add3A_92 = arith.constant 0 : i32
    %add3A_93 = arith.addi %add3A_92, %add3A_91 : i32
    %dma_start3A_94 = tpu.memref_slice %arg2[%add3A_93] : memref<8388608xf32, #tpu.memory_space<hbm>> -> memref<16384xf32, #tpu.memory_space<hbm>>
    %dma_start3A_95 = tpu.memref_slice %arg2[%add3A_93] : memref<8388608xf32, #tpu.memory_space<hbm>> -> memref<16384xf32, #tpu.memory_space<hbm>>
    tpu.enqueue_dma source(%dma_start3A_95 : memref<16384xf32, #tpu.memory_space<hbm>>) target(%arg10 : memref<16384xf32, #tpu.memory_space<vmem>>) target_semaphore(%arg13 : memref<!tpu.dma_semaphore, #tpu.memory_space<semaphore_mem>>)
    %parallel_loop3A_96 = arith.constant 0 : i32
    %parallel_loop3A_97 = arith.constant 1024 : i32
    %parallel_loop3A_98 = arith.constant 1 : i32
    scf.for %parallel_loop3A_366 = %parallel_loop3A_96 to %parallel_loop3A_97 step %parallel_loop3A_98  : i32 {
      %parallel_loop3A_367 = arith.constant 16 : i32
      %parallel_loop3A_368 = arith.muli %parallel_loop3A_366, %parallel_loop3A_367 : i32
      %parallel_loop3A_369 = arith.index_cast %parallel_loop3A_368 : i32 to index
      %parallel_loop3A_370 = tpu.vector_load %arg11[%parallel_loop3A_369] {strides = array<i32>} : memref<16384xf32, #tpu.memory_space<vmem>>, vector<16xf32>,
      %parallel_loop3A_371 = vector.shape_cast %parallel_loop3A_370 : vector<16xf32> to vector<16xf32>
      %parallel_loop3A_372 = arith.index_cast %parallel_loop3A_368 : i32 to index
      %parallel_loop3A_373 = tpu.vector_load %arg6[%parallel_loop3A_372] {strides = array<i32>} : memref<16384xf32, #tpu.memory_space<vmem>>, vector<16xf32>,
      %parallel_loop3A_374 = vector.shape_cast %parallel_loop3A_373 : vector<16xf32> to vector<16xf32>
      %parallel_loop3A_375 = arith.addf %parallel_loop3A_371, %parallel_loop3A_374 : vector<16xf32>
      %parallel_loop3A_376 = arith.index_cast %parallel_loop3A_368 : i32 to index
      %parallel_loop3A_377 = tpu.vector_load %arg11[%parallel_loop3A_376] {strides = array<i32>} : memref<16384xf32, #tpu.memory_space<vmem>>, vector<16xf32>,
      %parallel_loop3A_378 = vector.shape_cast %parallel_loop3A_377 : vector<16xf32> to vector<16xf32>
      %parallel_loop3A_379 = vector.shape_cast %parallel_loop3A_375 : vector<16xf32> to vector<16xf32>
      tpu.vector_store %arg11[%parallel_loop3A_376], %parallel_loop3A_379 {strides = array<i32>} : memref<16384xf32, #tpu.memory_space<vmem>>, vector<16xf32>,
    } {sc.loop_unroll_factor = 8 : i64, sc.parallel_access}
    %add3A_99 = arith.constant 0 : i32
    %add3A_100 = arith.addi %mul3A_4, %add3A_99 : i32
    %add3A_101 = arith.constant 6291456 : i32
    %add3A_102 = arith.addi %add3A_101, %add3A_100 : i32
    %dma_start3A_103 = tpu.memref_slice %arg5[%add3A_102] : memref<8388608xf32, #tpu.memory_space<hbm>> -> memref<16384xf32, #tpu.memory_space<hbm>>
    %dma_start3A_104 = tpu.memref_slice %arg5[%add3A_102] : memref<8388608xf32, #tpu.memory_space<hbm>> -> memref<16384xf32, #tpu.memory_space<hbm>>
    tpu.enqueue_dma source(%arg11 : memref<16384xf32, #tpu.memory_space<vmem>>) target(%dma_start3A_104 : memref<16384xf32, #tpu.memory_space<hbm>>) target_semaphore(%arg16 : memref<!tpu.dma_semaphore, #tpu.memory_space<semaphore_mem>>)
    %dma_wait3A_105 = tpu.memref_slice %arg3[%add3A_22] : memref<2097152xf32, #tpu.memory_space<hbm>> -> memref<16384xf32, #tpu.memory_space<hbm>>
    %dma_wait3A_106 = tpu.memref_slice %arg3[%add3A_22] : memref<2097152xf32, #tpu.memory_space<hbm>> -> memref<16384xf32, #tpu.memory_space<hbm>>
    tpu.wait_dma2 semaphore(%arg12 : memref<!tpu.dma_semaphore, #tpu.memory_space<semaphore_mem>>) src(%dma_wait3A_106 : memref<16384xf32, #tpu.memory_space<hbm>>) dst(%arg7 : memref<16384xf32, #tpu.memory_space<vmem>>)
    %dma_wait3A_107 = tpu.memref_slice %arg4[%add3A_26] : memref<2097152xf32, #tpu.memory_space<hbm>> -> memref<16384xf32, #tpu.memory_space<hbm>>
    %dma_wait3A_108 = tpu.memref_slice %arg4[%add3A_26] : memref<2097152xf32, #tpu.memory_space<hbm>> -> memref<16384xf32, #tpu.memory_space<hbm>>
    tpu.wait_dma2 semaphore(%arg12 : memref<!tpu.dma_semaphore, #tpu.memory_space<semaphore_mem>>) src(%dma_wait3A_108 : memref<16384xf32, #tpu.memory_space<hbm>>) dst(%arg9 : memref<16384xf32, #tpu.memory_space<vmem>>)
    %add3A_109 = arith.constant 32768 : i32
    %add3A_110 = arith.addi %mul3A_4, %add3A_109 : i32
    %dma_start3A_111 = tpu.memref_slice %arg3[%add3A_110] : memref<2097152xf32, #tpu.memory_space<hbm>> -> memref<16384xf32, #tpu.memory_space<hbm>>
    %dma_start3A_112 = tpu.memref_slice %arg3[%add3A_110] : memref<2097152xf32, #tpu.memory_space<hbm>> -> memref<16384xf32, #tpu.memory_space<hbm>>
    tpu.enqueue_dma source(%dma_start3A_112 : memref<16384xf32, #tpu.memory_space<hbm>>) target(%arg6 : memref<16384xf32, #tpu.memory_space<vmem>>) target_semaphore(%arg12 : memref<!tpu.dma_semaphore, #tpu.memory_space<semaphore_mem>>)
    %add3A_113 = arith.constant 32768 : i32
    %add3A_114 = arith.addi %mul3A_4, %add3A_113 : i32
    %dma_start3A_115 = tpu.memref_slice %arg4[%add3A_114] : memref<2097152xf32, #tpu.memory_space<hbm>> -> memref<16384xf32, #tpu.memory_space<hbm>>
    %dma_start3A_116 = tpu.memref_slice %arg4[%add3A_114] : memref<2097152xf32, #tpu.memory_space<hbm>> -> memref<16384xf32, #tpu.memory_space<hbm>>
    tpu.enqueue_dma source(%dma_start3A_116 : memref<16384xf32, #tpu.memory_space<hbm>>) target(%arg8 : memref<16384xf32, #tpu.memory_space<vmem>>) target_semaphore(%arg12 : memref<!tpu.dma_semaphore, #tpu.memory_space<semaphore_mem>>)
    %parallel_loop3A_117 = arith.constant 0 : i32
    %parallel_loop3A_118 = arith.constant 1024 : i32
    %parallel_loop3A_119 = arith.constant 1 : i32
    scf.for %parallel_loop3A_366 = %parallel_loop3A_117 to %parallel_loop3A_118 step %parallel_loop3A_119  : i32 {
      %parallel_loop3A_367 = arith.constant 16 : i32
      %parallel_loop3A_368 = arith.muli %parallel_loop3A_366, %parallel_loop3A_367 : i32
      %parallel_loop3A_369 = arith.index_cast %parallel_loop3A_368 : i32 to index
      %parallel_loop3A_370 = tpu.vector_load %arg7[%parallel_loop3A_369] {strides = array<i32>} : memref<16384xf32, #tpu.memory_space<vmem>>, vector<16xf32>,
      %parallel_loop3A_371 = vector.shape_cast %parallel_loop3A_370 : vector<16xf32> to vector<16xf32>
      %parallel_loop3A_372 = arith.constant 0.699999988 : f32
      %parallel_loop3A_373 = vector.broadcast %parallel_loop3A_372 : f32 to vector<16xf32>
      %parallel_loop3A_374 = arith.mulf %parallel_loop3A_373, %parallel_loop3A_371 : vector<16xf32>
      %parallel_loop3A_375 = arith.index_cast %parallel_loop3A_368 : i32 to index
      %parallel_loop3A_376 = tpu.vector_load %arg9[%parallel_loop3A_375] {strides = array<i32>} : memref<16384xf32, #tpu.memory_space<vmem>>, vector<16xf32>,
      %parallel_loop3A_377 = vector.shape_cast %parallel_loop3A_376 : vector<16xf32> to vector<16xf32>
      %parallel_loop3A_378 = arith.constant 3.000000e-01 : f32
      %parallel_loop3A_379 = vector.broadcast %parallel_loop3A_378 : f32 to vector<16xf32>
      %parallel_loop3A_380 = arith.mulf %parallel_loop3A_379, %parallel_loop3A_377 : vector<16xf32>
      %parallel_loop3A_381 = arith.addf %parallel_loop3A_374, %parallel_loop3A_380 : vector<16xf32>
      %parallel_loop3A_382 = arith.index_cast %parallel_loop3A_368 : i32 to index
      %parallel_loop3A_383 = tpu.vector_load %arg7[%parallel_loop3A_382] {strides = array<i32>} : memref<16384xf32, #tpu.memory_space<vmem>>, vector<16xf32>,
      %parallel_loop3A_384 = vector.shape_cast %parallel_loop3A_383 : vector<16xf32> to vector<16xf32>
      %parallel_loop3A_385 = vector.shape_cast %parallel_loop3A_381 : vector<16xf32> to vector<16xf32>
      tpu.vector_store %arg7[%parallel_loop3A_382], %parallel_loop3A_385 {strides = array<i32>} : memref<16384xf32, #tpu.memory_space<vmem>>, vector<16xf32>,
    } {sc.loop_unroll_factor = 8 : i64, sc.parallel_access}
    %dma_wait3A_120 = tpu.memref_slice %arg2[%add3A_93] : memref<8388608xf32, #tpu.memory_space<hbm>> -> memref<16384xf32, #tpu.memory_space<hbm>>
    %dma_wait3A_121 = tpu.memref_slice %arg2[%add3A_93] : memref<8388608xf32, #tpu.memory_space<hbm>> -> memref<16384xf32, #tpu.memory_space<hbm>>
    tpu.wait_dma2 semaphore(%arg13 : memref<!tpu.dma_semaphore, #tpu.memory_space<semaphore_mem>>) src(%dma_wait3A_121 : memref<16384xf32, #tpu.memory_space<hbm>>) dst(%arg10 : memref<16384xf32, #tpu.memory_space<vmem>>)
    %dma_wait3A_122 = tpu.memref_slice %arg5[%add3A_102] : memref<8388608xf32, #tpu.memory_space<hbm>> -> memref<16384xf32, #tpu.memory_space<hbm>>
    %dma_wait3A_123 = tpu.memref_slice %arg5[%add3A_102] : memref<8388608xf32, #tpu.memory_space<hbm>> -> memref<16384xf32, #tpu.memory_space<hbm>>
    tpu.wait_dma2 semaphore(%arg16 : memref<!tpu.dma_semaphore, #tpu.memory_space<semaphore_mem>>) src(%arg11 : memref<16384xf32, #tpu.memory_space<vmem>>) dst(%dma_wait3A_123 : memref<16384xf32, #tpu.memory_space<hbm>>)
    %add3A_124 = arith.constant 16384 : i32
    %add3A_125 = arith.addi %mul3A_4, %add3A_124 : i32
    %add3A_126 = arith.constant 2097152 : i32
    %add3A_127 = arith.addi %add3A_126, %add3A_125 : i32
    %dma_start3A_128 = tpu.memref_slice %arg2[%add3A_127] : memref<8388608xf32, #tpu.memory_space<hbm>> -> memref<16384xf32, #tpu.memory_space<hbm>>
    %dma_start3A_129 = tpu.memref_slice %arg2[%add3A_127] : memref<8388608xf32, #tpu.memory_space<hbm>> -> memref<16384xf32, #tpu.memory_space<hbm>>
    tpu.enqueue_dma source(%dma_start3A_129 : memref<16384xf32, #tpu.memory_space<hbm>>) target(%arg11 : memref<16384xf32, #tpu.memory_space<vmem>>) target_semaphore(%arg14 : memref<!tpu.dma_semaphore, #tpu.memory_space<semaphore_mem>>)
    %parallel_loop3A_130 = arith.constant 0 : i32
    %parallel_loop3A_131 = arith.constant 1024 : i32
    %parallel_loop3A_132 = arith.constant 1 : i32
    scf.for %parallel_loop3A_366 = %parallel_loop3A_130 to %parallel_loop3A_131 step %parallel_loop3A_132  : i32 {
      %parallel_loop3A_367 = arith.constant 16 : i32
      %parallel_loop3A_368 = arith.muli %parallel_loop3A_366, %parallel_loop3A_367 : i32
      %parallel_loop3A_369 = arith.index_cast %parallel_loop3A_368 : i32 to index
      %parallel_loop3A_370 = tpu.vector_load %arg10[%parallel_loop3A_369] {strides = array<i32>} : memref<16384xf32, #tpu.memory_space<vmem>>, vector<16xf32>,
      %parallel_loop3A_371 = vector.shape_cast %parallel_loop3A_370 : vector<16xf32> to vector<16xf32>
      %parallel_loop3A_372 = arith.index_cast %parallel_loop3A_368 : i32 to index
      %parallel_loop3A_373 = tpu.vector_load %arg7[%parallel_loop3A_372] {strides = array<i32>} : memref<16384xf32, #tpu.memory_space<vmem>>, vector<16xf32>,
      %parallel_loop3A_374 = vector.shape_cast %parallel_loop3A_373 : vector<16xf32> to vector<16xf32>
      %parallel_loop3A_375 = arith.addf %parallel_loop3A_371, %parallel_loop3A_374 : vector<16xf32>
      %parallel_loop3A_376 = arith.index_cast %parallel_loop3A_368 : i32 to index
      %parallel_loop3A_377 = tpu.vector_load %arg10[%parallel_loop3A_376] {strides = array<i32>} : memref<16384xf32, #tpu.memory_space<vmem>>, vector<16xf32>,
      %parallel_loop3A_378 = vector.shape_cast %parallel_loop3A_377 : vector<16xf32> to vector<16xf32>
      %parallel_loop3A_379 = vector.shape_cast %parallel_loop3A_375 : vector<16xf32> to vector<16xf32>
      tpu.vector_store %arg10[%parallel_loop3A_376], %parallel_loop3A_379 {strides = array<i32>} : memref<16384xf32, #tpu.memory_space<vmem>>, vector<16xf32>,
    } {sc.loop_unroll_factor = 8 : i64, sc.parallel_access}
    %add3A_133 = arith.constant 16384 : i32
    %add3A_134 = arith.addi %mul3A_4, %add3A_133 : i32
    %add3A_135 = arith.constant 0 : i32
    %add3A_136 = arith.addi %add3A_135, %add3A_134 : i32
    %dma_start3A_137 = tpu.memref_slice %arg5[%add3A_136] : memref<8388608xf32, #tpu.memory_space<hbm>> -> memref<16384xf32, #tpu.memory_space<hbm>>
    %dma_start3A_138 = tpu.memref_slice %arg5[%add3A_136] : memref<8388608xf32, #tpu.memory_space<hbm>> -> memref<16384xf32, #tpu.memory_space<hbm>>
    tpu.enqueue_dma source(%arg10 : memref<16384xf32, #tpu.memory_space<vmem>>) target(%dma_start3A_138 : memref<16384xf32, #tpu.memory_space<hbm>>) target_semaphore(%arg15 : memref<!tpu.dma_semaphore, #tpu.memory_space<semaphore_mem>>)
    %dma_wait3A_139 = tpu.memref_slice %arg2[%add3A_127] : memref<8388608xf32, #tpu.memory_space<hbm>> -> memref<16384xf32, #tpu.memory_space<hbm>>
    %dma_wait3A_140 = tpu.memref_slice %arg2[%add3A_127] : memref<8388608xf32, #tpu.memory_space<hbm>> -> memref<16384xf32, #tpu.memory_space<hbm>>
    tpu.wait_dma2 semaphore(%arg14 : memref<!tpu.dma_semaphore, #tpu.memory_space<semaphore_mem>>) src(%dma_wait3A_140 : memref<16384xf32, #tpu.memory_space<hbm>>) dst(%arg11 : memref<16384xf32, #tpu.memory_space<vmem>>)
    %dma_wait3A_141 = tpu.memref_slice %arg5[%add3A_136] : memref<8388608xf32, #tpu.memory_space<hbm>> -> memref<16384xf32, #tpu.memory_space<hbm>>
    %dma_wait3A_142 = tpu.memref_slice %arg5[%add3A_136] : memref<8388608xf32, #tpu.memory_space<hbm>> -> memref<16384xf32, #tpu.memory_space<hbm>>
    tpu.wait_dma2 semaphore(%arg15 : memref<!tpu.dma_semaphore, #tpu.memory_space<semaphore_mem>>) src(%arg10 : memref<16384xf32, #tpu.memory_space<vmem>>) dst(%dma_wait3A_142 : memref<16384xf32, #tpu.memory_space<hbm>>)
    %add3A_143 = arith.constant 16384 : i32
    %add3A_144 = arith.addi %mul3A_4, %add3A_143 : i32
    %add3A_145 = arith.constant 4194304 : i32
    %add3A_146 = arith.addi %add3A_145, %add3A_144 : i32
    %dma_start3A_147 = tpu.memref_slice %arg2[%add3A_146] : memref<8388608xf32, #tpu.memory_space<hbm>> -> memref<16384xf32, #tpu.memory_space<hbm>>
    %dma_start3A_148 = tpu.memref_slice %arg2[%add3A_146] : memref<8388608xf32, #tpu.memory_space<hbm>> -> memref<16384xf32, #tpu.memory_space<hbm>>
    tpu.enqueue_dma source(%dma_start3A_148 : memref<16384xf32, #tpu.memory_space<hbm>>) target(%arg10 : memref<16384xf32, #tpu.memory_space<vmem>>) target_semaphore(%arg13 : memref<!tpu.dma_semaphore, #tpu.memory_space<semaphore_mem>>)
    %parallel_loop3A_149 = arith.constant 0 : i32
    %parallel_loop3A_150 = arith.constant 1024 : i32
    %parallel_loop3A_151 = arith.constant 1 : i32
    scf.for %parallel_loop3A_366 = %parallel_loop3A_149 to %parallel_loop3A_150 step %parallel_loop3A_151  : i32 {
      %parallel_loop3A_367 = arith.constant 16 : i32
      %parallel_loop3A_368 = arith.muli %parallel_loop3A_366, %parallel_loop3A_367 : i32
      %parallel_loop3A_369 = arith.index_cast %parallel_loop3A_368 : i32 to index
      %parallel_loop3A_370 = tpu.vector_load %arg11[%parallel_loop3A_369] {strides = array<i32>} : memref<16384xf32, #tpu.memory_space<vmem>>, vector<16xf32>,
      %parallel_loop3A_371 = vector.shape_cast %parallel_loop3A_370 : vector<16xf32> to vector<16xf32>
      %parallel_loop3A_372 = arith.index_cast %parallel_loop3A_368 : i32 to index
      %parallel_loop3A_373 = tpu.vector_load %arg7[%parallel_loop3A_372] {strides = array<i32>} : memref<16384xf32, #tpu.memory_space<vmem>>, vector<16xf32>,
      %parallel_loop3A_374 = vector.shape_cast %parallel_loop3A_373 : vector<16xf32> to vector<16xf32>
      %parallel_loop3A_375 = arith.addf %parallel_loop3A_371, %parallel_loop3A_374 : vector<16xf32>
      %parallel_loop3A_376 = arith.index_cast %parallel_loop3A_368 : i32 to index
      %parallel_loop3A_377 = tpu.vector_load %arg11[%parallel_loop3A_376] {strides = array<i32>} : memref<16384xf32, #tpu.memory_space<vmem>>, vector<16xf32>,
      %parallel_loop3A_378 = vector.shape_cast %parallel_loop3A_377 : vector<16xf32> to vector<16xf32>
      %parallel_loop3A_379 = vector.shape_cast %parallel_loop3A_375 : vector<16xf32> to vector<16xf32>
      tpu.vector_store %arg11[%parallel_loop3A_376], %parallel_loop3A_379 {strides = array<i32>} : memref<16384xf32, #tpu.memory_space<vmem>>, vector<16xf32>,
    } {sc.loop_unroll_factor = 8 : i64, sc.parallel_access}
    %add3A_152 = arith.constant 16384 : i32
    %add3A_153 = arith.addi %mul3A_4, %add3A_152 : i32
    %add3A_154 = arith.constant 2097152 : i32
    %add3A_155 = arith.addi %add3A_154, %add3A_153 : i32
    %dma_start3A_156 = tpu.memref_slice %arg5[%add3A_155] : memref<8388608xf32, #tpu.memory_space<hbm>> -> memref<16384xf32, #tpu.memory_space<hbm>>
    %dma_start3A_157 = tpu.memref_slice %arg5[%add3A_155] : memref<8388608xf32, #tpu.memory_space<hbm>> -> memref<16384xf32, #tpu.memory_space<hbm>>
    tpu.enqueue_dma source(%arg11 : memref<16384xf32, #tpu.memory_space<vmem>>) target(%dma_start3A_157 : memref<16384xf32, #tpu.memory_space<hbm>>) target_semaphore(%arg16 : memref<!tpu.dma_semaphore, #tpu.memory_space<semaphore_mem>>)
    %dma_wait3A_158 = tpu.memref_slice %arg2[%add3A_146] : memref<8388608xf32, #tpu.memory_space<hbm>> -> memref<16384xf32, #tpu.memory_space<hbm>>
    %dma_wait3A_159 = tpu.memref_slice %arg2[%add3A_146] : memref<8388608xf32, #tpu.memory_space<hbm>> -> memref<16384xf32, #tpu.memory_space<hbm>>
    tpu.wait_dma2 semaphore(%arg13 : memref<!tpu.dma_semaphore, #tpu.memory_space<semaphore_mem>>) src(%dma_wait3A_159 : memref<16384xf32, #tpu.memory_space<hbm>>) dst(%arg10 : memref<16384xf32, #tpu.memory_space<vmem>>)
    %dma_wait3A_160 = tpu.memref_slice %arg5[%add3A_155] : memref<8388608xf32, #tpu.memory_space<hbm>> -> memref<16384xf32, #tpu.memory_space<hbm>>
    %dma_wait3A_161 = tpu.memref_slice %arg5[%add3A_155] : memref<8388608xf32, #tpu.memory_space<hbm>> -> memref<16384xf32, #tpu.memory_space<hbm>>
    tpu.wait_dma2 semaphore(%arg16 : memref<!tpu.dma_semaphore, #tpu.memory_space<semaphore_mem>>) src(%arg11 : memref<16384xf32, #tpu.memory_space<vmem>>) dst(%dma_wait3A_161 : memref<16384xf32, #tpu.memory_space<hbm>>)
    %add3A_162 = arith.constant 16384 : i32
    %add3A_163 = arith.addi %mul3A_4, %add3A_162 : i32
    %add3A_164 = arith.constant 6291456 : i32
    %add3A_165 = arith.addi %add3A_164, %add3A_163 : i32
    %dma_start3A_166 = tpu.memref_slice %arg2[%add3A_165] : memref<8388608xf32, #tpu.memory_space<hbm>> -> memref<16384xf32, #tpu.memory_space<hbm>>
    %dma_start3A_167 = tpu.memref_slice %arg2[%add3A_165] : memref<8388608xf32, #tpu.memory_space<hbm>> -> memref<16384xf32, #tpu.memory_space<hbm>>
    tpu.enqueue_dma source(%dma_start3A_167 : memref<16384xf32, #tpu.memory_space<hbm>>) target(%arg11 : memref<16384xf32, #tpu.memory_space<vmem>>) target_semaphore(%arg14 : memref<!tpu.dma_semaphore, #tpu.memory_space<semaphore_mem>>)
    %parallel_loop3A_168 = arith.constant 0 : i32
    %parallel_loop3A_169 = arith.constant 1024 : i32
    %parallel_loop3A_170 = arith.constant 1 : i32
    scf.for %parallel_loop3A_366 = %parallel_loop3A_168 to %parallel_loop3A_169 step %parallel_loop3A_170  : i32 {
      %parallel_loop3A_367 = arith.constant 16 : i32
      %parallel_loop3A_368 = arith.muli %parallel_loop3A_366, %parallel_loop3A_367 : i32
      %parallel_loop3A_369 = arith.index_cast %parallel_loop3A_368 : i32 to index
      %parallel_loop3A_370 = tpu.vector_load %arg10[%parallel_loop3A_369] {strides = array<i32>} : memref<16384xf32, #tpu.memory_space<vmem>>, vector<16xf32>,
      %parallel_loop3A_371 = vector.shape_cast %parallel_loop3A_370 : vector<16xf32> to vector<16xf32>
      %parallel_loop3A_372 = arith.index_cast %parallel_loop3A_368 : i32 to index
      %parallel_loop3A_373 = tpu.vector_load %arg7[%parallel_loop3A_372] {strides = array<i32>} : memref<16384xf32, #tpu.memory_space<vmem>>, vector<16xf32>,
      %parallel_loop3A_374 = vector.shape_cast %parallel_loop3A_373 : vector<16xf32> to vector<16xf32>
      %parallel_loop3A_375 = arith.addf %parallel_loop3A_371, %parallel_loop3A_374 : vector<16xf32>
      %parallel_loop3A_376 = arith.index_cast %parallel_loop3A_368 : i32 to index
      %parallel_loop3A_377 = tpu.vector_load %arg10[%parallel_loop3A_376] {strides = array<i32>} : memref<16384xf32, #tpu.memory_space<vmem>>, vector<16xf32>,
      %parallel_loop3A_378 = vector.shape_cast %parallel_loop3A_377 : vector<16xf32> to vector<16xf32>
      %parallel_loop3A_379 = vector.shape_cast %parallel_loop3A_375 : vector<16xf32> to vector<16xf32>
      tpu.vector_store %arg10[%parallel_loop3A_376], %parallel_loop3A_379 {strides = array<i32>} : memref<16384xf32, #tpu.memory_space<vmem>>, vector<16xf32>,
    } {sc.loop_unroll_factor = 8 : i64, sc.parallel_access}
    %add3A_171 = arith.constant 16384 : i32
    %add3A_172 = arith.addi %mul3A_4, %add3A_171 : i32
    %add3A_173 = arith.constant 4194304 : i32
    %add3A_174 = arith.addi %add3A_173, %add3A_172 : i32
    %dma_start3A_175 = tpu.memref_slice %arg5[%add3A_174] : memref<8388608xf32, #tpu.memory_space<hbm>> -> memref<16384xf32, #tpu.memory_space<hbm>>
    %dma_start3A_176 = tpu.memref_slice %arg5[%add3A_174] : memref<8388608xf32, #tpu.memory_space<hbm>> -> memref<16384xf32, #tpu.memory_space<hbm>>
    tpu.enqueue_dma source(%arg10 : memref<16384xf32, #tpu.memory_space<vmem>>) target(%dma_start3A_176 : memref<16384xf32, #tpu.memory_space<hbm>>) target_semaphore(%arg15 : memref<!tpu.dma_semaphore, #tpu.memory_space<semaphore_mem>>)
    %dma_wait3A_177 = tpu.memref_slice %arg2[%add3A_165] : memref<8388608xf32, #tpu.memory_space<hbm>> -> memref<16384xf32, #tpu.memory_space<hbm>>
    %dma_wait3A_178 = tpu.memref_slice %arg2[%add3A_165] : memref<8388608xf32, #tpu.memory_space<hbm>> -> memref<16384xf32, #tpu.memory_space<hbm>>
    tpu.wait_dma2 semaphore(%arg14 : memref<!tpu.dma_semaphore, #tpu.memory_space<semaphore_mem>>) src(%dma_wait3A_178 : memref<16384xf32, #tpu.memory_space<hbm>>) dst(%arg11 : memref<16384xf32, #tpu.memory_space<vmem>>)
    %dma_wait3A_179 = tpu.memref_slice %arg5[%add3A_174] : memref<8388608xf32, #tpu.memory_space<hbm>> -> memref<16384xf32, #tpu.memory_space<hbm>>
    %dma_wait3A_180 = tpu.memref_slice %arg5[%add3A_174] : memref<8388608xf32, #tpu.memory_space<hbm>> -> memref<16384xf32, #tpu.memory_space<hbm>>
    tpu.wait_dma2 semaphore(%arg15 : memref<!tpu.dma_semaphore, #tpu.memory_space<semaphore_mem>>) src(%arg10 : memref<16384xf32, #tpu.memory_space<vmem>>) dst(%dma_wait3A_180 : memref<16384xf32, #tpu.memory_space<hbm>>)
    %add3A_181 = arith.constant 32768 : i32
    %add3A_182 = arith.addi %mul3A_4, %add3A_181 : i32
    %add3A_183 = arith.constant 0 : i32
    %add3A_184 = arith.addi %add3A_183, %add3A_182 : i32
    %dma_start3A_185 = tpu.memref_slice %arg2[%add3A_184] : memref<8388608xf32, #tpu.memory_space<hbm>> -> memref<16384xf32, #tpu.memory_space<hbm>>
    %dma_start3A_186 = tpu.memref_slice %arg2[%add3A_184] : memref<8388608xf32, #tpu.memory_space<hbm>> -> memref<16384xf32, #tpu.memory_space<hbm>>
    tpu.enqueue_dma source(%dma_start3A_186 : memref<16384xf32, #tpu.memory_space<hbm>>) target(%arg10 : memref<16384xf32, #tpu.memory_space<vmem>>) target_semaphore(%arg13 : memref<!tpu.dma_semaphore, #tpu.memory_space<semaphore_mem>>)
    %parallel_loop3A_187 = arith.constant 0 : i32
    %parallel_loop3A_188 = arith.constant 1024 : i32
    %parallel_loop3A_189 = arith.constant 1 : i32
    scf.for %parallel_loop3A_366 = %parallel_loop3A_187 to %parallel_loop3A_188 step %parallel_loop3A_189  : i32 {
      %parallel_loop3A_367 = arith.constant 16 : i32
      %parallel_loop3A_368 = arith.muli %parallel_loop3A_366, %parallel_loop3A_367 : i32
      %parallel_loop3A_369 = arith.index_cast %parallel_loop3A_368 : i32 to index
      %parallel_loop3A_370 = tpu.vector_load %arg11[%parallel_loop3A_369] {strides = array<i32>} : memref<16384xf32, #tpu.memory_space<vmem>>, vector<16xf32>,
      %parallel_loop3A_371 = vector.shape_cast %parallel_loop3A_370 : vector<16xf32> to vector<16xf32>
      %parallel_loop3A_372 = arith.index_cast %parallel_loop3A_368 : i32 to index
      %parallel_loop3A_373 = tpu.vector_load %arg7[%parallel_loop3A_372] {strides = array<i32>} : memref<16384xf32, #tpu.memory_space<vmem>>, vector<16xf32>,
      %parallel_loop3A_374 = vector.shape_cast %parallel_loop3A_373 : vector<16xf32> to vector<16xf32>
      %parallel_loop3A_375 = arith.addf %parallel_loop3A_371, %parallel_loop3A_374 : vector<16xf32>
      %parallel_loop3A_376 = arith.index_cast %parallel_loop3A_368 : i32 to index
      %parallel_loop3A_377 = tpu.vector_load %arg11[%parallel_loop3A_376] {strides = array<i32>} : memref<16384xf32, #tpu.memory_space<vmem>>, vector<16xf32>,
      %parallel_loop3A_378 = vector.shape_cast %parallel_loop3A_377 : vector<16xf32> to vector<16xf32>
      %parallel_loop3A_379 = vector.shape_cast %parallel_loop3A_375 : vector<16xf32> to vector<16xf32>
      tpu.vector_store %arg11[%parallel_loop3A_376], %parallel_loop3A_379 {strides = array<i32>} : memref<16384xf32, #tpu.memory_space<vmem>>, vector<16xf32>,
    } {sc.loop_unroll_factor = 8 : i64, sc.parallel_access}
    %add3A_190 = arith.constant 16384 : i32
    %add3A_191 = arith.addi %mul3A_4, %add3A_190 : i32
    %add3A_192 = arith.constant 6291456 : i32
    %add3A_193 = arith.addi %add3A_192, %add3A_191 : i32
    %dma_start3A_194 = tpu.memref_slice %arg5[%add3A_193] : memref<8388608xf32, #tpu.memory_space<hbm>> -> memref<16384xf32, #tpu.memory_space<hbm>>
    %dma_start3A_195 = tpu.memref_slice %arg5[%add3A_193] : memref<8388608xf32, #tpu.memory_space<hbm>> -> memref<16384xf32, #tpu.memory_space<hbm>>
    tpu.enqueue_dma source(%arg11 : memref<16384xf32, #tpu.memory_space<vmem>>) target(%dma_start3A_195 : memref<16384xf32, #tpu.memory_space<hbm>>) target_semaphore(%arg16 : memref<!tpu.dma_semaphore, #tpu.memory_space<semaphore_mem>>)
    %dma_wait3A_196 = tpu.memref_slice %arg3[%add3A_110] : memref<2097152xf32, #tpu.memory_space<hbm>> -> memref<16384xf32, #tpu.memory_space<hbm>>
    %dma_wait3A_197 = tpu.memref_slice %arg3[%add3A_110] : memref<2097152xf32, #tpu.memory_space<hbm>> -> memref<16384xf32, #tpu.memory_space<hbm>>
    tpu.wait_dma2 semaphore(%arg12 : memref<!tpu.dma_semaphore, #tpu.memory_space<semaphore_mem>>) src(%dma_wait3A_197 : memref<16384xf32, #tpu.memory_space<hbm>>) dst(%arg6 : memref<16384xf32, #tpu.memory_space<vmem>>)
    %dma_wait3A_198 = tpu.memref_slice %arg4[%add3A_114] : memref<2097152xf32, #tpu.memory_space<hbm>> -> memref<16384xf32, #tpu.memory_space<hbm>>
    %dma_wait3A_199 = tpu.memref_slice %arg4[%add3A_114] : memref<2097152xf32, #tpu.memory_space<hbm>> -> memref<16384xf32, #tpu.memory_space<hbm>>
    tpu.wait_dma2 semaphore(%arg12 : memref<!tpu.dma_semaphore, #tpu.memory_space<semaphore_mem>>) src(%dma_wait3A_199 : memref<16384xf32, #tpu.memory_space<hbm>>) dst(%arg8 : memref<16384xf32, #tpu.memory_space<vmem>>)
    %add3A_200 = arith.constant 49152 : i32
    %add3A_201 = arith.addi %mul3A_4, %add3A_200 : i32
    %dma_start3A_202 = tpu.memref_slice %arg3[%add3A_201] : memref<2097152xf32, #tpu.memory_space<hbm>> -> memref<16384xf32, #tpu.memory_space<hbm>>
    %dma_start3A_203 = tpu.memref_slice %arg3[%add3A_201] : memref<2097152xf32, #tpu.memory_space<hbm>> -> memref<16384xf32, #tpu.memory_space<hbm>>
    tpu.enqueue_dma source(%dma_start3A_203 : memref<16384xf32, #tpu.memory_space<hbm>>) target(%arg7 : memref<16384xf32, #tpu.memory_space<vmem>>) target_semaphore(%arg12 : memref<!tpu.dma_semaphore, #tpu.memory_space<semaphore_mem>>)
    %add3A_204 = arith.constant 49152 : i32
    %add3A_205 = arith.addi %mul3A_4, %add3A_204 : i32
    %dma_start3A_206 = tpu.memref_slice %arg4[%add3A_205] : memref<2097152xf32, #tpu.memory_space<hbm>> -> memref<16384xf32, #tpu.memory_space<hbm>>
    %dma_start3A_207 = tpu.memref_slice %arg4[%add3A_205] : memref<2097152xf32, #tpu.memory_space<hbm>> -> memref<16384xf32, #tpu.memory_space<hbm>>
    tpu.enqueue_dma source(%dma_start3A_207 : memref<16384xf32, #tpu.memory_space<hbm>>) target(%arg9 : memref<16384xf32, #tpu.memory_space<vmem>>) target_semaphore(%arg12 : memref<!tpu.dma_semaphore, #tpu.memory_space<semaphore_mem>>)
    %parallel_loop3A_208 = arith.constant 0 : i32
    %parallel_loop3A_209 = arith.constant 1024 : i32
    %parallel_loop3A_210 = arith.constant 1 : i32
    scf.for %parallel_loop3A_366 = %parallel_loop3A_208 to %parallel_loop3A_209 step %parallel_loop3A_210  : i32 {
      %parallel_loop3A_367 = arith.constant 16 : i32
      %parallel_loop3A_368 = arith.muli %parallel_loop3A_366, %parallel_loop3A_367 : i32
      %parallel_loop3A_369 = arith.index_cast %parallel_loop3A_368 : i32 to index
      %parallel_loop3A_370 = tpu.vector_load %arg6[%parallel_loop3A_369] {strides = array<i32>} : memref<16384xf32, #tpu.memory_space<vmem>>, vector<16xf32>,
      %parallel_loop3A_371 = vector.shape_cast %parallel_loop3A_370 : vector<16xf32> to vector<16xf32>
      %parallel_loop3A_372 = arith.constant 0.699999988 : f32
      %parallel_loop3A_373 = vector.broadcast %parallel_loop3A_372 : f32 to vector<16xf32>
      %parallel_loop3A_374 = arith.mulf %parallel_loop3A_373, %parallel_loop3A_371 : vector<16xf32>
      %parallel_loop3A_375 = arith.index_cast %parallel_loop3A_368 : i32 to index
      %parallel_loop3A_376 = tpu.vector_load %arg8[%parallel_loop3A_375] {strides = array<i32>} : memref<16384xf32, #tpu.memory_space<vmem>>, vector<16xf32>,
      %parallel_loop3A_377 = vector.shape_cast %parallel_loop3A_376 : vector<16xf32> to vector<16xf32>
      %parallel_loop3A_378 = arith.constant 3.000000e-01 : f32
      %parallel_loop3A_379 = vector.broadcast %parallel_loop3A_378 : f32 to vector<16xf32>
      %parallel_loop3A_380 = arith.mulf %parallel_loop3A_379, %parallel_loop3A_377 : vector<16xf32>
      %parallel_loop3A_381 = arith.addf %parallel_loop3A_374, %parallel_loop3A_380 : vector<16xf32>
      %parallel_loop3A_382 = arith.index_cast %parallel_loop3A_368 : i32 to index
      %parallel_loop3A_383 = tpu.vector_load %arg6[%parallel_loop3A_382] {strides = array<i32>} : memref<16384xf32, #tpu.memory_space<vmem>>, vector<16xf32>,
      %parallel_loop3A_384 = vector.shape_cast %parallel_loop3A_383 : vector<16xf32> to vector<16xf32>
      %parallel_loop3A_385 = vector.shape_cast %parallel_loop3A_381 : vector<16xf32> to vector<16xf32>
      tpu.vector_store %arg6[%parallel_loop3A_382], %parallel_loop3A_385 {strides = array<i32>} : memref<16384xf32, #tpu.memory_space<vmem>>, vector<16xf32>,
    } {sc.loop_unroll_factor = 8 : i64, sc.parallel_access}
    %dma_wait3A_211 = tpu.memref_slice %arg2[%add3A_184] : memref<8388608xf32, #tpu.memory_space<hbm>> -> memref<16384xf32, #tpu.memory_space<hbm>>
    %dma_wait3A_212 = tpu.memref_slice %arg2[%add3A_184] : memref<8388608xf32, #tpu.memory_space<hbm>> -> memref<16384xf32, #tpu.memory_space<hbm>>
    tpu.wait_dma2 semaphore(%arg13 : memref<!tpu.dma_semaphore, #tpu.memory_space<semaphore_mem>>) src(%dma_wait3A_212 : memref<16384xf32, #tpu.memory_space<hbm>>) dst(%arg10 : memref<16384xf32, #tpu.memory_space<vmem>>)
    %dma_wait3A_213 = tpu.memref_slice %arg5[%add3A_193] : memref<8388608xf32, #tpu.memory_space<hbm>> -> memref<16384xf32, #tpu.memory_space<hbm>>
    %dma_wait3A_214 = tpu.memref_slice %arg5[%add3A_193] : memref<8388608xf32, #tpu.memory_space<hbm>> -> memref<16384xf32, #tpu.memory_space<hbm>>
    tpu.wait_dma2 semaphore(%arg16 : memref<!tpu.dma_semaphore, #tpu.memory_space<semaphore_mem>>) src(%arg11 : memref<16384xf32, #tpu.memory_space<vmem>>) dst(%dma_wait3A_214 : memref<16384xf32, #tpu.memory_space<hbm>>)
    %add3A_215 = arith.constant 32768 : i32
    %add3A_216 = arith.addi %mul3A_4, %add3A_215 : i32
    %add3A_217 = arith.constant 2097152 : i32
    %add3A_218 = arith.addi %add3A_217, %add3A_216 : i32
    %dma_start3A_219 = tpu.memref_slice %arg2[%add3A_218] : memref<8388608xf32, #tpu.memory_space<hbm>> -> memref<16384xf32, #tpu.memory_space<hbm>>
    %dma_start3A_220 = tpu.memref_slice %arg2[%add3A_218] : memref<8388608xf32, #tpu.memory_space<hbm>> -> memref<16384xf32, #tpu.memory_space<hbm>>
    tpu.enqueue_dma source(%dma_start3A_220 : memref<16384xf32, #tpu.memory_space<hbm>>) target(%arg11 : memref<16384xf32, #tpu.memory_space<vmem>>) target_semaphore(%arg14 : memref<!tpu.dma_semaphore, #tpu.memory_space<semaphore_mem>>)
    %parallel_loop3A_221 = arith.constant 0 : i32
    %parallel_loop3A_222 = arith.constant 1024 : i32
    %parallel_loop3A_223 = arith.constant 1 : i32
    scf.for %parallel_loop3A_366 = %parallel_loop3A_221 to %parallel_loop3A_222 step %parallel_loop3A_223  : i32 {
      %parallel_loop3A_367 = arith.constant 16 : i32
      %parallel_loop3A_368 = arith.muli %parallel_loop3A_366, %parallel_loop3A_367 : i32
      %parallel_loop3A_369 = arith.index_cast %parallel_loop3A_368 : i32 to index
      %parallel_loop3A_370 = tpu.vector_load %arg10[%parallel_loop3A_369] {strides = array<i32>} : memref<16384xf32, #tpu.memory_space<vmem>>, vector<16xf32>,
      %parallel_loop3A_371 = vector.shape_cast %parallel_loop3A_370 : vector<16xf32> to vector<16xf32>
      %parallel_loop3A_372 = arith.index_cast %parallel_loop3A_368 : i32 to index
      %parallel_loop3A_373 = tpu.vector_load %arg6[%parallel_loop3A_372] {strides = array<i32>} : memref<16384xf32, #tpu.memory_space<vmem>>, vector<16xf32>,
      %parallel_loop3A_374 = vector.shape_cast %parallel_loop3A_373 : vector<16xf32> to vector<16xf32>
      %parallel_loop3A_375 = arith.addf %parallel_loop3A_371, %parallel_loop3A_374 : vector<16xf32>
      %parallel_loop3A_376 = arith.index_cast %parallel_loop3A_368 : i32 to index
      %parallel_loop3A_377 = tpu.vector_load %arg10[%parallel_loop3A_376] {strides = array<i32>} : memref<16384xf32, #tpu.memory_space<vmem>>, vector<16xf32>,
      %parallel_loop3A_378 = vector.shape_cast %parallel_loop3A_377 : vector<16xf32> to vector<16xf32>
      %parallel_loop3A_379 = vector.shape_cast %parallel_loop3A_375 : vector<16xf32> to vector<16xf32>
      tpu.vector_store %arg10[%parallel_loop3A_376], %parallel_loop3A_379 {strides = array<i32>} : memref<16384xf32, #tpu.memory_space<vmem>>, vector<16xf32>,
    } {sc.loop_unroll_factor = 8 : i64, sc.parallel_access}
    %add3A_224 = arith.constant 32768 : i32
    %add3A_225 = arith.addi %mul3A_4, %add3A_224 : i32
    %add3A_226 = arith.constant 0 : i32
    %add3A_227 = arith.addi %add3A_226, %add3A_225 : i32
    %dma_start3A_228 = tpu.memref_slice %arg5[%add3A_227] : memref<8388608xf32, #tpu.memory_space<hbm>> -> memref<16384xf32, #tpu.memory_space<hbm>>
    %dma_start3A_229 = tpu.memref_slice %arg5[%add3A_227] : memref<8388608xf32, #tpu.memory_space<hbm>> -> memref<16384xf32, #tpu.memory_space<hbm>>
    tpu.enqueue_dma source(%arg10 : memref<16384xf32, #tpu.memory_space<vmem>>) target(%dma_start3A_229 : memref<16384xf32, #tpu.memory_space<hbm>>) target_semaphore(%arg15 : memref<!tpu.dma_semaphore, #tpu.memory_space<semaphore_mem>>)
    %dma_wait3A_230 = tpu.memref_slice %arg2[%add3A_218] : memref<8388608xf32, #tpu.memory_space<hbm>> -> memref<16384xf32, #tpu.memory_space<hbm>>
    %dma_wait3A_231 = tpu.memref_slice %arg2[%add3A_218] : memref<8388608xf32, #tpu.memory_space<hbm>> -> memref<16384xf32, #tpu.memory_space<hbm>>
    tpu.wait_dma2 semaphore(%arg14 : memref<!tpu.dma_semaphore, #tpu.memory_space<semaphore_mem>>) src(%dma_wait3A_231 : memref<16384xf32, #tpu.memory_space<hbm>>) dst(%arg11 : memref<16384xf32, #tpu.memory_space<vmem>>)
    %dma_wait3A_232 = tpu.memref_slice %arg5[%add3A_227] : memref<8388608xf32, #tpu.memory_space<hbm>> -> memref<16384xf32, #tpu.memory_space<hbm>>
    %dma_wait3A_233 = tpu.memref_slice %arg5[%add3A_227] : memref<8388608xf32, #tpu.memory_space<hbm>> -> memref<16384xf32, #tpu.memory_space<hbm>>
    tpu.wait_dma2 semaphore(%arg15 : memref<!tpu.dma_semaphore, #tpu.memory_space<semaphore_mem>>) src(%arg10 : memref<16384xf32, #tpu.memory_space<vmem>>) dst(%dma_wait3A_233 : memref<16384xf32, #tpu.memory_space<hbm>>)
    %add3A_234 = arith.constant 32768 : i32
    %add3A_235 = arith.addi %mul3A_4, %add3A_234 : i32
    %add3A_236 = arith.constant 4194304 : i32
    %add3A_237 = arith.addi %add3A_236, %add3A_235 : i32
    %dma_start3A_238 = tpu.memref_slice %arg2[%add3A_237] : memref<8388608xf32, #tpu.memory_space<hbm>> -> memref<16384xf32, #tpu.memory_space<hbm>>
    %dma_start3A_239 = tpu.memref_slice %arg2[%add3A_237] : memref<8388608xf32, #tpu.memory_space<hbm>> -> memref<16384xf32, #tpu.memory_space<hbm>>
    tpu.enqueue_dma source(%dma_start3A_239 : memref<16384xf32, #tpu.memory_space<hbm>>) target(%arg10 : memref<16384xf32, #tpu.memory_space<vmem>>) target_semaphore(%arg13 : memref<!tpu.dma_semaphore, #tpu.memory_space<semaphore_mem>>)
    %parallel_loop3A_240 = arith.constant 0 : i32
    %parallel_loop3A_241 = arith.constant 1024 : i32
    %parallel_loop3A_242 = arith.constant 1 : i32
    scf.for %parallel_loop3A_366 = %parallel_loop3A_240 to %parallel_loop3A_241 step %parallel_loop3A_242  : i32 {
      %parallel_loop3A_367 = arith.constant 16 : i32
      %parallel_loop3A_368 = arith.muli %parallel_loop3A_366, %parallel_loop3A_367 : i32
      %parallel_loop3A_369 = arith.index_cast %parallel_loop3A_368 : i32 to index
      %parallel_loop3A_370 = tpu.vector_load %arg11[%parallel_loop3A_369] {strides = array<i32>} : memref<16384xf32, #tpu.memory_space<vmem>>, vector<16xf32>,
      %parallel_loop3A_371 = vector.shape_cast %parallel_loop3A_370 : vector<16xf32> to vector<16xf32>
      %parallel_loop3A_372 = arith.index_cast %parallel_loop3A_368 : i32 to index
      %parallel_loop3A_373 = tpu.vector_load %arg6[%parallel_loop3A_372] {strides = array<i32>} : memref<16384xf32, #tpu.memory_space<vmem>>, vector<16xf32>,
      %parallel_loop3A_374 = vector.shape_cast %parallel_loop3A_373 : vector<16xf32> to vector<16xf32>
      %parallel_loop3A_375 = arith.addf %parallel_loop3A_371, %parallel_loop3A_374 : vector<16xf32>
      %parallel_loop3A_376 = arith.index_cast %parallel_loop3A_368 : i32 to index
      %parallel_loop3A_377 = tpu.vector_load %arg11[%parallel_loop3A_376] {strides = array<i32>} : memref<16384xf32, #tpu.memory_space<vmem>>, vector<16xf32>,
      %parallel_loop3A_378 = vector.shape_cast %parallel_loop3A_377 : vector<16xf32> to vector<16xf32>
      %parallel_loop3A_379 = vector.shape_cast %parallel_loop3A_375 : vector<16xf32> to vector<16xf32>
      tpu.vector_store %arg11[%parallel_loop3A_376], %parallel_loop3A_379 {strides = array<i32>} : memref<16384xf32, #tpu.memory_space<vmem>>, vector<16xf32>,
    } {sc.loop_unroll_factor = 8 : i64, sc.parallel_access}
    %add3A_243 = arith.constant 32768 : i32
    %add3A_244 = arith.addi %mul3A_4, %add3A_243 : i32
    %add3A_245 = arith.constant 2097152 : i32
    %add3A_246 = arith.addi %add3A_245, %add3A_244 : i32
    %dma_start3A_247 = tpu.memref_slice %arg5[%add3A_246] : memref<8388608xf32, #tpu.memory_space<hbm>> -> memref<16384xf32, #tpu.memory_space<hbm>>
    %dma_start3A_248 = tpu.memref_slice %arg5[%add3A_246] : memref<8388608xf32, #tpu.memory_space<hbm>> -> memref<16384xf32, #tpu.memory_space<hbm>>
    tpu.enqueue_dma source(%arg11 : memref<16384xf32, #tpu.memory_space<vmem>>) target(%dma_start3A_248 : memref<16384xf32, #tpu.memory_space<hbm>>) target_semaphore(%arg16 : memref<!tpu.dma_semaphore, #tpu.memory_space<semaphore_mem>>)
    %dma_wait3A_249 = tpu.memref_slice %arg2[%add3A_237] : memref<8388608xf32, #tpu.memory_space<hbm>> -> memref<16384xf32, #tpu.memory_space<hbm>>
    %dma_wait3A_250 = tpu.memref_slice %arg2[%add3A_237] : memref<8388608xf32, #tpu.memory_space<hbm>> -> memref<16384xf32, #tpu.memory_space<hbm>>
    tpu.wait_dma2 semaphore(%arg13 : memref<!tpu.dma_semaphore, #tpu.memory_space<semaphore_mem>>) src(%dma_wait3A_250 : memref<16384xf32, #tpu.memory_space<hbm>>) dst(%arg10 : memref<16384xf32, #tpu.memory_space<vmem>>)
    %dma_wait3A_251 = tpu.memref_slice %arg5[%add3A_246] : memref<8388608xf32, #tpu.memory_space<hbm>> -> memref<16384xf32, #tpu.memory_space<hbm>>
    %dma_wait3A_252 = tpu.memref_slice %arg5[%add3A_246] : memref<8388608xf32, #tpu.memory_space<hbm>> -> memref<16384xf32, #tpu.memory_space<hbm>>
    tpu.wait_dma2 semaphore(%arg16 : memref<!tpu.dma_semaphore, #tpu.memory_space<semaphore_mem>>) src(%arg11 : memref<16384xf32, #tpu.memory_space<vmem>>) dst(%dma_wait3A_252 : memref<16384xf32, #tpu.memory_space<hbm>>)
    %add3A_253 = arith.constant 32768 : i32
    %add3A_254 = arith.addi %mul3A_4, %add3A_253 : i32
    %add3A_255 = arith.constant 6291456 : i32
    %add3A_256 = arith.addi %add3A_255, %add3A_254 : i32
    %dma_start3A_257 = tpu.memref_slice %arg2[%add3A_256] : memref<8388608xf32, #tpu.memory_space<hbm>> -> memref<16384xf32, #tpu.memory_space<hbm>>
    %dma_start3A_258 = tpu.memref_slice %arg2[%add3A_256] : memref<8388608xf32, #tpu.memory_space<hbm>> -> memref<16384xf32, #tpu.memory_space<hbm>>
    tpu.enqueue_dma source(%dma_start3A_258 : memref<16384xf32, #tpu.memory_space<hbm>>) target(%arg11 : memref<16384xf32, #tpu.memory_space<vmem>>) target_semaphore(%arg14 : memref<!tpu.dma_semaphore, #tpu.memory_space<semaphore_mem>>)
    %parallel_loop3A_259 = arith.constant 0 : i32
    %parallel_loop3A_260 = arith.constant 1024 : i32
    %parallel_loop3A_261 = arith.constant 1 : i32
    scf.for %parallel_loop3A_366 = %parallel_loop3A_259 to %parallel_loop3A_260 step %parallel_loop3A_261  : i32 {
      %parallel_loop3A_367 = arith.constant 16 : i32
      %parallel_loop3A_368 = arith.muli %parallel_loop3A_366, %parallel_loop3A_367 : i32
      %parallel_loop3A_369 = arith.index_cast %parallel_loop3A_368 : i32 to index
      %parallel_loop3A_370 = tpu.vector_load %arg10[%parallel_loop3A_369] {strides = array<i32>} : memref<16384xf32, #tpu.memory_space<vmem>>, vector<16xf32>,
      %parallel_loop3A_371 = vector.shape_cast %parallel_loop3A_370 : vector<16xf32> to vector<16xf32>
      %parallel_loop3A_372 = arith.index_cast %parallel_loop3A_368 : i32 to index
      %parallel_loop3A_373 = tpu.vector_load %arg6[%parallel_loop3A_372] {strides = array<i32>} : memref<16384xf32, #tpu.memory_space<vmem>>, vector<16xf32>,
      %parallel_loop3A_374 = vector.shape_cast %parallel_loop3A_373 : vector<16xf32> to vector<16xf32>
      %parallel_loop3A_375 = arith.addf %parallel_loop3A_371, %parallel_loop3A_374 : vector<16xf32>
      %parallel_loop3A_376 = arith.index_cast %parallel_loop3A_368 : i32 to index
      %parallel_loop3A_377 = tpu.vector_load %arg10[%parallel_loop3A_376] {strides = array<i32>} : memref<16384xf32, #tpu.memory_space<vmem>>, vector<16xf32>,
      %parallel_loop3A_378 = vector.shape_cast %parallel_loop3A_377 : vector<16xf32> to vector<16xf32>
      %parallel_loop3A_379 = vector.shape_cast %parallel_loop3A_375 : vector<16xf32> to vector<16xf32>
      tpu.vector_store %arg10[%parallel_loop3A_376], %parallel_loop3A_379 {strides = array<i32>} : memref<16384xf32, #tpu.memory_space<vmem>>, vector<16xf32>,
    } {sc.loop_unroll_factor = 8 : i64, sc.parallel_access}
    %add3A_262 = arith.constant 32768 : i32
    %add3A_263 = arith.addi %mul3A_4, %add3A_262 : i32
    %add3A_264 = arith.constant 4194304 : i32
    %add3A_265 = arith.addi %add3A_264, %add3A_263 : i32
    %dma_start3A_266 = tpu.memref_slice %arg5[%add3A_265] : memref<8388608xf32, #tpu.memory_space<hbm>> -> memref<16384xf32, #tpu.memory_space<hbm>>
    %dma_start3A_267 = tpu.memref_slice %arg5[%add3A_265] : memref<8388608xf32, #tpu.memory_space<hbm>> -> memref<16384xf32, #tpu.memory_space<hbm>>
    tpu.enqueue_dma source(%arg10 : memref<16384xf32, #tpu.memory_space<vmem>>) target(%dma_start3A_267 : memref<16384xf32, #tpu.memory_space<hbm>>) target_semaphore(%arg15 : memref<!tpu.dma_semaphore, #tpu.memory_space<semaphore_mem>>)
    %dma_wait3A_268 = tpu.memref_slice %arg2[%add3A_256] : memref<8388608xf32, #tpu.memory_space<hbm>> -> memref<16384xf32, #tpu.memory_space<hbm>>
    %dma_wait3A_269 = tpu.memref_slice %arg2[%add3A_256] : memref<8388608xf32, #tpu.memory_space<hbm>> -> memref<16384xf32, #tpu.memory_space<hbm>>
    tpu.wait_dma2 semaphore(%arg14 : memref<!tpu.dma_semaphore, #tpu.memory_space<semaphore_mem>>) src(%dma_wait3A_269 : memref<16384xf32, #tpu.memory_space<hbm>>) dst(%arg11 : memref<16384xf32, #tpu.memory_space<vmem>>)
    %dma_wait3A_270 = tpu.memref_slice %arg5[%add3A_265] : memref<8388608xf32, #tpu.memory_space<hbm>> -> memref<16384xf32, #tpu.memory_space<hbm>>
    %dma_wait3A_271 = tpu.memref_slice %arg5[%add3A_265] : memref<8388608xf32, #tpu.memory_space<hbm>> -> memref<16384xf32, #tpu.memory_space<hbm>>
    tpu.wait_dma2 semaphore(%arg15 : memref<!tpu.dma_semaphore, #tpu.memory_space<semaphore_mem>>) src(%arg10 : memref<16384xf32, #tpu.memory_space<vmem>>) dst(%dma_wait3A_271 : memref<16384xf32, #tpu.memory_space<hbm>>)
    %add3A_272 = arith.constant 49152 : i32
    %add3A_273 = arith.addi %mul3A_4, %add3A_272 : i32
    %add3A_274 = arith.constant 0 : i32
    %add3A_275 = arith.addi %add3A_274, %add3A_273 : i32
    %dma_start3A_276 = tpu.memref_slice %arg2[%add3A_275] : memref<8388608xf32, #tpu.memory_space<hbm>> -> memref<16384xf32, #tpu.memory_space<hbm>>
    %dma_start3A_277 = tpu.memref_slice %arg2[%add3A_275] : memref<8388608xf32, #tpu.memory_space<hbm>> -> memref<16384xf32, #tpu.memory_space<hbm>>
    tpu.enqueue_dma source(%dma_start3A_277 : memref<16384xf32, #tpu.memory_space<hbm>>) target(%arg10 : memref<16384xf32, #tpu.memory_space<vmem>>) target_semaphore(%arg13 : memref<!tpu.dma_semaphore, #tpu.memory_space<semaphore_mem>>)
    %parallel_loop3A_278 = arith.constant 0 : i32
    %parallel_loop3A_279 = arith.constant 1024 : i32
    %parallel_loop3A_280 = arith.constant 1 : i32
    scf.for %parallel_loop3A_366 = %parallel_loop3A_278 to %parallel_loop3A_279 step %parallel_loop3A_280  : i32 {
      %parallel_loop3A_367 = arith.constant 16 : i32
      %parallel_loop3A_368 = arith.muli %parallel_loop3A_366, %parallel_loop3A_367 : i32
      %parallel_loop3A_369 = arith.index_cast %parallel_loop3A_368 : i32 to index
      %parallel_loop3A_370 = tpu.vector_load %arg11[%parallel_loop3A_369] {strides = array<i32>} : memref<16384xf32, #tpu.memory_space<vmem>>, vector<16xf32>,
      %parallel_loop3A_371 = vector.shape_cast %parallel_loop3A_370 : vector<16xf32> to vector<16xf32>
      %parallel_loop3A_372 = arith.index_cast %parallel_loop3A_368 : i32 to index
      %parallel_loop3A_373 = tpu.vector_load %arg6[%parallel_loop3A_372] {strides = array<i32>} : memref<16384xf32, #tpu.memory_space<vmem>>, vector<16xf32>,
      %parallel_loop3A_374 = vector.shape_cast %parallel_loop3A_373 : vector<16xf32> to vector<16xf32>
      %parallel_loop3A_375 = arith.addf %parallel_loop3A_371, %parallel_loop3A_374 : vector<16xf32>
      %parallel_loop3A_376 = arith.index_cast %parallel_loop3A_368 : i32 to index
      %parallel_loop3A_377 = tpu.vector_load %arg11[%parallel_loop3A_376] {strides = array<i32>} : memref<16384xf32, #tpu.memory_space<vmem>>, vector<16xf32>,
      %parallel_loop3A_378 = vector.shape_cast %parallel_loop3A_377 : vector<16xf32> to vector<16xf32>
      %parallel_loop3A_379 = vector.shape_cast %parallel_loop3A_375 : vector<16xf32> to vector<16xf32>
      tpu.vector_store %arg11[%parallel_loop3A_376], %parallel_loop3A_379 {strides = array<i32>} : memref<16384xf32, #tpu.memory_space<vmem>>, vector<16xf32>,
    } {sc.loop_unroll_factor = 8 : i64, sc.parallel_access}
    %add3A_281 = arith.constant 32768 : i32
    %add3A_282 = arith.addi %mul3A_4, %add3A_281 : i32
    %add3A_283 = arith.constant 6291456 : i32
    %add3A_284 = arith.addi %add3A_283, %add3A_282 : i32
    %dma_start3A_285 = tpu.memref_slice %arg5[%add3A_284] : memref<8388608xf32, #tpu.memory_space<hbm>> -> memref<16384xf32, #tpu.memory_space<hbm>>
    %dma_start3A_286 = tpu.memref_slice %arg5[%add3A_284] : memref<8388608xf32, #tpu.memory_space<hbm>> -> memref<16384xf32, #tpu.memory_space<hbm>>
    tpu.enqueue_dma source(%arg11 : memref<16384xf32, #tpu.memory_space<vmem>>) target(%dma_start3A_286 : memref<16384xf32, #tpu.memory_space<hbm>>) target_semaphore(%arg16 : memref<!tpu.dma_semaphore, #tpu.memory_space<semaphore_mem>>)
    %dma_wait3A_287 = tpu.memref_slice %arg3[%add3A_201] : memref<2097152xf32, #tpu.memory_space<hbm>> -> memref<16384xf32, #tpu.memory_space<hbm>>
    %dma_wait3A_288 = tpu.memref_slice %arg3[%add3A_201] : memref<2097152xf32, #tpu.memory_space<hbm>> -> memref<16384xf32, #tpu.memory_space<hbm>>
    tpu.wait_dma2 semaphore(%arg12 : memref<!tpu.dma_semaphore, #tpu.memory_space<semaphore_mem>>) src(%dma_wait3A_288 : memref<16384xf32, #tpu.memory_space<hbm>>) dst(%arg7 : memref<16384xf32, #tpu.memory_space<vmem>>)
    %dma_wait3A_289 = tpu.memref_slice %arg4[%add3A_205] : memref<2097152xf32, #tpu.memory_space<hbm>> -> memref<16384xf32, #tpu.memory_space<hbm>>
    %dma_wait3A_290 = tpu.memref_slice %arg4[%add3A_205] : memref<2097152xf32, #tpu.memory_space<hbm>> -> memref<16384xf32, #tpu.memory_space<hbm>>
    tpu.wait_dma2 semaphore(%arg12 : memref<!tpu.dma_semaphore, #tpu.memory_space<semaphore_mem>>) src(%dma_wait3A_290 : memref<16384xf32, #tpu.memory_space<hbm>>) dst(%arg9 : memref<16384xf32, #tpu.memory_space<vmem>>)
    %parallel_loop3A_291 = arith.constant 0 : i32
    %parallel_loop3A_292 = arith.constant 1024 : i32
    %parallel_loop3A_293 = arith.constant 1 : i32
    scf.for %parallel_loop3A_366 = %parallel_loop3A_291 to %parallel_loop3A_292 step %parallel_loop3A_293  : i32 {
      %parallel_loop3A_367 = arith.constant 16 : i32
      %parallel_loop3A_368 = arith.muli %parallel_loop3A_366, %parallel_loop3A_367 : i32
      %parallel_loop3A_369 = arith.index_cast %parallel_loop3A_368 : i32 to index
      %parallel_loop3A_370 = tpu.vector_load %arg7[%parallel_loop3A_369] {strides = array<i32>} : memref<16384xf32, #tpu.memory_space<vmem>>, vector<16xf32>,
      %parallel_loop3A_371 = vector.shape_cast %parallel_loop3A_370 : vector<16xf32> to vector<16xf32>
      %parallel_loop3A_372 = arith.constant 0.699999988 : f32
      %parallel_loop3A_373 = vector.broadcast %parallel_loop3A_372 : f32 to vector<16xf32>
      %parallel_loop3A_374 = arith.mulf %parallel_loop3A_373, %parallel_loop3A_371 : vector<16xf32>
      %parallel_loop3A_375 = arith.index_cast %parallel_loop3A_368 : i32 to index
      %parallel_loop3A_376 = tpu.vector_load %arg9[%parallel_loop3A_375] {strides = array<i32>} : memref<16384xf32, #tpu.memory_space<vmem>>, vector<16xf32>,
      %parallel_loop3A_377 = vector.shape_cast %parallel_loop3A_376 : vector<16xf32> to vector<16xf32>
      %parallel_loop3A_378 = arith.constant 3.000000e-01 : f32
      %parallel_loop3A_379 = vector.broadcast %parallel_loop3A_378 : f32 to vector<16xf32>
      %parallel_loop3A_380 = arith.mulf %parallel_loop3A_379, %parallel_loop3A_377 : vector<16xf32>
      %parallel_loop3A_381 = arith.addf %parallel_loop3A_374, %parallel_loop3A_380 : vector<16xf32>
      %parallel_loop3A_382 = arith.index_cast %parallel_loop3A_368 : i32 to index
      %parallel_loop3A_383 = tpu.vector_load %arg7[%parallel_loop3A_382] {strides = array<i32>} : memref<16384xf32, #tpu.memory_space<vmem>>, vector<16xf32>,
      %parallel_loop3A_384 = vector.shape_cast %parallel_loop3A_383 : vector<16xf32> to vector<16xf32>
      %parallel_loop3A_385 = vector.shape_cast %parallel_loop3A_381 : vector<16xf32> to vector<16xf32>
      tpu.vector_store %arg7[%parallel_loop3A_382], %parallel_loop3A_385 {strides = array<i32>} : memref<16384xf32, #tpu.memory_space<vmem>>, vector<16xf32>,
    } {sc.loop_unroll_factor = 8 : i64, sc.parallel_access}
    %dma_wait3A_294 = tpu.memref_slice %arg2[%add3A_275] : memref<8388608xf32, #tpu.memory_space<hbm>> -> memref<16384xf32, #tpu.memory_space<hbm>>
    %dma_wait3A_295 = tpu.memref_slice %arg2[%add3A_275] : memref<8388608xf32, #tpu.memory_space<hbm>> -> memref<16384xf32, #tpu.memory_space<hbm>>
    tpu.wait_dma2 semaphore(%arg13 : memref<!tpu.dma_semaphore, #tpu.memory_space<semaphore_mem>>) src(%dma_wait3A_295 : memref<16384xf32, #tpu.memory_space<hbm>>) dst(%arg10 : memref<16384xf32, #tpu.memory_space<vmem>>)
    %dma_wait3A_296 = tpu.memref_slice %arg5[%add3A_284] : memref<8388608xf32, #tpu.memory_space<hbm>> -> memref<16384xf32, #tpu.memory_space<hbm>>
    %dma_wait3A_297 = tpu.memref_slice %arg5[%add3A_284] : memref<8388608xf32, #tpu.memory_space<hbm>> -> memref<16384xf32, #tpu.memory_space<hbm>>
    tpu.wait_dma2 semaphore(%arg16 : memref<!tpu.dma_semaphore, #tpu.memory_space<semaphore_mem>>) src(%arg11 : memref<16384xf32, #tpu.memory_space<vmem>>) dst(%dma_wait3A_297 : memref<16384xf32, #tpu.memory_space<hbm>>)
    %add3A_298 = arith.constant 49152 : i32
    %add3A_299 = arith.addi %mul3A_4, %add3A_298 : i32
    %add3A_300 = arith.constant 2097152 : i32
    %add3A_301 = arith.addi %add3A_300, %add3A_299 : i32
    %dma_start3A_302 = tpu.memref_slice %arg2[%add3A_301] : memref<8388608xf32, #tpu.memory_space<hbm>> -> memref<16384xf32, #tpu.memory_space<hbm>>
    %dma_start3A_303 = tpu.memref_slice %arg2[%add3A_301] : memref<8388608xf32, #tpu.memory_space<hbm>> -> memref<16384xf32, #tpu.memory_space<hbm>>
    tpu.enqueue_dma source(%dma_start3A_303 : memref<16384xf32, #tpu.memory_space<hbm>>) target(%arg11 : memref<16384xf32, #tpu.memory_space<vmem>>) target_semaphore(%arg14 : memref<!tpu.dma_semaphore, #tpu.memory_space<semaphore_mem>>)
    %parallel_loop3A_304 = arith.constant 0 : i32
    %parallel_loop3A_305 = arith.constant 1024 : i32
    %parallel_loop3A_306 = arith.constant 1 : i32
    scf.for %parallel_loop3A_366 = %parallel_loop3A_304 to %parallel_loop3A_305 step %parallel_loop3A_306  : i32 {
      %parallel_loop3A_367 = arith.constant 16 : i32
      %parallel_loop3A_368 = arith.muli %parallel_loop3A_366, %parallel_loop3A_367 : i32
      %parallel_loop3A_369 = arith.index_cast %parallel_loop3A_368 : i32 to index
      %parallel_loop3A_370 = tpu.vector_load %arg10[%parallel_loop3A_369] {strides = array<i32>} : memref<16384xf32, #tpu.memory_space<vmem>>, vector<16xf32>,
      %parallel_loop3A_371 = vector.shape_cast %parallel_loop3A_370 : vector<16xf32> to vector<16xf32>
      %parallel_loop3A_372 = arith.index_cast %parallel_loop3A_368 : i32 to index
      %parallel_loop3A_373 = tpu.vector_load %arg7[%parallel_loop3A_372] {strides = array<i32>} : memref<16384xf32, #tpu.memory_space<vmem>>, vector<16xf32>,
      %parallel_loop3A_374 = vector.shape_cast %parallel_loop3A_373 : vector<16xf32> to vector<16xf32>
      %parallel_loop3A_375 = arith.addf %parallel_loop3A_371, %parallel_loop3A_374 : vector<16xf32>
      %parallel_loop3A_376 = arith.index_cast %parallel_loop3A_368 : i32 to index
      %parallel_loop3A_377 = tpu.vector_load %arg10[%parallel_loop3A_376] {strides = array<i32>} : memref<16384xf32, #tpu.memory_space<vmem>>, vector<16xf32>,
      %parallel_loop3A_378 = vector.shape_cast %parallel_loop3A_377 : vector<16xf32> to vector<16xf32>
      %parallel_loop3A_379 = vector.shape_cast %parallel_loop3A_375 : vector<16xf32> to vector<16xf32>
      tpu.vector_store %arg10[%parallel_loop3A_376], %parallel_loop3A_379 {strides = array<i32>} : memref<16384xf32, #tpu.memory_space<vmem>>, vector<16xf32>,
    } {sc.loop_unroll_factor = 8 : i64, sc.parallel_access}
    %add3A_307 = arith.constant 49152 : i32
    %add3A_308 = arith.addi %mul3A_4, %add3A_307 : i32
    %add3A_309 = arith.constant 0 : i32
    %add3A_310 = arith.addi %add3A_309, %add3A_308 : i32
    %dma_start3A_311 = tpu.memref_slice %arg5[%add3A_310] : memref<8388608xf32, #tpu.memory_space<hbm>> -> memref<16384xf32, #tpu.memory_space<hbm>>
    %dma_start3A_312 = tpu.memref_slice %arg5[%add3A_310] : memref<8388608xf32, #tpu.memory_space<hbm>> -> memref<16384xf32, #tpu.memory_space<hbm>>
    tpu.enqueue_dma source(%arg10 : memref<16384xf32, #tpu.memory_space<vmem>>) target(%dma_start3A_312 : memref<16384xf32, #tpu.memory_space<hbm>>) target_semaphore(%arg15 : memref<!tpu.dma_semaphore, #tpu.memory_space<semaphore_mem>>)
    %dma_wait3A_313 = tpu.memref_slice %arg2[%add3A_301] : memref<8388608xf32, #tpu.memory_space<hbm>> -> memref<16384xf32, #tpu.memory_space<hbm>>
    %dma_wait3A_314 = tpu.memref_slice %arg2[%add3A_301] : memref<8388608xf32, #tpu.memory_space<hbm>> -> memref<16384xf32, #tpu.memory_space<hbm>>
    tpu.wait_dma2 semaphore(%arg14 : memref<!tpu.dma_semaphore, #tpu.memory_space<semaphore_mem>>) src(%dma_wait3A_314 : memref<16384xf32, #tpu.memory_space<hbm>>) dst(%arg11 : memref<16384xf32, #tpu.memory_space<vmem>>)
    %dma_wait3A_315 = tpu.memref_slice %arg5[%add3A_310] : memref<8388608xf32, #tpu.memory_space<hbm>> -> memref<16384xf32, #tpu.memory_space<hbm>>
    %dma_wait3A_316 = tpu.memref_slice %arg5[%add3A_310] : memref<8388608xf32, #tpu.memory_space<hbm>> -> memref<16384xf32, #tpu.memory_space<hbm>>
    tpu.wait_dma2 semaphore(%arg15 : memref<!tpu.dma_semaphore, #tpu.memory_space<semaphore_mem>>) src(%arg10 : memref<16384xf32, #tpu.memory_space<vmem>>) dst(%dma_wait3A_316 : memref<16384xf32, #tpu.memory_space<hbm>>)
    %add3A_317 = arith.constant 49152 : i32
    %add3A_318 = arith.addi %mul3A_4, %add3A_317 : i32
    %add3A_319 = arith.constant 4194304 : i32
    %add3A_320 = arith.addi %add3A_319, %add3A_318 : i32
    %dma_start3A_321 = tpu.memref_slice %arg2[%add3A_320] : memref<8388608xf32, #tpu.memory_space<hbm>> -> memref<16384xf32, #tpu.memory_space<hbm>>
    %dma_start3A_322 = tpu.memref_slice %arg2[%add3A_320] : memref<8388608xf32, #tpu.memory_space<hbm>> -> memref<16384xf32, #tpu.memory_space<hbm>>
    tpu.enqueue_dma source(%dma_start3A_322 : memref<16384xf32, #tpu.memory_space<hbm>>) target(%arg10 : memref<16384xf32, #tpu.memory_space<vmem>>) target_semaphore(%arg13 : memref<!tpu.dma_semaphore, #tpu.memory_space<semaphore_mem>>)
    %parallel_loop3A_323 = arith.constant 0 : i32
    %parallel_loop3A_324 = arith.constant 1024 : i32
    %parallel_loop3A_325 = arith.constant 1 : i32
    scf.for %parallel_loop3A_366 = %parallel_loop3A_323 to %parallel_loop3A_324 step %parallel_loop3A_325  : i32 {
      %parallel_loop3A_367 = arith.constant 16 : i32
      %parallel_loop3A_368 = arith.muli %parallel_loop3A_366, %parallel_loop3A_367 : i32
      %parallel_loop3A_369 = arith.index_cast %parallel_loop3A_368 : i32 to index
      %parallel_loop3A_370 = tpu.vector_load %arg11[%parallel_loop3A_369] {strides = array<i32>} : memref<16384xf32, #tpu.memory_space<vmem>>, vector<16xf32>,
      %parallel_loop3A_371 = vector.shape_cast %parallel_loop3A_370 : vector<16xf32> to vector<16xf32>
      %parallel_loop3A_372 = arith.index_cast %parallel_loop3A_368 : i32 to index
      %parallel_loop3A_373 = tpu.vector_load %arg7[%parallel_loop3A_372] {strides = array<i32>} : memref<16384xf32, #tpu.memory_space<vmem>>, vector<16xf32>,
      %parallel_loop3A_374 = vector.shape_cast %parallel_loop3A_373 : vector<16xf32> to vector<16xf32>
      %parallel_loop3A_375 = arith.addf %parallel_loop3A_371, %parallel_loop3A_374 : vector<16xf32>
      %parallel_loop3A_376 = arith.index_cast %parallel_loop3A_368 : i32 to index
      %parallel_loop3A_377 = tpu.vector_load %arg11[%parallel_loop3A_376] {strides = array<i32>} : memref<16384xf32, #tpu.memory_space<vmem>>, vector<16xf32>,
      %parallel_loop3A_378 = vector.shape_cast %parallel_loop3A_377 : vector<16xf32> to vector<16xf32>
      %parallel_loop3A_379 = vector.shape_cast %parallel_loop3A_375 : vector<16xf32> to vector<16xf32>
      tpu.vector_store %arg11[%parallel_loop3A_376], %parallel_loop3A_379 {strides = array<i32>} : memref<16384xf32, #tpu.memory_space<vmem>>, vector<16xf32>,
    } {sc.loop_unroll_factor = 8 : i64, sc.parallel_access}
    %add3A_326 = arith.constant 49152 : i32
    %add3A_327 = arith.addi %mul3A_4, %add3A_326 : i32
    %add3A_328 = arith.constant 2097152 : i32
    %add3A_329 = arith.addi %add3A_328, %add3A_327 : i32
    %dma_start3A_330 = tpu.memref_slice %arg5[%add3A_329] : memref<8388608xf32, #tpu.memory_space<hbm>> -> memref<16384xf32, #tpu.memory_space<hbm>>
    %dma_start3A_331 = tpu.memref_slice %arg5[%add3A_329] : memref<8388608xf32, #tpu.memory_space<hbm>> -> memref<16384xf32, #tpu.memory_space<hbm>>
    tpu.enqueue_dma source(%arg11 : memref<16384xf32, #tpu.memory_space<vmem>>) target(%dma_start3A_331 : memref<16384xf32, #tpu.memory_space<hbm>>) target_semaphore(%arg16 : memref<!tpu.dma_semaphore, #tpu.memory_space<semaphore_mem>>)
    %dma_wait3A_332 = tpu.memref_slice %arg2[%add3A_320] : memref<8388608xf32, #tpu.memory_space<hbm>> -> memref<16384xf32, #tpu.memory_space<hbm>>
    %dma_wait3A_333 = tpu.memref_slice %arg2[%add3A_320] : memref<8388608xf32, #tpu.memory_space<hbm>> -> memref<16384xf32, #tpu.memory_space<hbm>>
    tpu.wait_dma2 semaphore(%arg13 : memref<!tpu.dma_semaphore, #tpu.memory_space<semaphore_mem>>) src(%dma_wait3A_333 : memref<16384xf32, #tpu.memory_space<hbm>>) dst(%arg10 : memref<16384xf32, #tpu.memory_space<vmem>>)
    %dma_wait3A_334 = tpu.memref_slice %arg5[%add3A_329] : memref<8388608xf32, #tpu.memory_space<hbm>> -> memref<16384xf32, #tpu.memory_space<hbm>>
    %dma_wait3A_335 = tpu.memref_slice %arg5[%add3A_329] : memref<8388608xf32, #tpu.memory_space<hbm>> -> memref<16384xf32, #tpu.memory_space<hbm>>
    tpu.wait_dma2 semaphore(%arg16 : memref<!tpu.dma_semaphore, #tpu.memory_space<semaphore_mem>>) src(%arg11 : memref<16384xf32, #tpu.memory_space<vmem>>) dst(%dma_wait3A_335 : memref<16384xf32, #tpu.memory_space<hbm>>)
    %add3A_336 = arith.constant 49152 : i32
    %add3A_337 = arith.addi %mul3A_4, %add3A_336 : i32
    %add3A_338 = arith.constant 6291456 : i32
    %add3A_339 = arith.addi %add3A_338, %add3A_337 : i32
    %dma_start3A_340 = tpu.memref_slice %arg2[%add3A_339] : memref<8388608xf32, #tpu.memory_space<hbm>> -> memref<16384xf32, #tpu.memory_space<hbm>>
    %dma_start3A_341 = tpu.memref_slice %arg2[%add3A_339] : memref<8388608xf32, #tpu.memory_space<hbm>> -> memref<16384xf32, #tpu.memory_space<hbm>>
    tpu.enqueue_dma source(%dma_start3A_341 : memref<16384xf32, #tpu.memory_space<hbm>>) target(%arg11 : memref<16384xf32, #tpu.memory_space<vmem>>) target_semaphore(%arg14 : memref<!tpu.dma_semaphore, #tpu.memory_space<semaphore_mem>>)
    %parallel_loop3A_342 = arith.constant 0 : i32
    %parallel_loop3A_343 = arith.constant 1024 : i32
    %parallel_loop3A_344 = arith.constant 1 : i32
    scf.for %parallel_loop3A_366 = %parallel_loop3A_342 to %parallel_loop3A_343 step %parallel_loop3A_344  : i32 {
      %parallel_loop3A_367 = arith.constant 16 : i32
      %parallel_loop3A_368 = arith.muli %parallel_loop3A_366, %parallel_loop3A_367 : i32
      %parallel_loop3A_369 = arith.index_cast %parallel_loop3A_368 : i32 to index
      %parallel_loop3A_370 = tpu.vector_load %arg10[%parallel_loop3A_369] {strides = array<i32>} : memref<16384xf32, #tpu.memory_space<vmem>>, vector<16xf32>,
      %parallel_loop3A_371 = vector.shape_cast %parallel_loop3A_370 : vector<16xf32> to vector<16xf32>
      %parallel_loop3A_372 = arith.index_cast %parallel_loop3A_368 : i32 to index
      %parallel_loop3A_373 = tpu.vector_load %arg7[%parallel_loop3A_372] {strides = array<i32>} : memref<16384xf32, #tpu.memory_space<vmem>>, vector<16xf32>,
      %parallel_loop3A_374 = vector.shape_cast %parallel_loop3A_373 : vector<16xf32> to vector<16xf32>
      %parallel_loop3A_375 = arith.addf %parallel_loop3A_371, %parallel_loop3A_374 : vector<16xf32>
      %parallel_loop3A_376 = arith.index_cast %parallel_loop3A_368 : i32 to index
      %parallel_loop3A_377 = tpu.vector_load %arg10[%parallel_loop3A_376] {strides = array<i32>} : memref<16384xf32, #tpu.memory_space<vmem>>, vector<16xf32>,
      %parallel_loop3A_378 = vector.shape_cast %parallel_loop3A_377 : vector<16xf32> to vector<16xf32>
      %parallel_loop3A_379 = vector.shape_cast %parallel_loop3A_375 : vector<16xf32> to vector<16xf32>
      tpu.vector_store %arg10[%parallel_loop3A_376], %parallel_loop3A_379 {strides = array<i32>} : memref<16384xf32, #tpu.memory_space<vmem>>, vector<16xf32>,
    } {sc.loop_unroll_factor = 8 : i64, sc.parallel_access}
    %add3A_345 = arith.constant 49152 : i32
    %add3A_346 = arith.addi %mul3A_4, %add3A_345 : i32
    %add3A_347 = arith.constant 4194304 : i32
    %add3A_348 = arith.addi %add3A_347, %add3A_346 : i32
    %dma_start3A_349 = tpu.memref_slice %arg5[%add3A_348] : memref<8388608xf32, #tpu.memory_space<hbm>> -> memref<16384xf32, #tpu.memory_space<hbm>>
    %dma_start3A_350 = tpu.memref_slice %arg5[%add3A_348] : memref<8388608xf32, #tpu.memory_space<hbm>> -> memref<16384xf32, #tpu.memory_space<hbm>>
    tpu.enqueue_dma source(%arg10 : memref<16384xf32, #tpu.memory_space<vmem>>) target(%dma_start3A_350 : memref<16384xf32, #tpu.memory_space<hbm>>) target_semaphore(%arg15 : memref<!tpu.dma_semaphore, #tpu.memory_space<semaphore_mem>>)
    %dma_wait3A_351 = tpu.memref_slice %arg2[%add3A_339] : memref<8388608xf32, #tpu.memory_space<hbm>> -> memref<16384xf32, #tpu.memory_space<hbm>>
    %dma_wait3A_352 = tpu.memref_slice %arg2[%add3A_339] : memref<8388608xf32, #tpu.memory_space<hbm>> -> memref<16384xf32, #tpu.memory_space<hbm>>
    tpu.wait_dma2 semaphore(%arg14 : memref<!tpu.dma_semaphore, #tpu.memory_space<semaphore_mem>>) src(%dma_wait3A_352 : memref<16384xf32, #tpu.memory_space<hbm>>) dst(%arg11 : memref<16384xf32, #tpu.memory_space<vmem>>)
    %parallel_loop3A_353 = arith.constant 0 : i32
    %parallel_loop3A_354 = arith.constant 1024 : i32
    %parallel_loop3A_355 = arith.constant 1 : i32
    scf.for %parallel_loop3A_366 = %parallel_loop3A_353 to %parallel_loop3A_354 step %parallel_loop3A_355  : i32 {
      %parallel_loop3A_367 = arith.constant 16 : i32
      %parallel_loop3A_368 = arith.muli %parallel_loop3A_366, %parallel_loop3A_367 : i32
      %parallel_loop3A_369 = arith.index_cast %parallel_loop3A_368 : i32 to index
      %parallel_loop3A_370 = tpu.vector_load %arg11[%parallel_loop3A_369] {strides = array<i32>} : memref<16384xf32, #tpu.memory_space<vmem>>, vector<16xf32>,
      %parallel_loop3A_371 = vector.shape_cast %parallel_loop3A_370 : vector<16xf32> to vector<16xf32>
      %parallel_loop3A_372 = arith.index_cast %parallel_loop3A_368 : i32 to index
      %parallel_loop3A_373 = tpu.vector_load %arg7[%parallel_loop3A_372] {strides = array<i32>} : memref<16384xf32, #tpu.memory_space<vmem>>, vector<16xf32>,
      %parallel_loop3A_374 = vector.shape_cast %parallel_loop3A_373 : vector<16xf32> to vector<16xf32>
      %parallel_loop3A_375 = arith.addf %parallel_loop3A_371, %parallel_loop3A_374 : vector<16xf32>
      %parallel_loop3A_376 = arith.index_cast %parallel_loop3A_368 : i32 to index
      %parallel_loop3A_377 = tpu.vector_load %arg11[%parallel_loop3A_376] {strides = array<i32>} : memref<16384xf32, #tpu.memory_space<vmem>>, vector<16xf32>,
      %parallel_loop3A_378 = vector.shape_cast %parallel_loop3A_377 : vector<16xf32> to vector<16xf32>
      %parallel_loop3A_379 = vector.shape_cast %parallel_loop3A_375 : vector<16xf32> to vector<16xf32>
      tpu.vector_store %arg11[%parallel_loop3A_376], %parallel_loop3A_379 {strides = array<i32>} : memref<16384xf32, #tpu.memory_space<vmem>>, vector<16xf32>,
    } {sc.loop_unroll_factor = 8 : i64, sc.parallel_access}
    %add3A_356 = arith.constant 49152 : i32
    %add3A_357 = arith.addi %mul3A_4, %add3A_356 : i32
    %add3A_358 = arith.constant 6291456 : i32
    %add3A_359 = arith.addi %add3A_358, %add3A_357 : i32
    %dma_start3A_360 = tpu.memref_slice %arg5[%add3A_359] : memref<8388608xf32, #tpu.memory_space<hbm>> -> memref<16384xf32, #tpu.memory_space<hbm>>
    %dma_start3A_361 = tpu.memref_slice %arg5[%add3A_359] : memref<8388608xf32, #tpu.memory_space<hbm>> -> memref<16384xf32, #tpu.memory_space<hbm>>
    tpu.enqueue_dma source(%arg11 : memref<16384xf32, #tpu.memory_space<vmem>>) target(%dma_start3A_361 : memref<16384xf32, #tpu.memory_space<hbm>>) target_semaphore(%arg16 : memref<!tpu.dma_semaphore, #tpu.memory_space<semaphore_mem>>)
    %dma_wait3A_362 = tpu.memref_slice %arg5[%add3A_348] : memref<8388608xf32, #tpu.memory_space<hbm>> -> memref<16384xf32, #tpu.memory_space<hbm>>
    %dma_wait3A_363 = tpu.memref_slice %arg5[%add3A_348] : memref<8388608xf32, #tpu.memory_space<hbm>> -> memref<16384xf32, #tpu.memory_space<hbm>>
    tpu.wait_dma2 semaphore(%arg15 : memref<!tpu.dma_semaphore, #tpu.memory_space<semaphore_mem>>) src(%arg10 : memref<16384xf32, #tpu.memory_space<vmem>>) dst(%dma_wait3A_363 : memref<16384xf32, #tpu.memory_space<hbm>>)
    %dma_wait3A_364 = tpu.memref_slice %arg5[%add3A_359] : memref<8388608xf32, #tpu.memory_space<hbm>> -> memref<16384xf32, #tpu.memory_space<hbm>>
    %dma_wait3A_365 = tpu.memref_slice %arg5[%add3A_359] : memref<8388608xf32, #tpu.memory_space<hbm>> -> memref<16384xf32, #tpu.memory_space<hbm>>
    tpu.wait_dma2 semaphore(%arg16 : memref<!tpu.dma_semaphore, #tpu.memory_space<semaphore_mem>>) src(%arg11 : memref<16384xf32, #tpu.memory_space<vmem>>) dst(%dma_wait3A_365 : memref<16384xf32, #tpu.memory_space<hbm>>)
    return
  }
}

</mosaic_0001>

<sc_bundles>
// kernel: kernel.3.cloned.1.call-start
scs
__scs_entry_jumppad:
0x0: {  	(pc) =	sbr.rel $0x88, $3  }
0x1: {  	(tag) =	ssettag $0x0;
	lr =	simm.s32 $0x1  }
0x2: {  	[smem:$0x3F9E] =	sst lr;
	_ =	strace $0xD0000000  }
0x3: {  	_ = 	snop  }
0x4: {  	_ = 	snop  }
0x5: {  	_ = 	snop  }
0x6: {  	_ = 	snop  }
0x7: {  	_ = 	snop  }
__scs_overlays_trampoline_lowered:
0x8: {  	[smem:$0x3FAD] =	sst s0  }
0x9: {  	[smem:$0x3FAE] =	sst s1  }
0xa: {  	[smem:$0x3FAF] =	sst s2  }
0xb: {  	[smem:$0x3FB0] =	sst s3  }
0xc: {  	[smem:$0x3FB1] =	sst s4  }
0xd: {  	[smem:$0x3FB2] =	sst s5  }
0xe: {  	[smem:$0x3FB3] =	sst s6  }
0xf: {  	[smem:$0x3FB4] =	sst s7  }
0x10: {  	[smem:$0x3FB5] =	sst s8  }
0x11: {  	[smem:$0x3FB6] =	sst s9;
	s0 =	simm.s32 @!p0 $0x0  }
0x12: {  	s1 =	sld [smem:$0x3F9C];
	s0 =	simm.s32 @p0 $0x1  }
0x13: {  	[smem:$0x3FB7] =	sst s0;
	s0 =	simm.s32 @!p1 $0x0  }
0x14: {  	s2 =	sld [smem:$0x3F9B];
	s0 =	simm.s32 @p1 $0x1  }
0x15: {  	[smem:$0x3FB8] =	sst s0;
	s0 =	simm.s32 @!p2 $0x0  }
0x16: {  	s3 =	sld [smem:$0x3FDB];
	s0 =	simm.s32 @p2 $0x1  }
0x17: {  	s4 =	simm.s32 $0x1BF5;
	[smem:$0x3FBA] =	sst s0  }
0x18: {  	s0 =	sld [smem:$0x3F9D];
	_ =	swait.ge [sflag:s4], $0x0  }
0x19: {  	s7 =	sld [smem:$0x3F9E]  }
0x1a: {  	s8 =	sadd.s32 $0xFFFFE003, lr  }
0x1b: {  	s9 =	sadd.s32 $0xFFFFFEF7, lr;
	s5 =	simm.s32 $0xFFFFFFFF;
	p2 =	slt.u32 s8, $0xFFFFF086  }
0x1c: {  	p1 =	slt.u32 s9, $0xF7A;
	s5 =	simm.s32 @!p2 $0x0  }
0x1d: {  	s5 =	simm.s32 @p1 $0x1;
	p0 =	seq.s32 s7, s2  }
0x1e: {  	s7 =	smul.u32 @!p0 $0xF7A, s2;
	p2 =	seq.s32 @!p0 s5, $0x0  }
0x1f: {  	s9 =	smul.u32 $0xF7A, s1;
	s8 =	simm.s32 @!p0 $0x1BF5;
	p2 =	por !p2, p0  }
0x20: {  	[sflag:s8] =	ssyncset.s32 @!p0 $0xFFFFF086;
	s6 =	sadd.s32 @!p0 s3, s7;
	s7 =	simm.s32 @!p0 $0x108  }
0x21: {  	s3 =	sadd.s32 s3, s9;
	s6 =	sadd.s32 @!p0 $0x88, s6;
	s7 =	simm.s32 @p2 $0x1082  }
0x22: {  	[simem:s7], [sflag:s8] =	dma.local @!p0 [hbm:s6], $0xF7A  }
0x23: {  	s9 =	sor.u32 $0xD0000000, s2;
	s6 =	simm.s32 $0x108;
	_ =	swait.ge @!p0 [sflag:s8], $0x0  }
0x24: {  	s3 =	sadd.s32 $0x88, s3;
	s6 =	simm.s32 @!p1 $0x1082;
	[sflag:s4] =	ssyncset.s32 $0xFFFFF086  }
0x25: {  	[simem:s6], [sflag:s4] =	dma.local [hbm:s3], $0xF7A  }
0x26: {  	[smem:$0x3F9E] =	sst s1;
	(tag) =	ssettag s2;
	_ =	strace s9  }
0x27: {  	s1 =	sld [smem:$0x3FAE]  }
0x28: {  	s2 =	sld [smem:$0x3FAF]  }
0x29: {  	s4 =	sld [smem:$0x3FB1]  }
0x2a: {  	p0 =	seq.s32 s5, $0x0;
	s5 =	sld [smem:$0x3FB2]  }
0x2b: {  	s6 =	sld [smem:$0x3FB3]  }
0x2c: {  	s7 =	sld [smem:$0x3FB4]  }
0x2d: {  	s3 =	simm.s32 $0x108;
	s8 =	sld [smem:$0x3FB5]  }
0x2e: {  	s3 =	simm.s32 @!p0 $0x1082;
	s9 =	sld [smem:$0x3FB6]  }
0x2f: {  	lr =	sadd.s32 s0, s3;
	s0 =	sld [smem:$0x3FAD]  }
0x30: {  	s3 =	sld [smem:$0x3FB0]  }
0x31: {  	[smem:$0x3FB9] =	sst s10  }
0x32: {  	s10 =	sld [smem:$0x3FB7];
	_ =	sdelay $0x3  }
0x33: {  	p0 =	seq.s32 s10, $0x1;
	s10 =	sld [smem:$0x3FB9];
	_ =	sdelay $0x3  }
0x34: {  	[smem:$0x3FB9] =	sst s10  }
0x35: {  	s10 =	sld [smem:$0x3FB8];
	_ =	sdelay $0x3  }
0x36: {  	p1 =	seq.s32 s10, $0x1;
	s10 =	sld [smem:$0x3FB9];
	_ =	sdelay $0x3  }
0x37: {  	[smem:$0x3FB9] =	sst s10  }
0x38: {  	s10 =	sld [smem:$0x3FBA]  }
0x39: {  	_ = 	snop;
	(pc) =	sbr.ind lr, $3  }
0x3a: {  	_ = 	snop  }
0x3b: {  	_ = 	snop  }
0x3c: {  	p2 =	seq.s32 s10, $0x1;
	s10 =	sld [smem:$0x3FB9]  }
0x3d: {  	_ =	shalt  }
0x3e: {  	_ =	shalt  }
0x3f: {  	_ =	shalt  }
0x40: {  	_ =	shalt  }
0x41: {  	_ =	shalt  }
0x42: {  	_ =	shalt  }
0x43: {  	_ =	shalt  }
0x44: {  	_ =	shalt  }
0x45: {  	_ =	shalt  }
0x46: {  	_ =	shalt  }
0x47: {  	_ =	shalt  }
0x48: {  	_ =	shalt  }
0x49: {  	_ =	shalt  }
0x4a: {  	_ =	shalt  }
0x4b: {  	_ =	shalt  }
0x4c: {  	_ =	shalt  }
0x4d: {  	_ =	shalt  }
0x4e: {  	_ =	shalt  }
0x4f: {  	_ =	shalt  }
0x50: {  	_ =	shalt  }
0x51: {  	_ =	shalt  }
0x52: {  	_ =	shalt  }
0x53: {  	_ =	shalt  }
0x54: {  	_ =	shalt  }
0x55: {  	_ =	shalt  }
0x56: {  	_ =	shalt  }
0x57: {  	_ =	shalt  }
0x58: {  	_ =	shalt  }
0x59: {  	_ =	shalt  }
0x5a: {  	_ =	shalt  }
0x5b: {  	_ =	shalt  }
0x5c: {  	_ =	shalt  }
0x5d: {  	_ =	shalt  }
0x5e: {  	_ =	shalt  }
0x5f: {  	_ =	shalt  }
0x60: {  	_ =	shalt  }
0x61: {  	_ =	shalt  }
0x62: {  	_ =	shalt  }
0x63: {  	_ =	shalt  }
0x64: {  	_ =	shalt  }
0x65: {  	_ =	shalt  }
0x66: {  	_ =	shalt  }
0x67: {  	_ =	shalt  }
0x68: {  	_ =	shalt  }
0x69: {  	_ =	shalt  }
0x6a: {  	_ =	shalt  }
0x6b: {  	_ =	shalt  }
0x6c: {  	_ =	shalt  }
0x6d: {  	_ =	shalt  }
0x6e: {  	_ =	shalt  }
0x6f: {  	_ =	shalt  }
0x70: {  	_ =	shalt  }
0x71: {  	_ =	shalt  }
0x72: {  	_ =	shalt  }
0x73: {  	_ =	shalt  }
0x74: {  	_ =	shalt  }
0x75: {  	_ =	shalt  }
0x76: {  	_ =	shalt  }
0x77: {  	_ =	shalt  }
0x78: {  	_ =	shalt  }
0x79: {  	_ =	shalt  }
0x7a: {  	_ =	shalt  }
0x7b: {  	_ =	shalt  }
0x7c: {  	_ =	shalt  }
0x7d: {  	_ =	shalt  }
0x7e: {  	_ =	shalt  }
0x7f: {  	_ =	shalt  }
0x80: {  	_ =	shalt  }
0x81: {  	_ =	shalt  }
0x82: {  	_ =	shalt  }
0x83: {  	_ =	shalt  }
0x84: {  	_ =	shalt  }
0x85: {  	_ =	shalt  }
0x86: {  	_ =	shalt  }
0x87: {  	_ =	shalt  }
.Lfunc_end0:
.L_simem_size_0:
called_computation.1_lowered:
.L_overlay_start_0:
0x88: {  	s2 =	sld [smem:$0x3FD9]  }
0x89: {  	s3 =	sld [smem:$0x3FFE];
	_ =	sdelay $0x1  }
0x8a: {  	s1 =	srdreg.scid  }
0x8b: {  	s0 =	sand.u32 $0x1, s1  }
0x8c: {  	s17 =	sshll.u32 s0, $0xA;
	s2 =	sadd.s32 s3, s2  }
0x8d: {  	s2 =	sadd.s32 s2, s17  }
0x8e: {  	[smem:$0x3FC5] =	sst s2  }
0x8f: {  	_ = 	snop  }
0x90: {  	s2 =	sld [smem:$0x3FD0];
	(tm) =	ssettm $0x1  }
0x91: {  	s18 =	sld [smem:$0x3FFB];
	_ =	sdelay $0x3  }
0x92: {  	_ =	strace s18  }
0x93: {  	s3 =	sld [smem:$0x3FFC];
	_ =	sdelay $0x3  }
0x94: {  	_ =	strace s3  }
0x95: {  	s3 =	sld [smem:$0x3FFD];
	_ =	sdelay $0x3  }
0x96: {  	_ =	strace s3  }
0x97: {  	_ =	strace $0x8FFFFFFF  }
0x98: {  	s19 =	sld [smem:$0x3FDB];
	_ =	sdelay $0x1  }
0x99: {  	s4 =	simm.s32 $_scs_section_size  }
0x9a: {  	s5 =	simm.s32 $_size__tile_overlayer_lowered;
	s6 =	simm.s32 $_tile_overlayer_lowered  }
0x9b: {  	s22 =	simm.s32 $0x1BFF;
	s21 =	sshll.u32 s6, $0x1;
	s3 =	sadd.s32 s4, s19  }
0x9c: {  	s7 =	simm.s32 $0x0;
	s20 =	sshll.u32 s5, $0x1;
	s5 =	sadd.s32 s21, s3  }
0x9d: {  	[timem:s7], [sflag:s22] =	dma.local [hbm:s5], s20  }
0x9e: {  	_ =	swait.ge [sflag:s22], s20  }
0x9f: {  	s4 =	ssub.s32 $0x0, s20;
	[sflag:s22] =	ssyncset.done $0x0  }
0xa0: {  	[sflag:s22] =	ssyncadd.s32 s4;
	_ =	sdelay $0x1  }
0xa1: {  	s23 =	simm.s32 $0x1B8B  }
0xa2: {  	_ =	swait.ge [sflag:s23], $0x1  }
0xa3: {  	[sflag:s23] =	ssyncset.done $0x0  }
0xa4: {  	s25 =	simm.s32 $0x1B8E;
	s24 =	sld [smem:$0x3FFE];
	[sflag:s23] =	ssyncadd.s32 $0xFFFFFFFF  }
0xa5: {  	s26 =	simm.s32 $execute0_lowered;
	[smem:$0x3FD2] =	sst s25  }
0xa6: {  	s5 =	sshll.u32 s26, $0x1;
	_ =	strace $0x80000049;
	[dreg:$0x1] =	wrdreg $0xFFFFFFFF  }
0xa7: {  	s28 =	simm.s32 $_size_execute0_lowered;
	s3 =	sadd.s32 s3, s5;
	[dreg:$0x0] =	wrdreg $0x0  }
0xa8: {  	s5 =	sshll.u32 s28, $0x1;
	[dreg:$0x2] =	wrdreg s3  }
0xa9: {  	[dreg:$0x3] =	wrdreg s5  }
0xaa: {  	[dreg:$0x4] =	wrdreg $0xC0  }
0xab: {  	_ =	task [dreg:s7], $0x5FFFF  }
0xac: {  	[dreg:$0x1] =	wrdreg $0xFFFFFFFF  }
0xad: {  	[dreg:$0x0] =	wrdreg $0x60  }
0xae: {  	[dreg:$0x2] =	wrdreg s2  }
0xaf: {  	[dreg:$0x3] =	wrdreg s24  }
0xb0: {  	[dreg:$0x4] =	wrdreg $0x9  }
0xb1: {  	_ =	task.clear_ibuf [dreg:s7], $0x5FFFF;
	_ =	strace $0x90000049  }
0xb2: {  	s29 =	simm.s32 $0x9;
	_ =	strace $0x8000004B  }
0xb3: {  	_ =	swait.ge [sflag:s29], $0x1  }
0xb4: {  	[sflag:s29] =	ssyncadd.s32 $0xFFFFFFFF  }
0xb5: {  	_ =	strace $0x9000004B  }
0xb6: {  	_ =	sfence  }
0xb7: {  	s30 =	sld [smem:$0x0];
	_ =	sdelay $0x2  }
0xb8: {  	s31 =	sshll.u32 s1, $0xD;
	s1 =	sshrl.u32 s1, $0x2  }
0xb9: {  	s3 =	sand.u32 $0x4000, s31;
	s1 =	sadd.s32 s1, s30  }
0xba: {  	s0 =	sor.u32 s3, s0;
	s1 =	sshll.u32 s1, $0x11  }
0xbb: {  	s0 =	sor.u32 s1, s0  }
0xbc: {  	s0 =	sadd.s32 $0x8F2B, s0  }
0xbd: {  	[sflag:s0] =	ssyncadd.remote.s32 $0x1  }
0xbe: {  	_ =	sfence.sel $0xFFFF  }
0xbf: {  	[dreg:$0x0] =	wrdreg $0xFFFFFFFF;
	(pc) =	sbr.abs _section_cstart, $3  }
0xc0: {  	[dreg:$0x1] =	wrdreg $0xFFFFFFFF  }
0xc1: {  	_ =	task.clear_ibuf [dreg:s7], $0x2FFFF;
	_ =	strace $0x9FFFFFFF  }
0xc2: {  	(tm) =	ssettm $0x7FFFFFFF  }
0xc3: {  	_ =	shalt  }
tec
execute0_lowered:
.L_overlay_start_1:
0x0: {  	(tag) =	ssettag $0x1  }
0x1: {  	s9 =	rddreg [dreg:$0x0]  }
0x2: {  	s0 =	rddreg [dreg:$0x1];
	s1 =	simm.s32 $0x0;
	s2 =	srdreg.scid  }
0x3: {  	s4 =	stileid.u32;
	[smem:$0x7FF] =	sst s1;
	s2 =	sand.u32 $0x1, s2  }
0x4: {  	s4 =	sshll.u32 s4, $0xE;
	s5 =	sshll.u32 s2, $0xD;
	s2 =	ssub.s32 $0x2, s2  }
0x5: {  	s3 =	sadd.s32 $0xC00, s0;
	s8 =	sor.u32 s5, s4;
	s26 =	sshrl.u32 s2, $0x1  }
0x6: {  	s4 =	sor.u32 $0x800, s8;
	s12 =	ssub.s32 s2, s26;
	s2 =	sadd.s32 s3, s8  }
0x7: {  	s6 =	sadd.s32 $0x40C00, s0;
	[dreg:$0x3] =	wrdreg s2;
	s5 =	sadd.s32 s3, s4  }
0x8: {  	s10 =	sor.u32 $0x40000, s8;
	s7 =	sadd.s32 s6, s4;
	[dreg:$0x4] =	wrdreg s5  }
0x9: {  	s13 =	sor.u32 $0x80000, s8;
	s14 =	sadd.s32 s9, s10;
	[dreg:$0x5] =	wrdreg s7  }
0xa: {  	s11 =	sadd.s32 $0x80C00, s0;
	s15 =	sadd.s32 s9, s13;
	[dreg:$0x6] =	wrdreg s14  }
0xb: {  	s16 =	sor.u32 $0xC0000, s8;
	s0 =	sadd.s32 s11, s10;
	[dreg:$0x7] =	wrdreg s15  }
0xc: {  	s17 =	sadd.s32 s9, s16;
	[dreg:$0x8] =	wrdreg s0  }
0xd: {  	s18 =	sadd.s32 s11, s13;
	[dreg:$0x9] =	wrdreg s17  }
0xe: {  	s21 =	sor.u32 $0x40800, s8;
	s19 =	sadd.s32 s9, s4;
	[dreg:$0xa] =	wrdreg s18  }
0xf: {  	s22 =	sor.u32 $0x1000, s8;
	s20 =	sadd.s32 s11, s16;
	[dreg:$0xb] =	wrdreg s19  }
0x10: {  	s24 =	sor.u32 $0x80800, s8;
	s23 =	sadd.s32 s9, s21;
	[dreg:$0xc] =	wrdreg s20  }
0x11: {  	s26 =	sor.u32 $0xC0800, s8;
	s4 =	sadd.s32 s11, s4;
	[dreg:$0xd] =	wrdreg s23  }
0x12: {  	s25 =	sadd.s32 s9, s24;
	s10 =	sadd.s32 s11, s24;
	[dreg:$0xe] =	wrdreg s4  }
0x13: {  	s13 =	sadd.s32 s11, s26;
	s24 =	sor.u32 $0x41800, s8;
	[dreg:$0xf] =	wrdreg s25  }
0x14: {  	s12 =	smax.u32 s12, $0x1;
	s0 =	sadd.s32 s11, s21;
	[dreg:$0x12] =	wrdreg s10  }
0x15: {  	s7 =	sadd.s32 s9, s26;
	[dreg:$0x13] =	wrdreg s13;
	s14 =	sadd.s32 s3, s22  }
0x16: {  	s15 =	sor.u32 $0x1800, s8;
	s17 =	sadd.s32 s6, s8;
	s18 =	sadd.s32 s6, s22  }
0x17: {  	s20 =	sadd.s32 s9, s22;
	s21 =	sor.u32 $0x41000, s8;
	[dreg:$0x10] =	wrdreg s0  }
0x18: {  	s25 =	sadd.s32 s11, s22;
	s22 =	sor.u32 $0x81000, s8;
	[dreg:$0x11] =	wrdreg s7  }
0x19: {  	s23 =	sor.u32 $0xC1000, s8;
	s4 =	sadd.s32 s9, s24;
	[dreg:$0x14] =	wrdreg s14  }
0x1a: {  	s5 =	sadd.s32 s11, s24;
	s10 =	sor.u32 $0x81800, s8;
	[dreg:$0x16] =	wrdreg s17  }
0x1b: {  	s13 =	sor.u32 $0xC1800, s8;
	s16 =	sadd.s32 s3, s15;
	[dreg:$0x17] =	wrdreg s18  }
0x1c: {  	s19 =	sadd.s32 s6, s15;
	[dreg:$0x19] =	wrdreg s20;
	s26 =	sadd.s32 s9, s21  }
0x1d: {  	s28 =	sadd.s32 s11, s21;
	s29 =	sadd.s32 s9, s22;
	s30 =	sadd.s32 s11, s22  }
0x1e: {  	s31 =	sadd.s32 s9, s23;
	s0 =	sadd.s32 s11, s23;
	s2 =	sadd.s32 s9, s15  }
0x1f: {  	s3 =	sadd.s32 s11, s15;
	s6 =	sadd.s32 s9, s8;
	s7 =	sadd.s32 s11, s8  }
0x20: {  	s8 =	sadd.s32 s9, s10;
	s9 =	sadd.s32 s9, s13;
	s10 =	sadd.s32 s11, s10  }
0x21: {  	s11 =	sadd.s32 s11, s13;
	s14 =	simm.s32 $0x10000;
	s15 =	simm.s32 $0x1  }
0x22: {  	s18 =	simm.s32 $0x2;
	s13 =	simm.s32 $0x14000;
	[dreg:$0x15] =	wrdreg s16  }
0x23: {  	s20 =	simm.s32 $0x4;
	s21 =	simm.s32 $0x0;
	[dreg:$0x18] =	wrdreg s19  }
0x24: {  	s19 =	simm.s32 $0x3;
	s16 =	simm.s32 $0x5;
	_ =	strace $0x8000004A  }
.LBB2_1:
0x25: {  	s17 =	rddreg [dreg:$0x3]  }
0x26: {  	[tilespmem:s1], [sflag:$0x1] =	stream.linear.gather [hbm4b:s17+s1], $0x4000, $0x38;
	[tilespmem:$0x18000] =	vst v63  }
0x27: {  	s24 =	rddreg [dreg:$0x16];
	s22 =	simm.s32 $0x8000  }
0x28: {  	[tilespmem:s22], [sflag:$0x1] =	stream.linear.gather [hbm4b:s24+s1], $0x4000, $0x38;
	[tilespmem:$0x18000] =	vst v63  }
0x29: {  	_ = 	snop  }
0x2a: {  	[tilespmem:s14], [sflag:$0x2] =	stream.linear.gather [hbm4b:s6+s1], $0x4000, $0x38;
	[tilespmem:$0x18000] =	vst v63  }
0x2b: {  	_ =	swait.ge [sflag:s15], $0x4000  }
0x2c: {  	[sflag:s15] =	ssyncset.done $0x0  }
0x2d: {  	[sflag:s15] =	ssyncadd.s32 $0xFFFFC000  }
0x2e: {  	_ =	swait.ge [sflag:s15], $0x4000  }
0x2f: {  	[sflag:s15] =	ssyncset.done $0x0  }
0x30: {  	s24 =	simm.s32 $0x4000;
	s23 =	rddreg [dreg:$0x4];
	[sflag:s15] =	ssyncadd.s32 $0xFFFFC000  }
0x31: {  	[tilespmem:s24], [sflag:$0x1] =	stream.linear.gather [hbm4b:s23+s1], $0x4000, $0x38;
	[tilespmem:$0x18000] =	vst v63  }
0x32: {  	s17 =	simm.s32 $0x40;
	s23 =	rddreg [dreg:$0x5];
	s24 =	simm.s32 $0xC000  }
0x33: {  	[tilespmem:s24], [sflag:$0x1] =	stream.linear.gather [hbm4b:s23+s1], $0x4000, $0x38;
	[tilespmem:$0x18000] =	vst v63  }
0x34: {  	s22 =	simm.s32 $0x8040;
	v0 =	vld [tilespmem:s17+$0x30]  }
0x35: {  	v1 =	vld [tilespmem:s22+$0x30]  }
0x36: {  	v3 =	vld [tilespmem:s22+$0xFFFFFFC0]  }
0x37: {  	v2 =	vld [tilespmem:s17+$0xFFFFFFD0]  }
0x38: {  	v4 =	vld [tilespmem:s22+$0xFFFFFFD0]  }
0x39: {  	v5 =	vld [tilespmem:s17+$0xFFFFFFE0]  }
0x3a: {  	v6 =	vld [tilespmem:s22+$0xFFFFFFE0]  }
0x3b: {  	v7 =	vld [tilespmem:s17+$0xFFFFFFF0]  }
0x3c: {  	v8 =	vld [tilespmem:s22+$0xFFFFFFF0]  }
0x3d: {  	v9 =	vld [tilespmem:s17+$0x0];
	v0 =	vmul.f32 $6.999999880e-01, v0;
	v1 =	vmul.f32 $3.000000120e-01, v1  }
0x3e: {  	v11 =	vld [tilespmem:s22+$0x0];
	v10 =	vmul.f32 $6.999999880e-01, v2;
	v4 =	vmul.f32 $3.000000120e-01, v4  }
0x3f: {  	v5 =	vmul.f32 $6.999999880e-01, v5;
	v6 =	vmul.f32 $3.000000120e-01, v6;
	v2 =	vld [tilespmem:s17+$0x10];
	v0 =	vadd.f32 v1, v0  }
0x40: {  	v10 =	vadd.f32 v4, v10;
	v1 =	vld [tilespmem:s22+$0x10]  }
0x41: {  	v7 =	vmul.f32 $6.999999880e-01, v7;
	v8 =	vmul.f32 $3.000000120e-01, v8;
	v12 =	vadd.f32 v6, v5;
	v4 =	vld [tilespmem:s17+$0x20];
	[tilespmem:s17+$0x30] =	vst v0  }
0x42: {  	v6 =	vmul.f32 $6.999999880e-01, v9;
	v5 =	vld [tilespmem:s22+$0x20];
	[tilespmem:s17+$0xFFFFFFD0] =	vst v10  }
0x43: {  	s23 =	simm.s32 $0x0;
	s24 =	simm.s32 $0xC0;
	v7 =	vadd.f32 v8, v7;
	v8 =	vmul.f32 $3.000000120e-01, v11;
	v0 =	vmul.f32 $3.000000120e-01, v3;
	v3 =	vld [tilespmem:s17+$0xFFFFFFC0];
	[tilespmem:s17+$0xFFFFFFE0] =	vst v12  }
.LBB2_2:
0x44: {  	v9 =	vld [tilespmem:s24+$0x30];
	v2 =	vmul.f32 $6.999999880e-01, v2;
	s22 =	sadd.s32 $0x80, s22  }
0x45: {  	s23 =	sadd.s32 $0x8, s23;
	v10 =	vld [tilespmem:s22+$0x30];
	[tilespmem:s17+$0xFFFFFFF0] =	vst v7;
	v6 =	vadd.f32 v8, v6;
	v1 =	vmul.f32 $3.000000120e-01, v1  }
0x46: {  	p0 =	slt.u32 s23, $0x3F8;
	v7 =	vld [tilespmem:s22+$0xFFFFFFC0];
	v4 =	vmul.f32 $6.999999880e-01, v4  }
0x47: {  	v8 =	vld [tilespmem:s24+$0xFFFFFFD0];
	[tilespmem:s17+$0x0] =	vst v6;
	v1 =	vadd.f32 v1, v2;
	v2 =	vmul.f32 $3.000000120e-01, v5  }
0x48: {  	v5 =	vld [tilespmem:s22+$0xFFFFFFD0];
	v3 =	vmul.f32 $6.999999880e-01, v3  }
0x49: {  	v6 =	vld [tilespmem:s24+$0xFFFFFFE0];
	[tilespmem:s17+$0x10] =	vst v1;
	v1 =	vadd.f32 v2, v4  }
0x4a: {  	v4 =	vmul.f32 $6.999999880e-01, v9;
	v2 =	vld [tilespmem:s22+$0xFFFFFFE0];
	v9 =	vmul.f32 $3.000000120e-01, v10;
	v3 =	vadd.f32 v0, v3  }
0x4b: {  	v0 =	vmul.f32 $3.000000120e-01, v7;
	v7 =	vld [tilespmem:s24+$0xFFFFFFF0];
	[tilespmem:s17+$0x20] =	vst v1  }
0x4c: {  	v1 =	vmul.f32 $6.999999880e-01, v8;
	v8 =	vld [tilespmem:s22+$0xFFFFFFF0];
	v4 =	vadd.f32 v9, v4;
	[tilespmem:s17+$0xFFFFFFC0] =	vst v3;
	s17 =	smov.u32 s24  }
0x4d: {  	v3 =	vmul.f32 $3.000000120e-01, v5;
	v5 =	vld [tilespmem:s24+$0x0]  }
0x4e: {  	v6 =	vmul.f32 $6.999999880e-01, v6;
	v9 =	vld [tilespmem:s22+$0x0];
	[tilespmem:s24+$0x30] =	vst v4  }
.Ltmp0:
0x4f: {  	v3 =	vadd.f32 v3, v1;
	v4 =	vmul.f32 $3.000000120e-01, v2;
	v2 =	vld [tilespmem:s24+$0x10];
	(pc) =	sbr.rel @p0 .LBB2_2-.Ltmp0, $4  }
0x50: {  	v7 =	vmul.f32 $6.999999880e-01, v7;
	v1 =	vld [tilespmem:s22+$0x10]  }
0x51: {  	[tilespmem:s24+$0xFFFFFFD0] =	vst v3;
	v10 =	vadd.f32 v4, v6;
	v8 =	vmul.f32 $3.000000120e-01, v8;
	v4 =	vld [tilespmem:s24+$0x20]  }
0x52: {  	v6 =	vmul.f32 $6.999999880e-01, v5;
	v5 =	vld [tilespmem:s22+$0x20]  }
0x53: {  	s24 =	sadd.s32 $0x80, s24;
	v3 =	vld [tilespmem:s17+$0xFFFFFFC0];
	[tilespmem:s17+$0xFFFFFFE0] =	vst v10;
	v7 =	vadd.f32 v8, v7;
	v8 =	vmul.f32 $3.000000120e-01, v9  }
0x54: {  	_ =	sdelay $0x1  }
0x55: {  	v2 =	vmul.f32 $6.999999880e-01, v2;
	v1 =	vmul.f32 $3.000000120e-01, v1  }
0x56: {  	v6 =	vadd.f32 v8, v6;
	v4 =	vmul.f32 $6.999999880e-01, v4;
	v5 =	vmul.f32 $3.000000120e-01, v5  }
0x57: {  	[tilespmem:s17+$0xFFFFFFF0] =	vst v7;
	v1 =	vadd.f32 v1, v2;
	v2 =	vmul.f32 $6.999999880e-01, v3  }
0x58: {  	[tilespmem:s17+$0x0] =	vst v6;
	v3 =	vadd.f32 v5, v4  }
0x59: {  	[tilespmem:s17+$0x10] =	vst v1;
	v0 =	vadd.f32 v0, v2  }
0x5a: {  	[tilespmem:s17+$0x20] =	vst v3  }
0x5b: {  	[tilespmem:s17+$0xFFFFFFC0] =	vst v0  }
0x5c: {  	_ =	swait.ge [sflag:s18], $0x4000  }
0x5d: {  	[sflag:s18] =	ssyncset.done $0x0  }
0x5e: {  	s17 =	simm.s32 $0x10040;
	s24 =	rddreg [dreg:$0x6];
	[sflag:s18] =	ssyncadd.s32 $0xFFFFC000  }
0x5f: {  	[tilespmem:s13], [sflag:$0x3] =	stream.linear.gather [hbm4b:s24+s1], $0x4000, $0x38;
	[tilespmem:$0x18000] =	vst v63  }
0x60: {  	s22 =	simm.s32 $0x40;
	v1 =	vld [tilespmem:s17+$0x30]  }
0x61: {  	v2 =	vld [tilespmem:s22+$0x30]  }
0x62: {  	v0 =	vld [tilespmem:s22+$0xFFFFFFC0]  }
0x63: {  	v3 =	vld [tilespmem:s17+$0xFFFFFFD0]  }
0x64: {  	v4 =	vld [tilespmem:s22+$0xFFFFFFD0]  }
0x65: {  	v5 =	vld [tilespmem:s17+$0xFFFFFFE0]  }
0x66: {  	v6 =	vld [tilespmem:s22+$0xFFFFFFE0]  }
0x67: {  	v7 =	vld [tilespmem:s17+$0xFFFFFFF0]  }
0x68: {  	v8 =	vld [tilespmem:s22+$0xFFFFFFF0]  }
0x69: {  	v9 =	vld [tilespmem:s17+$0x0]  }
0x6a: {  	v10 =	vld [tilespmem:s22+$0x0];
	v2 =	vadd.f32 v2, v1  }
0x6b: {  	v4 =	vadd.f32 v4, v3;
	v1 =	vld [tilespmem:s17+$0x10]  }
0x6c: {  	v5 =	vadd.f32 v6, v5;
	v3 =	vld [tilespmem:s22+$0x10];
	[tilespmem:s17+$0x30] =	vst v2  }
0x6d: {  	v6 =	vadd.f32 v8, v7;
	[tilespmem:s17+$0xFFFFFFD0] =	vst v4;
	v2 =	vld [tilespmem:s17+$0x20]  }
0x6e: {  	[tilespmem:s17+$0xFFFFFFE0] =	vst v5;
	v5 =	vld [tilespmem:s22+$0x20]  }
0x6f: {  	s23 =	simm.s32 $0x0;
	s24 =	simm.s32 $0x100C0;
	v4 =	vld [tilespmem:s17+$0xFFFFFFC0];
	[tilespmem:s17+$0xFFFFFFF0] =	vst v6;
	v6 =	vadd.f32 v10, v9  }
.LBB2_4:
0x70: {  	v7 =	vld [tilespmem:s24+$0x30];
	s22 =	sadd.s32 $0x80, s22  }
0x71: {  	s23 =	sadd.s32 $0x8, s23;
	v8 =	vld [tilespmem:s22+$0x30];
	[tilespmem:s17+$0x0] =	vst v6;
	v1 =	vadd.f32 v3, v1  }
0x72: {  	p0 =	slt.u32 s23, $0x3F8;
	v3 =	vld [tilespmem:s22+$0xFFFFFFC0]  }
0x73: {  	v6 =	vld [tilespmem:s24+$0xFFFFFFD0];
	[tilespmem:s17+$0x10] =	vst v1;
	v1 =	vadd.f32 v5, v2  }
0x74: {  	v2 =	vld [tilespmem:s22+$0xFFFFFFD0];
	v9 =	vadd.f32 v0, v4  }
0x75: {  	v4 =	vld [tilespmem:s24+$0xFFFFFFE0];
	[tilespmem:s17+$0x20] =	vst v1  }
0x76: {  	v1 =	vld [tilespmem:s22+$0xFFFFFFE0];
	v5 =	vadd.f32 v8, v7;
	[tilespmem:s17+$0xFFFFFFC0] =	vst v9;
	s17 =	smov.u32 s24  }
0x77: {  	v7 =	vld [tilespmem:s24+$0xFFFFFFF0];
	v0 =	vmov v3  }
0x78: {  	v8 =	vld [tilespmem:s22+$0xFFFFFFF0];
	[tilespmem:s24+$0x30] =	vst v5  }
0x79: {  	v2 =	vadd.f32 v2, v6;
	v6 =	vld [tilespmem:s24+$0x0]  }
0x7a: {  	v9 =	vld [tilespmem:s22+$0x0]  }
.Ltmp1:
0x7b: {  	[tilespmem:s24+$0xFFFFFFD0] =	vst v2;
	v2 =	vadd.f32 v1, v4;
	v1 =	vld [tilespmem:s24+$0x10];
	(pc) =	sbr.rel @p0 .LBB2_4-.Ltmp1, $4  }
0x7c: {  	v3 =	vld [tilespmem:s22+$0x10]  }
0x7d: {  	[tilespmem:s24+$0xFFFFFFE0] =	vst v2;
	v7 =	vadd.f32 v8, v7;
	v2 =	vld [tilespmem:s24+$0x20]  }
0x7e: {  	v5 =	vld [tilespmem:s22+$0x20]  }
0x7f: {  	s24 =	sadd.s32 $0x80, s24;
	v4 =	vld [tilespmem:s17+$0xFFFFFFC0];
	[tilespmem:s17+$0xFFFFFFF0] =	vst v7;
	v6 =	vadd.f32 v9, v6  }
0x80: {  	_ =	sdelay $0x1  }
0x81: {  	v1 =	vadd.f32 v3, v1  }
0x82: {  	[tilespmem:s17+$0x0] =	vst v6;
	v2 =	vadd.f32 v5, v2  }
0x83: {  	[tilespmem:s17+$0x10] =	vst v1;
	v0 =	vadd.f32 v0, v4  }
0x84: {  	[tilespmem:s17+$0x20] =	vst v2  }
0x85: {  	[tilespmem:s17+$0xFFFFFFC0] =	vst v0  }
0x86: {  	[hbm4b:s7+s1] =	stream.linear.scatter [tilespmem:s14], [sflag:$0x4], $0x4000, $0x38;
	[tilespmem:$0x18000] =	vst v63  }
0x87: {  	_ =	swait.ge [sflag:s19], $0x4000  }
0x88: {  	[sflag:s19] =	ssyncset.done $0x0  }
0x89: {  	[sflag:s19] =	ssyncadd.s32 $0xFFFFC000  }
0x8a: {  	_ =	swait.ge [sflag:s20], $0x4000  }
0x8b: {  	[sflag:s20] =	ssyncset.done $0x0  }
0x8c: {  	s17 =	simm.s32 $0x14040;
	s24 =	rddreg [dreg:$0x7];
	[sflag:s20] =	ssyncadd.s32 $0xFFFFC000  }
0x8d: {  	[tilespmem:s14], [sflag:$0x2] =	stream.linear.gather [hbm4b:s24+s1], $0x4000, $0x38;
	[tilespmem:$0x18000] =	vst v63  }
0x8e: {  	s22 =	simm.s32 $0x40;
	v1 =	vld [tilespmem:s17+$0x30]  }
0x8f: {  	v2 =	vld [tilespmem:s22+$0x30]  }
0x90: {  	v0 =	vld [tilespmem:s22+$0xFFFFFFC0]  }
0x91: {  	v3 =	vld [tilespmem:s17+$0xFFFFFFD0]  }
0x92: {  	v4 =	vld [tilespmem:s22+$0xFFFFFFD0]  }
0x93: {  	v5 =	vld [tilespmem:s17+$0xFFFFFFE0]  }
0x94: {  	v6 =	vld [tilespmem:s22+$0xFFFFFFE0]  }
0x95: {  	v7 =	vld [tilespmem:s17+$0xFFFFFFF0]  }
0x96: {  	v8 =	vld [tilespmem:s22+$0xFFFFFFF0]  }
0x97: {  	v9 =	vld [tilespmem:s17+$0x0]  }
0x98: {  	v10 =	vld [tilespmem:s22+$0x0];
	v2 =	vadd.f32 v2, v1  }
0x99: {  	v4 =	vadd.f32 v4, v3;
	v1 =	vld [tilespmem:s17+$0x10]  }
0x9a: {  	v5 =	vadd.f32 v6, v5;
	v3 =	vld [tilespmem:s22+$0x10];
	[tilespmem:s17+$0x30] =	vst v2  }
0x9b: {  	v6 =	vadd.f32 v8, v7;
	[tilespmem:s17+$0xFFFFFFD0] =	vst v4;
	v2 =	vld [tilespmem:s17+$0x20]  }
0x9c: {  	[tilespmem:s17+$0xFFFFFFE0] =	vst v5;
	v5 =	vld [tilespmem:s22+$0x20]  }
0x9d: {  	s23 =	simm.s32 $0x0;
	s24 =	simm.s32 $0x140C0;
	v4 =	vld [tilespmem:s17+$0xFFFFFFC0];
	[tilespmem:s17+$0xFFFFFFF0] =	vst v6;
	v6 =	vadd.f32 v10, v9  }
.LBB2_6:
0x9e: {  	v7 =	vld [tilespmem:s24+$0x30];
	s22 =	sadd.s32 $0x80, s22  }
0x9f: {  	s23 =	sadd.s32 $0x8, s23;
	v8 =	vld [tilespmem:s22+$0x30];
	[tilespmem:s17+$0x0] =	vst v6;
	v1 =	vadd.f32 v3, v1  }
0xa0: {  	p0 =	slt.u32 s23, $0x3F8;
	v3 =	vld [tilespmem:s22+$0xFFFFFFC0]  }
0xa1: {  	v6 =	vld [tilespmem:s24+$0xFFFFFFD0];
	[tilespmem:s17+$0x10] =	vst v1;
	v1 =	vadd.f32 v5, v2  }
0xa2: {  	v2 =	vld [tilespmem:s22+$0xFFFFFFD0];
	v9 =	vadd.f32 v0, v4  }
0xa3: {  	v4 =	vld [tilespmem:s24+$0xFFFFFFE0];
	[tilespmem:s17+$0x20] =	vst v1  }
0xa4: {  	v1 =	vld [tilespmem:s22+$0xFFFFFFE0];
	v5 =	vadd.f32 v8, v7;
	[tilespmem:s17+$0xFFFFFFC0] =	vst v9;
	s17 =	smov.u32 s24  }
0xa5: {  	v7 =	vld [tilespmem:s24+$0xFFFFFFF0];
	v0 =	vmov v3  }
0xa6: {  	v8 =	vld [tilespmem:s22+$0xFFFFFFF0];
	[tilespmem:s24+$0x30] =	vst v5  }
0xa7: {  	v2 =	vadd.f32 v2, v6;
	v6 =	vld [tilespmem:s24+$0x0]  }
0xa8: {  	v9 =	vld [tilespmem:s22+$0x0]  }
.Ltmp2:
0xa9: {  	[tilespmem:s24+$0xFFFFFFD0] =	vst v2;
	v2 =	vadd.f32 v1, v4;
	v1 =	vld [tilespmem:s24+$0x10];
	(pc) =	sbr.rel @p0 .LBB2_6-.Ltmp2, $4  }
0xaa: {  	v3 =	vld [tilespmem:s22+$0x10]  }
0xab: {  	[tilespmem:s24+$0xFFFFFFE0] =	vst v2;
	v7 =	vadd.f32 v8, v7;
	v2 =	vld [tilespmem:s24+$0x20]  }
0xac: {  	v5 =	vld [tilespmem:s22+$0x20]  }
0xad: {  	s24 =	sadd.s32 $0x80, s24;
	v4 =	vld [tilespmem:s17+$0xFFFFFFC0];
	[tilespmem:s17+$0xFFFFFFF0] =	vst v7;
	v6 =	vadd.f32 v9, v6  }
0xae: {  	_ =	sdelay $0x1  }
0xaf: {  	v1 =	vadd.f32 v3, v1  }
0xb0: {  	[tilespmem:s17+$0x0] =	vst v6;
	v2 =	vadd.f32 v5, v2  }
0xb1: {  	[tilespmem:s17+$0x10] =	vst v1;
	v0 =	vadd.f32 v0, v4  }
0xb2: {  	[tilespmem:s17+$0x20] =	vst v2  }
0xb3: {  	[tilespmem:s17+$0xFFFFFFC0] =	vst v0  }
0xb4: {  	s17 =	rddreg [dreg:$0x8]  }
0xb5: {  	[hbm4b:s17+s1] =	stream.linear.scatter [tilespmem:s13], [sflag:$0x5], $0x4000, $0x38;
	[tilespmem:$0x18000] =	vst v63  }
0xb6: {  	_ =	swait.ge [sflag:s18], $0x4000  }
0xb7: {  	[sflag:s18] =	ssyncset.done $0x0  }
0xb8: {  	[sflag:s18] =	ssyncadd.s32 $0xFFFFC000  }
0xb9: {  	_ =	swait.ge [sflag:s16], $0x4000  }
0xba: {  	[sflag:s16] =	ssyncset.done $0x0  }
0xbb: {  	s17 =	simm.s32 $0x10040;
	s24 =	rddreg [dreg:$0x9];
	[sflag:s16] =	ssyncadd.s32 $0xFFFFC000  }
0xbc: {  	[tilespmem:s13], [sflag:$0x3] =	stream.linear.gather [hbm4b:s24+s1], $0x4000, $0x38;
	[tilespmem:$0x18000] =	vst v63  }
0xbd: {  	s22 =	simm.s32 $0x40;
	v1 =	vld [tilespmem:s17+$0x30]  }
0xbe: {  	v2 =	vld [tilespmem:s22+$0x30]  }
0xbf: {  	v0 =	vld [tilespmem:s22+$0xFFFFFFC0]  }
0xc0: {  	v3 =	vld [tilespmem:s17+$0xFFFFFFD0]  }
0xc1: {  	v4 =	vld [tilespmem:s22+$0xFFFFFFD0]  }
0xc2: {  	v5 =	vld [tilespmem:s17+$0xFFFFFFE0]  }
0xc3: {  	v6 =	vld [tilespmem:s22+$0xFFFFFFE0]  }
0xc4: {  	v7 =	vld [tilespmem:s17+$0xFFFFFFF0]  }
0xc5: {  	v8 =	vld [tilespmem:s22+$0xFFFFFFF0]  }
0xc6: {  	v9 =	vld [tilespmem:s17+$0x0]  }
0xc7: {  	v10 =	vld [tilespmem:s22+$0x0];
	v2 =	vadd.f32 v2, v1  }
0xc8: {  	v4 =	vadd.f32 v4, v3;
	v1 =	vld [tilespmem:s17+$0x10]  }
0xc9: {  	v5 =	vadd.f32 v6, v5;
	v3 =	vld [tilespmem:s22+$0x10];
	[tilespmem:s17+$0x30] =	vst v2  }
0xca: {  	v6 =	vadd.f32 v8, v7;
	[tilespmem:s17+$0xFFFFFFD0] =	vst v4;
	v2 =	vld [tilespmem:s17+$0x20]  }
0xcb: {  	[tilespmem:s17+$0xFFFFFFE0] =	vst v5;
	v5 =	vld [tilespmem:s22+$0x20]  }
0xcc: {  	s23 =	simm.s32 $0x0;
	s24 =	simm.s32 $0x100C0;
	v4 =	vld [tilespmem:s17+$0xFFFFFFC0];
	[tilespmem:s17+$0xFFFFFFF0] =	vst v6;
	v6 =	vadd.f32 v10, v9  }
.LBB2_8:
0xcd: {  	v7 =	vld [tilespmem:s24+$0x30];
	s22 =	sadd.s32 $0x80, s22  }
0xce: {  	s23 =	sadd.s32 $0x8, s23;
	v8 =	vld [tilespmem:s22+$0x30];
	[tilespmem:s17+$0x0] =	vst v6;
	v1 =	vadd.f32 v3, v1  }
0xcf: {  	p0 =	slt.u32 s23, $0x3F8;
	v3 =	vld [tilespmem:s22+$0xFFFFFFC0]  }
0xd0: {  	v6 =	vld [tilespmem:s24+$0xFFFFFFD0];
	[tilespmem:s17+$0x10] =	vst v1;
	v1 =	vadd.f32 v5, v2  }
0xd1: {  	v2 =	vld [tilespmem:s22+$0xFFFFFFD0];
	v9 =	vadd.f32 v0, v4  }
0xd2: {  	v4 =	vld [tilespmem:s24+$0xFFFFFFE0];
	[tilespmem:s17+$0x20] =	vst v1  }
0xd3: {  	v1 =	vld [tilespmem:s22+$0xFFFFFFE0];
	v5 =	vadd.f32 v8, v7;
	[tilespmem:s17+$0xFFFFFFC0] =	vst v9;
	s17 =	smov.u32 s24  }
0xd4: {  	v7 =	vld [tilespmem:s24+$0xFFFFFFF0];
	v0 =	vmov v3  }
0xd5: {  	v8 =	vld [tilespmem:s22+$0xFFFFFFF0];
	[tilespmem:s24+$0x30] =	vst v5  }
0xd6: {  	v2 =	vadd.f32 v2, v6;
	v6 =	vld [tilespmem:s24+$0x0]  }
0xd7: {  	v9 =	vld [tilespmem:s22+$0x0]  }
.Ltmp3:
0xd8: {  	[tilespmem:s24+$0xFFFFFFD0] =	vst v2;
	v2 =	vadd.f32 v1, v4;
	v1 =	vld [tilespmem:s24+$0x10];
	(pc) =	sbr.rel @p0 .LBB2_8-.Ltmp3, $4  }
0xd9: {  	v3 =	vld [tilespmem:s22+$0x10]  }
0xda: {  	[tilespmem:s24+$0xFFFFFFE0] =	vst v2;
	v7 =	vadd.f32 v8, v7;
	v2 =	vld [tilespmem:s24+$0x20]  }
0xdb: {  	v5 =	vld [tilespmem:s22+$0x20]  }
0xdc: {  	s24 =	sadd.s32 $0x80, s24;
	v4 =	vld [tilespmem:s17+$0xFFFFFFC0];
	[tilespmem:s17+$0xFFFFFFF0] =	vst v7;
	v6 =	vadd.f32 v9, v6  }
0xdd: {  	_ =	sdelay $0x1  }
0xde: {  	v1 =	vadd.f32 v3, v1  }
0xdf: {  	[tilespmem:s17+$0x0] =	vst v6;
	v2 =	vadd.f32 v5, v2  }
0xe0: {  	[tilespmem:s17+$0x10] =	vst v1;
	v0 =	vadd.f32 v0, v4  }
0xe1: {  	[tilespmem:s17+$0x20] =	vst v2  }
0xe2: {  	[tilespmem:s17+$0xFFFFFFC0] =	vst v0  }
0xe3: {  	s17 =	rddreg [dreg:$0xa]  }
0xe4: {  	[hbm4b:s17+s1] =	stream.linear.scatter [tilespmem:s14], [sflag:$0x4], $0x4000, $0x38;
	[tilespmem:$0x18000] =	vst v63  }
0xe5: {  	_ =	swait.ge [sflag:s19], $0x4000  }
0xe6: {  	[sflag:s19] =	ssyncset.done $0x0  }
0xe7: {  	[sflag:s19] =	ssyncadd.s32 $0xFFFFC000  }
0xe8: {  	_ =	swait.ge [sflag:s20], $0x4000  }
0xe9: {  	[sflag:s20] =	ssyncset.done $0x0  }
0xea: {  	s17 =	simm.s32 $0x14040;
	s24 =	rddreg [dreg:$0xb];
	[sflag:s20] =	ssyncadd.s32 $0xFFFFC000  }
0xeb: {  	[tilespmem:s14], [sflag:$0x2] =	stream.linear.gather [hbm4b:s24+s1], $0x4000, $0x38;
	[tilespmem:$0x18000] =	vst v63  }
0xec: {  	s22 =	simm.s32 $0x40;
	v1 =	vld [tilespmem:s17+$0x30]  }
0xed: {  	v2 =	vld [tilespmem:s22+$0x30]  }
0xee: {  	v0 =	vld [tilespmem:s22+$0xFFFFFFC0]  }
0xef: {  	v3 =	vld [tilespmem:s17+$0xFFFFFFD0]  }
0xf0: {  	v4 =	vld [tilespmem:s22+$0xFFFFFFD0]  }
0xf1: {  	v5 =	vld [tilespmem:s17+$0xFFFFFFE0]  }
0xf2: {  	v6 =	vld [tilespmem:s22+$0xFFFFFFE0]  }
0xf3: {  	v7 =	vld [tilespmem:s17+$0xFFFFFFF0]  }
0xf4: {  	v8 =	vld [tilespmem:s22+$0xFFFFFFF0]  }
0xf5: {  	v9 =	vld [tilespmem:s17+$0x0]  }
0xf6: {  	v10 =	vld [tilespmem:s22+$0x0];
	v2 =	vadd.f32 v2, v1  }
0xf7: {  	v4 =	vadd.f32 v4, v3;
	v1 =	vld [tilespmem:s17+$0x10]  }
0xf8: {  	v5 =	vadd.f32 v6, v5;
	v3 =	vld [tilespmem:s22+$0x10];
	[tilespmem:s17+$0x30] =	vst v2  }
0xf9: {  	v6 =	vadd.f32 v8, v7;
	[tilespmem:s17+$0xFFFFFFD0] =	vst v4;
	v2 =	vld [tilespmem:s17+$0x20]  }
0xfa: {  	[tilespmem:s17+$0xFFFFFFE0] =	vst v5;
	v5 =	vld [tilespmem:s22+$0x20]  }
0xfb: {  	s23 =	simm.s32 $0x0;
	s24 =	simm.s32 $0x140C0;
	v4 =	vld [tilespmem:s17+$0xFFFFFFC0];
	[tilespmem:s17+$0xFFFFFFF0] =	vst v6;
	v6 =	vadd.f32 v10, v9  }
.LBB2_10:
0xfc: {  	v7 =	vld [tilespmem:s24+$0x30];
	s22 =	sadd.s32 $0x80, s22  }
0xfd: {  	s23 =	sadd.s32 $0x8, s23;
	v8 =	vld [tilespmem:s22+$0x30];
	[tilespmem:s17+$0x0] =	vst v6;
	v1 =	vadd.f32 v3, v1  }
0xfe: {  	p0 =	slt.u32 s23, $0x3F8;
	v3 =	vld [tilespmem:s22+$0xFFFFFFC0]  }
0xff: {  	v6 =	vld [tilespmem:s24+$0xFFFFFFD0];
	[tilespmem:s17+$0x10] =	vst v1;
	v1 =	vadd.f32 v5, v2  }
0x100: {  	v2 =	vld [tilespmem:s22+$0xFFFFFFD0];
	v9 =	vadd.f32 v0, v4  }
0x101: {  	v4 =	vld [tilespmem:s24+$0xFFFFFFE0];
	[tilespmem:s17+$0x20] =	vst v1  }
0x102: {  	v1 =	vld [tilespmem:s22+$0xFFFFFFE0];
	v5 =	vadd.f32 v8, v7;
	[tilespmem:s17+$0xFFFFFFC0] =	vst v9;
	s17 =	smov.u32 s24  }
0x103: {  	v7 =	vld [tilespmem:s24+$0xFFFFFFF0];
	v0 =	vmov v3  }
0x104: {  	v8 =	vld [tilespmem:s22+$0xFFFFFFF0];
	[tilespmem:s24+$0x30] =	vst v5  }
0x105: {  	v2 =	vadd.f32 v2, v6;
	v6 =	vld [tilespmem:s24+$0x0]  }
0x106: {  	v9 =	vld [tilespmem:s22+$0x0]  }
.Ltmp4:
0x107: {  	[tilespmem:s24+$0xFFFFFFD0] =	vst v2;
	v2 =	vadd.f32 v1, v4;
	v1 =	vld [tilespmem:s24+$0x10];
	(pc) =	sbr.rel @p0 .LBB2_10-.Ltmp4, $4  }
0x108: {  	v3 =	vld [tilespmem:s22+$0x10]  }
0x109: {  	[tilespmem:s24+$0xFFFFFFE0] =	vst v2;
	v7 =	vadd.f32 v8, v7;
	v2 =	vld [tilespmem:s24+$0x20]  }
0x10a: {  	v5 =	vld [tilespmem:s22+$0x20]  }
0x10b: {  	s24 =	sadd.s32 $0x80, s24;
	v4 =	vld [tilespmem:s17+$0xFFFFFFC0];
	[tilespmem:s17+$0xFFFFFFF0] =	vst v7;
	v6 =	vadd.f32 v9, v6  }
0x10c: {  	_ =	sdelay $0x1  }
0x10d: {  	v1 =	vadd.f32 v3, v1  }
0x10e: {  	[tilespmem:s17+$0x0] =	vst v6;
	v2 =	vadd.f32 v5, v2  }
0x10f: {  	[tilespmem:s17+$0x10] =	vst v1;
	v0 =	vadd.f32 v0, v4  }
0x110: {  	[tilespmem:s17+$0x20] =	vst v2  }
0x111: {  	[tilespmem:s17+$0xFFFFFFC0] =	vst v0  }
0x112: {  	s17 =	rddreg [dreg:$0xc]  }
0x113: {  	[hbm4b:s17+s1] =	stream.linear.scatter [tilespmem:s13], [sflag:$0x5], $0x4000, $0x38;
	[tilespmem:$0x18000] =	vst v63  }
0x114: {  	_ =	swait.ge [sflag:s15], $0x4000  }
0x115: {  	[sflag:s15] =	ssyncset.done $0x0  }
0x116: {  	[sflag:s15] =	ssyncadd.s32 $0xFFFFC000  }
0x117: {  	_ =	swait.ge [sflag:s15], $0x4000  }
0x118: {  	[sflag:s15] =	ssyncset.done $0x0  }
0x119: {  	s23 =	rddreg [dreg:$0x14];
	[sflag:s15] =	ssyncadd.s32 $0xFFFFC000  }
0x11a: {  	[tilespmem:s1], [sflag:$0x1] =	stream.linear.gather [hbm4b:s23+s1], $0x4000, $0x38;
	[tilespmem:$0x18000] =	vst v63  }
0x11b: {  	s22 =	simm.s32 $0x8000;
	s17 =	simm.s32 $0x4040;
	s24 =	rddreg [dreg:$0x17]  }
0x11c: {  	[tilespmem:s22], [sflag:$0x1] =	stream.linear.gather [hbm4b:s24+s1], $0x4000, $0x38;
	[tilespmem:$0x18000] =	vst v63  }
0x11d: {  	s22 =	simm.s32 $0xC040;
	v0 =	vld [tilespmem:s17+$0x30]  }
0x11e: {  	v1 =	vld [tilespmem:s22+$0x30]  }
0x11f: {  	v3 =	vld [tilespmem:s22+$0xFFFFFFC0]  }
0x120: {  	v2 =	vld [tilespmem:s17+$0xFFFFFFD0]  }
0x121: {  	v4 =	vld [tilespmem:s22+$0xFFFFFFD0]  }
0x122: {  	v5 =	vld [tilespmem:s17+$0xFFFFFFE0]  }
0x123: {  	v6 =	vld [tilespmem:s22+$0xFFFFFFE0]  }
0x124: {  	v7 =	vld [tilespmem:s17+$0xFFFFFFF0]  }
0x125: {  	v8 =	vld [tilespmem:s22+$0xFFFFFFF0]  }
0x126: {  	v9 =	vld [tilespmem:s17+$0x0];
	v0 =	vmul.f32 $6.999999880e-01, v0;
	v1 =	vmul.f32 $3.000000120e-01, v1  }
0x127: {  	v11 =	vld [tilespmem:s22+$0x0];
	v10 =	vmul.f32 $6.999999880e-01, v2;
	v4 =	vmul.f32 $3.000000120e-01, v4  }
0x128: {  	v5 =	vmul.f32 $6.999999880e-01, v5;
	v6 =	vmul.f32 $3.000000120e-01, v6;
	v2 =	vld [tilespmem:s17+$0x10];
	v0 =	vadd.f32 v1, v0  }
0x129: {  	v10 =	vadd.f32 v4, v10;
	v1 =	vld [tilespmem:s22+$0x10]  }
0x12a: {  	v7 =	vmul.f32 $6.999999880e-01, v7;
	v8 =	vmul.f32 $3.000000120e-01, v8;
	v12 =	vadd.f32 v6, v5;
	v4 =	vld [tilespmem:s17+$0x20];
	[tilespmem:s17+$0x30] =	vst v0  }
0x12b: {  	v6 =	vmul.f32 $6.999999880e-01, v9;
	v5 =	vld [tilespmem:s22+$0x20];
	[tilespmem:s17+$0xFFFFFFD0] =	vst v10  }
0x12c: {  	s23 =	simm.s32 $0x0;
	s24 =	simm.s32 $0x40C0;
	v7 =	vadd.f32 v8, v7;
	v8 =	vmul.f32 $3.000000120e-01, v11;
	v0 =	vmul.f32 $3.000000120e-01, v3;
	v3 =	vld [tilespmem:s17+$0xFFFFFFC0];
	[tilespmem:s17+$0xFFFFFFE0] =	vst v12  }
.LBB2_12:
0x12d: {  	v9 =	vld [tilespmem:s24+$0x30];
	v2 =	vmul.f32 $6.999999880e-01, v2;
	s22 =	sadd.s32 $0x80, s22  }
0x12e: {  	s23 =	sadd.s32 $0x8, s23;
	v10 =	vld [tilespmem:s22+$0x30];
	[tilespmem:s17+$0xFFFFFFF0] =	vst v7;
	v6 =	vadd.f32 v8, v6;
	v1 =	vmul.f32 $3.000000120e-01, v1  }
0x12f: {  	p0 =	slt.u32 s23, $0x3F8;
	v7 =	vld [tilespmem:s22+$0xFFFFFFC0];
	v4 =	vmul.f32 $6.999999880e-01, v4  }
0x130: {  	v8 =	vld [tilespmem:s24+$0xFFFFFFD0];
	[tilespmem:s17+$0x0] =	vst v6;
	v1 =	vadd.f32 v1, v2;
	v2 =	vmul.f32 $3.000000120e-01, v5  }
0x131: {  	v5 =	vld [tilespmem:s22+$0xFFFFFFD0];
	v3 =	vmul.f32 $6.999999880e-01, v3  }
0x132: {  	v6 =	vld [tilespmem:s24+$0xFFFFFFE0];
	[tilespmem:s17+$0x10] =	vst v1;
	v1 =	vadd.f32 v2, v4  }
0x133: {  	v4 =	vmul.f32 $6.999999880e-01, v9;
	v2 =	vld [tilespmem:s22+$0xFFFFFFE0];
	v9 =	vmul.f32 $3.000000120e-01, v10;
	v3 =	vadd.f32 v0, v3  }
0x134: {  	v0 =	vmul.f32 $3.000000120e-01, v7;
	v7 =	vld [tilespmem:s24+$0xFFFFFFF0];
	[tilespmem:s17+$0x20] =	vst v1  }
0x135: {  	v1 =	vmul.f32 $6.999999880e-01, v8;
	v8 =	vld [tilespmem:s22+$0xFFFFFFF0];
	v4 =	vadd.f32 v9, v4;
	[tilespmem:s17+$0xFFFFFFC0] =	vst v3;
	s17 =	smov.u32 s24  }
0x136: {  	v3 =	vmul.f32 $3.000000120e-01, v5;
	v5 =	vld [tilespmem:s24+$0x0]  }
0x137: {  	v6 =	vmul.f32 $6.999999880e-01, v6;
	v9 =	vld [tilespmem:s22+$0x0];
	[tilespmem:s24+$0x30] =	vst v4  }
.Ltmp5:
0x138: {  	v3 =	vadd.f32 v3, v1;
	v4 =	vmul.f32 $3.000000120e-01, v2;
	v2 =	vld [tilespmem:s24+$0x10];
	(pc) =	sbr.rel @p0 .LBB2_12-.Ltmp5, $4  }
0x139: {  	v7 =	vmul.f32 $6.999999880e-01, v7;
	v1 =	vld [tilespmem:s22+$0x10]  }
0x13a: {  	[tilespmem:s24+$0xFFFFFFD0] =	vst v3;
	v10 =	vadd.f32 v4, v6;
	v8 =	vmul.f32 $3.000000120e-01, v8;
	v4 =	vld [tilespmem:s24+$0x20]  }
0x13b: {  	v6 =	vmul.f32 $6.999999880e-01, v5;
	v5 =	vld [tilespmem:s22+$0x20]  }
0x13c: {  	s24 =	sadd.s32 $0x80, s24;
	v3 =	vld [tilespmem:s17+$0xFFFFFFC0];
	[tilespmem:s17+$0xFFFFFFE0] =	vst v10;
	v7 =	vadd.f32 v8, v7;
	v8 =	vmul.f32 $3.000000120e-01, v9  }
0x13d: {  	_ =	sdelay $0x1  }
0x13e: {  	v2 =	vmul.f32 $6.999999880e-01, v2;
	v1 =	vmul.f32 $3.000000120e-01, v1  }
0x13f: {  	v6 =	vadd.f32 v8, v6;
	v4 =	vmul.f32 $6.999999880e-01, v4;
	v5 =	vmul.f32 $3.000000120e-01, v5  }
0x140: {  	[tilespmem:s17+$0xFFFFFFF0] =	vst v7;
	v1 =	vadd.f32 v1, v2;
	v2 =	vmul.f32 $6.999999880e-01, v3  }
0x141: {  	[tilespmem:s17+$0x0] =	vst v6;
	v3 =	vadd.f32 v5, v4  }
0x142: {  	[tilespmem:s17+$0x10] =	vst v1;
	v0 =	vadd.f32 v0, v2  }
0x143: {  	[tilespmem:s17+$0x20] =	vst v3  }
0x144: {  	[tilespmem:s17+$0xFFFFFFC0] =	vst v0  }
0x145: {  	_ =	swait.ge [sflag:s18], $0x4000  }
0x146: {  	[sflag:s18] =	ssyncset.done $0x0  }
0x147: {  	[sflag:s18] =	ssyncadd.s32 $0xFFFFC000  }
0x148: {  	_ =	swait.ge [sflag:s16], $0x4000  }
0x149: {  	[sflag:s16] =	ssyncset.done $0x0  }
0x14a: {  	s17 =	simm.s32 $0x10040;
	s24 =	rddreg [dreg:$0xd];
	[sflag:s16] =	ssyncadd.s32 $0xFFFFC000  }
0x14b: {  	[tilespmem:s13], [sflag:$0x3] =	stream.linear.gather [hbm4b:s24+s1], $0x4000, $0x38;
	[tilespmem:$0x18000] =	vst v63  }
0x14c: {  	s22 =	simm.s32 $0x4040;
	v1 =	vld [tilespmem:s17+$0x30]  }
0x14d: {  	v2 =	vld [tilespmem:s22+$0x30]  }
0x14e: {  	v0 =	vld [tilespmem:s22+$0xFFFFFFC0]  }
0x14f: {  	v3 =	vld [tilespmem:s17+$0xFFFFFFD0]  }
0x150: {  	v4 =	vld [tilespmem:s22+$0xFFFFFFD0]  }
0x151: {  	v5 =	vld [tilespmem:s17+$0xFFFFFFE0]  }
0x152: {  	v6 =	vld [tilespmem:s22+$0xFFFFFFE0]  }
0x153: {  	v7 =	vld [tilespmem:s17+$0xFFFFFFF0]  }
0x154: {  	v8 =	vld [tilespmem:s22+$0xFFFFFFF0]  }
0x155: {  	v9 =	vld [tilespmem:s17+$0x0]  }
0x156: {  	v10 =	vld [tilespmem:s22+$0x0];
	v2 =	vadd.f32 v2, v1  }
0x157: {  	v4 =	vadd.f32 v4, v3;
	v1 =	vld [tilespmem:s17+$0x10]  }
0x158: {  	v5 =	vadd.f32 v6, v5;
	v3 =	vld [tilespmem:s22+$0x10];
	[tilespmem:s17+$0x30] =	vst v2  }
0x159: {  	v6 =	vadd.f32 v8, v7;
	[tilespmem:s17+$0xFFFFFFD0] =	vst v4;
	v2 =	vld [tilespmem:s17+$0x20]  }
0x15a: {  	[tilespmem:s17+$0xFFFFFFE0] =	vst v5;
	v5 =	vld [tilespmem:s22+$0x20]  }
0x15b: {  	s23 =	simm.s32 $0x0;
	s24 =	simm.s32 $0x100C0;
	v4 =	vld [tilespmem:s17+$0xFFFFFFC0];
	[tilespmem:s17+$0xFFFFFFF0] =	vst v6;
	v6 =	vadd.f32 v10, v9  }
.LBB2_14:
0x15c: {  	v7 =	vld [tilespmem:s24+$0x30];
	s22 =	sadd.s32 $0x80, s22  }
0x15d: {  	s23 =	sadd.s32 $0x8, s23;
	v8 =	vld [tilespmem:s22+$0x30];
	[tilespmem:s17+$0x0] =	vst v6;
	v1 =	vadd.f32 v3, v1  }
0x15e: {  	p0 =	slt.u32 s23, $0x3F8;
	v3 =	vld [tilespmem:s22+$0xFFFFFFC0]  }
0x15f: {  	v6 =	vld [tilespmem:s24+$0xFFFFFFD0];
	[tilespmem:s17+$0x10] =	vst v1;
	v1 =	vadd.f32 v5, v2  }
0x160: {  	v2 =	vld [tilespmem:s22+$0xFFFFFFD0];
	v9 =	vadd.f32 v0, v4  }
0x161: {  	v4 =	vld [tilespmem:s24+$0xFFFFFFE0];
	[tilespmem:s17+$0x20] =	vst v1  }
0x162: {  	v1 =	vld [tilespmem:s22+$0xFFFFFFE0];
	v5 =	vadd.f32 v8, v7;
	[tilespmem:s17+$0xFFFFFFC0] =	vst v9;
	s17 =	smov.u32 s24  }
0x163: {  	v7 =	vld [tilespmem:s24+$0xFFFFFFF0];
	v0 =	vmov v3  }
0x164: {  	v8 =	vld [tilespmem:s22+$0xFFFFFFF0];
	[tilespmem:s24+$0x30] =	vst v5  }
0x165: {  	v2 =	vadd.f32 v2, v6;
	v6 =	vld [tilespmem:s24+$0x0]  }
0x166: {  	v9 =	vld [tilespmem:s22+$0x0]  }
.Ltmp6:
0x167: {  	[tilespmem:s24+$0xFFFFFFD0] =	vst v2;
	v2 =	vadd.f32 v1, v4;
	v1 =	vld [tilespmem:s24+$0x10];
	(pc) =	sbr.rel @p0 .LBB2_14-.Ltmp6, $4  }
0x168: {  	v3 =	vld [tilespmem:s22+$0x10]  }
0x169: {  	[tilespmem:s24+$0xFFFFFFE0] =	vst v2;
	v7 =	vadd.f32 v8, v7;
	v2 =	vld [tilespmem:s24+$0x20]  }
0x16a: {  	v5 =	vld [tilespmem:s22+$0x20]  }
0x16b: {  	s24 =	sadd.s32 $0x80, s24;
	v4 =	vld [tilespmem:s17+$0xFFFFFFC0];
	[tilespmem:s17+$0xFFFFFFF0] =	vst v7;
	v6 =	vadd.f32 v9, v6  }
0x16c: {  	_ =	sdelay $0x1  }
0x16d: {  	v1 =	vadd.f32 v3, v1  }
0x16e: {  	[tilespmem:s17+$0x0] =	vst v6;
	v2 =	vadd.f32 v5, v2  }
0x16f: {  	[tilespmem:s17+$0x10] =	vst v1;
	v0 =	vadd.f32 v0, v4  }
0x170: {  	[tilespmem:s17+$0x20] =	vst v2  }
0x171: {  	[tilespmem:s17+$0xFFFFFFC0] =	vst v0  }
0x172: {  	s17 =	rddreg [dreg:$0xe]  }
0x173: {  	[hbm4b:s17+s1] =	stream.linear.scatter [tilespmem:s14], [sflag:$0x4], $0x4000, $0x38;
	[tilespmem:$0x18000] =	vst v63  }
0x174: {  	_ =	swait.ge [sflag:s19], $0x4000  }
0x175: {  	[sflag:s19] =	ssyncset.done $0x0  }
0x176: {  	[sflag:s19] =	ssyncadd.s32 $0xFFFFC000  }
0x177: {  	_ =	swait.ge [sflag:s20], $0x4000  }
0x178: {  	[sflag:s20] =	ssyncset.done $0x0  }
0x179: {  	s17 =	simm.s32 $0x14040;
	s24 =	rddreg [dreg:$0xf];
	[sflag:s20] =	ssyncadd.s32 $0xFFFFC000  }
0x17a: {  	[tilespmem:s14], [sflag:$0x2] =	stream.linear.gather [hbm4b:s24+s1], $0x4000, $0x38;
	[tilespmem:$0x18000] =	vst v63  }
0x17b: {  	s22 =	simm.s32 $0x4040;
	v1 =	vld [tilespmem:s17+$0x30]  }
0x17c: {  	v2 =	vld [tilespmem:s22+$0x30]  }
0x17d: {  	v0 =	vld [tilespmem:s22+$0xFFFFFFC0]  }
0x17e: {  	v3 =	vld [tilespmem:s17+$0xFFFFFFD0]  }
0x17f: {  	v4 =	vld [tilespmem:s22+$0xFFFFFFD0]  }
0x180: {  	v5 =	vld [tilespmem:s17+$0xFFFFFFE0]  }
0x181: {  	v6 =	vld [tilespmem:s22+$0xFFFFFFE0]  }
0x182: {  	v7 =	vld [tilespmem:s17+$0xFFFFFFF0]  }
0x183: {  	v8 =	vld [tilespmem:s22+$0xFFFFFFF0]  }
0x184: {  	v9 =	vld [tilespmem:s17+$0x0]  }
0x185: {  	v10 =	vld [tilespmem:s22+$0x0];
	v2 =	vadd.f32 v2, v1  }
0x186: {  	v4 =	vadd.f32 v4, v3;
	v1 =	vld [tilespmem:s17+$0x10]  }
0x187: {  	v5 =	vadd.f32 v6, v5;
	v3 =	vld [tilespmem:s22+$0x10];
	[tilespmem:s17+$0x30] =	vst v2  }
0x188: {  	v6 =	vadd.f32 v8, v7;
	[tilespmem:s17+$0xFFFFFFD0] =	vst v4;
	v2 =	vld [tilespmem:s17+$0x20]  }
0x189: {  	[tilespmem:s17+$0xFFFFFFE0] =	vst v5;
	v5 =	vld [tilespmem:s22+$0x20]  }
0x18a: {  	s23 =	simm.s32 $0x0;
	s24 =	simm.s32 $0x140C0;
	v4 =	vld [tilespmem:s17+$0xFFFFFFC0];
	[tilespmem:s17+$0xFFFFFFF0] =	vst v6;
	v6 =	vadd.f32 v10, v9  }
.LBB2_16:
0x18b: {  	v7 =	vld [tilespmem:s24+$0x30];
	s22 =	sadd.s32 $0x80, s22  }
0x18c: {  	s23 =	sadd.s32 $0x8, s23;
	v8 =	vld [tilespmem:s22+$0x30];
	[tilespmem:s17+$0x0] =	vst v6;
	v1 =	vadd.f32 v3, v1  }
0x18d: {  	p0 =	slt.u32 s23, $0x3F8;
	v3 =	vld [tilespmem:s22+$0xFFFFFFC0]  }
0x18e: {  	v6 =	vld [tilespmem:s24+$0xFFFFFFD0];
	[tilespmem:s17+$0x10] =	vst v1;
	v1 =	vadd.f32 v5, v2  }
0x18f: {  	v2 =	vld [tilespmem:s22+$0xFFFFFFD0];
	v9 =	vadd.f32 v0, v4  }
0x190: {  	v4 =	vld [tilespmem:s24+$0xFFFFFFE0];
	[tilespmem:s17+$0x20] =	vst v1  }
0x191: {  	v1 =	vld [tilespmem:s22+$0xFFFFFFE0];
	v5 =	vadd.f32 v8, v7;
	[tilespmem:s17+$0xFFFFFFC0] =	vst v9;
	s17 =	smov.u32 s24  }
0x192: {  	v7 =	vld [tilespmem:s24+$0xFFFFFFF0];
	v0 =	vmov v3  }
0x193: {  	v8 =	vld [tilespmem:s22+$0xFFFFFFF0];
	[tilespmem:s24+$0x30] =	vst v5  }
0x194: {  	v2 =	vadd.f32 v2, v6;
	v6 =	vld [tilespmem:s24+$0x0]  }
0x195: {  	v9 =	vld [tilespmem:s22+$0x0]  }
.Ltmp7:
0x196: {  	[tilespmem:s24+$0xFFFFFFD0] =	vst v2;
	v2 =	vadd.f32 v1, v4;
	v1 =	vld [tilespmem:s24+$0x10];
	(pc) =	sbr.rel @p0 .LBB2_16-.Ltmp7, $4  }
0x197: {  	v3 =	vld [tilespmem:s22+$0x10]  }
0x198: {  	[tilespmem:s24+$0xFFFFFFE0] =	vst v2;
	v7 =	vadd.f32 v8, v7;
	v2 =	vld [tilespmem:s24+$0x20]  }
0x199: {  	v5 =	vld [tilespmem:s22+$0x20]  }
0x19a: {  	s24 =	sadd.s32 $0x80, s24;
	v4 =	vld [tilespmem:s17+$0xFFFFFFC0];
	[tilespmem:s17+$0xFFFFFFF0] =	vst v7;
	v6 =	vadd.f32 v9, v6  }
0x19b: {  	_ =	sdelay $0x1  }
0x19c: {  	v1 =	vadd.f32 v3, v1  }
0x19d: {  	[tilespmem:s17+$0x0] =	vst v6;
	v2 =	vadd.f32 v5, v2  }
0x19e: {  	[tilespmem:s17+$0x10] =	vst v1;
	v0 =	vadd.f32 v0, v4  }
0x19f: {  	[tilespmem:s17+$0x20] =	vst v2  }
0x1a0: {  	[tilespmem:s17+$0xFFFFFFC0] =	vst v0  }
0x1a1: {  	s17 =	rddreg [dreg:$0x10]  }
0x1a2: {  	[hbm4b:s17+s1] =	stream.linear.scatter [tilespmem:s13], [sflag:$0x5], $0x4000, $0x38;
	[tilespmem:$0x18000] =	vst v63  }
0x1a3: {  	_ =	swait.ge [sflag:s18], $0x4000  }
0x1a4: {  	[sflag:s18] =	ssyncset.done $0x0  }
0x1a5: {  	[sflag:s18] =	ssyncadd.s32 $0xFFFFC000  }
0x1a6: {  	_ =	swait.ge [sflag:s16], $0x4000  }
0x1a7: {  	[sflag:s16] =	ssyncset.done $0x0  }
0x1a8: {  	s17 =	simm.s32 $0x10040;
	s24 =	rddreg [dreg:$0x11];
	[sflag:s16] =	ssyncadd.s32 $0xFFFFC000  }
0x1a9: {  	[tilespmem:s13], [sflag:$0x3] =	stream.linear.gather [hbm4b:s24+s1], $0x4000, $0x38;
	[tilespmem:$0x18000] =	vst v63  }
0x1aa: {  	s22 =	simm.s32 $0x4040;
	v1 =	vld [tilespmem:s17+$0x30]  }
0x1ab: {  	v2 =	vld [tilespmem:s22+$0x30]  }
0x1ac: {  	v0 =	vld [tilespmem:s22+$0xFFFFFFC0]  }
0x1ad: {  	v3 =	vld [tilespmem:s17+$0xFFFFFFD0]  }
0x1ae: {  	v4 =	vld [tilespmem:s22+$0xFFFFFFD0]  }
0x1af: {  	v5 =	vld [tilespmem:s17+$0xFFFFFFE0]  }
0x1b0: {  	v6 =	vld [tilespmem:s22+$0xFFFFFFE0]  }
0x1b1: {  	v7 =	vld [tilespmem:s17+$0xFFFFFFF0]  }
0x1b2: {  	v8 =	vld [tilespmem:s22+$0xFFFFFFF0]  }
0x1b3: {  	v9 =	vld [tilespmem:s17+$0x0]  }
0x1b4: {  	v10 =	vld [tilespmem:s22+$0x0];
	v2 =	vadd.f32 v2, v1  }
0x1b5: {  	v4 =	vadd.f32 v4, v3;
	v1 =	vld [tilespmem:s17+$0x10]  }
0x1b6: {  	v5 =	vadd.f32 v6, v5;
	v3 =	vld [tilespmem:s22+$0x10];
	[tilespmem:s17+$0x30] =	vst v2  }
0x1b7: {  	v6 =	vadd.f32 v8, v7;
	[tilespmem:s17+$0xFFFFFFD0] =	vst v4;
	v2 =	vld [tilespmem:s17+$0x20]  }
0x1b8: {  	[tilespmem:s17+$0xFFFFFFE0] =	vst v5;
	v5 =	vld [tilespmem:s22+$0x20]  }
0x1b9: {  	s23 =	simm.s32 $0x0;
	s24 =	simm.s32 $0x100C0;
	v4 =	vld [tilespmem:s17+$0xFFFFFFC0];
	[tilespmem:s17+$0xFFFFFFF0] =	vst v6;
	v6 =	vadd.f32 v10, v9  }
.LBB2_18:
0x1ba: {  	v7 =	vld [tilespmem:s24+$0x30];
	s22 =	sadd.s32 $0x80, s22  }
0x1bb: {  	s23 =	sadd.s32 $0x8, s23;
	v8 =	vld [tilespmem:s22+$0x30];
	[tilespmem:s17+$0x0] =	vst v6;
	v1 =	vadd.f32 v3, v1  }
0x1bc: {  	p0 =	slt.u32 s23, $0x3F8;
	v3 =	vld [tilespmem:s22+$0xFFFFFFC0]  }
0x1bd: {  	v6 =	vld [tilespmem:s24+$0xFFFFFFD0];
	[tilespmem:s17+$0x10] =	vst v1;
	v1 =	vadd.f32 v5, v2  }
0x1be: {  	v2 =	vld [tilespmem:s22+$0xFFFFFFD0];
	v9 =	vadd.f32 v0, v4  }
0x1bf: {  	v4 =	vld [tilespmem:s24+$0xFFFFFFE0];
	[tilespmem:s17+$0x20] =	vst v1  }
0x1c0: {  	v1 =	vld [tilespmem:s22+$0xFFFFFFE0];
	v5 =	vadd.f32 v8, v7;
	[tilespmem:s17+$0xFFFFFFC0] =	vst v9;
	s17 =	smov.u32 s24  }
0x1c1: {  	v7 =	vld [tilespmem:s24+$0xFFFFFFF0];
	v0 =	vmov v3  }
0x1c2: {  	v8 =	vld [tilespmem:s22+$0xFFFFFFF0];
	[tilespmem:s24+$0x30] =	vst v5  }
0x1c3: {  	v2 =	vadd.f32 v2, v6;
	v6 =	vld [tilespmem:s24+$0x0]  }
0x1c4: {  	v9 =	vld [tilespmem:s22+$0x0]  }
.Ltmp8:
0x1c5: {  	[tilespmem:s24+$0xFFFFFFD0] =	vst v2;
	v2 =	vadd.f32 v1, v4;
	v1 =	vld [tilespmem:s24+$0x10];
	(pc) =	sbr.rel @p0 .LBB2_18-.Ltmp8, $4  }
0x1c6: {  	v3 =	vld [tilespmem:s22+$0x10]  }
0x1c7: {  	[tilespmem:s24+$0xFFFFFFE0] =	vst v2;
	v7 =	vadd.f32 v8, v7;
	v2 =	vld [tilespmem:s24+$0x20]  }
0x1c8: {  	v5 =	vld [tilespmem:s22+$0x20]  }
0x1c9: {  	s24 =	sadd.s32 $0x80, s24;
	v4 =	vld [tilespmem:s17+$0xFFFFFFC0];
	[tilespmem:s17+$0xFFFFFFF0] =	vst v7;
	v6 =	vadd.f32 v9, v6  }
0x1ca: {  	_ =	sdelay $0x1  }
0x1cb: {  	v1 =	vadd.f32 v3, v1  }
0x1cc: {  	[tilespmem:s17+$0x0] =	vst v6;
	v2 =	vadd.f32 v5, v2  }
0x1cd: {  	[tilespmem:s17+$0x10] =	vst v1;
	v0 =	vadd.f32 v0, v4  }
0x1ce: {  	[tilespmem:s17+$0x20] =	vst v2  }
0x1cf: {  	[tilespmem:s17+$0xFFFFFFC0] =	vst v0  }
0x1d0: {  	s17 =	rddreg [dreg:$0x12]  }
0x1d1: {  	[hbm4b:s17+s1] =	stream.linear.scatter [tilespmem:s14], [sflag:$0x4], $0x4000, $0x38;
	[tilespmem:$0x18000] =	vst v63  }
0x1d2: {  	_ =	swait.ge [sflag:s19], $0x4000  }
0x1d3: {  	[sflag:s19] =	ssyncset.done $0x0  }
0x1d4: {  	[sflag:s19] =	ssyncadd.s32 $0xFFFFC000  }
0x1d5: {  	_ =	swait.ge [sflag:s20], $0x4000  }
0x1d6: {  	[sflag:s20] =	ssyncset.done $0x0  }
0x1d7: {  	s17 =	simm.s32 $0x14040;
	s24 =	rddreg [dreg:$0x19];
	[sflag:s20] =	ssyncadd.s32 $0xFFFFC000  }
0x1d8: {  	[tilespmem:s14], [sflag:$0x2] =	stream.linear.gather [hbm4b:s24+s1], $0x4000, $0x38;
	[tilespmem:$0x18000] =	vst v63  }
0x1d9: {  	s22 =	simm.s32 $0x4040;
	v1 =	vld [tilespmem:s17+$0x30]  }
0x1da: {  	v2 =	vld [tilespmem:s22+$0x30]  }
0x1db: {  	v0 =	vld [tilespmem:s22+$0xFFFFFFC0]  }
0x1dc: {  	v3 =	vld [tilespmem:s17+$0xFFFFFFD0]  }
0x1dd: {  	v4 =	vld [tilespmem:s22+$0xFFFFFFD0]  }
0x1de: {  	v5 =	vld [tilespmem:s17+$0xFFFFFFE0]  }
0x1df: {  	v6 =	vld [tilespmem:s22+$0xFFFFFFE0]  }
0x1e0: {  	v7 =	vld [tilespmem:s17+$0xFFFFFFF0]  }
0x1e1: {  	v8 =	vld [tilespmem:s22+$0xFFFFFFF0]  }
0x1e2: {  	v9 =	vld [tilespmem:s17+$0x0]  }
0x1e3: {  	v10 =	vld [tilespmem:s22+$0x0];
	v2 =	vadd.f32 v2, v1  }
0x1e4: {  	v4 =	vadd.f32 v4, v3;
	v1 =	vld [tilespmem:s17+$0x10]  }
0x1e5: {  	v5 =	vadd.f32 v6, v5;
	v3 =	vld [tilespmem:s22+$0x10];
	[tilespmem:s17+$0x30] =	vst v2  }
0x1e6: {  	v6 =	vadd.f32 v8, v7;
	[tilespmem:s17+$0xFFFFFFD0] =	vst v4;
	v2 =	vld [tilespmem:s17+$0x20]  }
0x1e7: {  	[tilespmem:s17+$0xFFFFFFE0] =	vst v5;
	v5 =	vld [tilespmem:s22+$0x20]  }
0x1e8: {  	s23 =	simm.s32 $0x0;
	s24 =	simm.s32 $0x140C0;
	v4 =	vld [tilespmem:s17+$0xFFFFFFC0];
	[tilespmem:s17+$0xFFFFFFF0] =	vst v6;
	v6 =	vadd.f32 v10, v9  }
.LBB2_20:
0x1e9: {  	v7 =	vld [tilespmem:s24+$0x30];
	s22 =	sadd.s32 $0x80, s22  }
0x1ea: {  	s23 =	sadd.s32 $0x8, s23;
	v8 =	vld [tilespmem:s22+$0x30];
	[tilespmem:s17+$0x0] =	vst v6;
	v1 =	vadd.f32 v3, v1  }
0x1eb: {  	p0 =	slt.u32 s23, $0x3F8;
	v3 =	vld [tilespmem:s22+$0xFFFFFFC0]  }
0x1ec: {  	v6 =	vld [tilespmem:s24+$0xFFFFFFD0];
	[tilespmem:s17+$0x10] =	vst v1;
	v1 =	vadd.f32 v5, v2  }
0x1ed: {  	v2 =	vld [tilespmem:s22+$0xFFFFFFD0];
	v9 =	vadd.f32 v0, v4  }
0x1ee: {  	v4 =	vld [tilespmem:s24+$0xFFFFFFE0];
	[tilespmem:s17+$0x20] =	vst v1  }
0x1ef: {  	v1 =	vld [tilespmem:s22+$0xFFFFFFE0];
	v5 =	vadd.f32 v8, v7;
	[tilespmem:s17+$0xFFFFFFC0] =	vst v9;
	s17 =	smov.u32 s24  }
0x1f0: {  	v7 =	vld [tilespmem:s24+$0xFFFFFFF0];
	v0 =	vmov v3  }
0x1f1: {  	v8 =	vld [tilespmem:s22+$0xFFFFFFF0];
	[tilespmem:s24+$0x30] =	vst v5  }
0x1f2: {  	v2 =	vadd.f32 v2, v6;
	v6 =	vld [tilespmem:s24+$0x0]  }
0x1f3: {  	v9 =	vld [tilespmem:s22+$0x0]  }
.Ltmp9:
0x1f4: {  	[tilespmem:s24+$0xFFFFFFD0] =	vst v2;
	v2 =	vadd.f32 v1, v4;
	v1 =	vld [tilespmem:s24+$0x10];
	(pc) =	sbr.rel @p0 .LBB2_20-.Ltmp9, $4  }
0x1f5: {  	v3 =	vld [tilespmem:s22+$0x10]  }
0x1f6: {  	[tilespmem:s24+$0xFFFFFFE0] =	vst v2;
	v7 =	vadd.f32 v8, v7;
	v2 =	vld [tilespmem:s24+$0x20]  }
0x1f7: {  	v5 =	vld [tilespmem:s22+$0x20]  }
0x1f8: {  	s24 =	sadd.s32 $0x80, s24;
	v4 =	vld [tilespmem:s17+$0xFFFFFFC0];
	[tilespmem:s17+$0xFFFFFFF0] =	vst v7;
	v6 =	vadd.f32 v9, v6  }
0x1f9: {  	_ =	sdelay $0x1  }
0x1fa: {  	v1 =	vadd.f32 v3, v1  }
0x1fb: {  	[tilespmem:s17+$0x0] =	vst v6;
	v2 =	vadd.f32 v5, v2  }
0x1fc: {  	[tilespmem:s17+$0x10] =	vst v1;
	v0 =	vadd.f32 v0, v4  }
0x1fd: {  	[tilespmem:s17+$0x20] =	vst v2  }
0x1fe: {  	[tilespmem:s17+$0xFFFFFFC0] =	vst v0  }
0x1ff: {  	s17 =	rddreg [dreg:$0x13]  }
0x200: {  	[hbm4b:s17+s1] =	stream.linear.scatter [tilespmem:s13], [sflag:$0x5], $0x4000, $0x38;
	[tilespmem:$0x18000] =	vst v63  }
0x201: {  	_ =	swait.ge [sflag:s15], $0x4000  }
0x202: {  	[sflag:s15] =	ssyncset.done $0x0  }
0x203: {  	[sflag:s15] =	ssyncadd.s32 $0xFFFFC000  }
0x204: {  	_ =	swait.ge [sflag:s15], $0x4000  }
0x205: {  	[sflag:s15] =	ssyncset.done $0x0  }
0x206: {  	s22 =	simm.s32 $0x4000;
	s24 =	rddreg [dreg:$0x15];
	[sflag:s15] =	ssyncadd.s32 $0xFFFFC000  }
0x207: {  	[tilespmem:s22], [sflag:$0x1] =	stream.linear.gather [hbm4b:s24+s1], $0x4000, $0x38;
	[tilespmem:$0x18000] =	vst v63  }
0x208: {  	s17 =	simm.s32 $0x40;
	s23 =	rddreg [dreg:$0x18];
	s24 =	simm.s32 $0xC000  }
0x209: {  	[tilespmem:s24], [sflag:$0x1] =	stream.linear.gather [hbm4b:s23+s1], $0x4000, $0x38;
	[tilespmem:$0x18000] =	vst v63  }
0x20a: {  	s22 =	simm.s32 $0x8040;
	v0 =	vld [tilespmem:s17+$0x30]  }
0x20b: {  	v1 =	vld [tilespmem:s22+$0x30]  }
0x20c: {  	v3 =	vld [tilespmem:s22+$0xFFFFFFC0]  }
0x20d: {  	v2 =	vld [tilespmem:s17+$0xFFFFFFD0]  }
0x20e: {  	v4 =	vld [tilespmem:s22+$0xFFFFFFD0]  }
0x20f: {  	v5 =	vld [tilespmem:s17+$0xFFFFFFE0]  }
0x210: {  	v6 =	vld [tilespmem:s22+$0xFFFFFFE0]  }
0x211: {  	v7 =	vld [tilespmem:s17+$0xFFFFFFF0]  }
0x212: {  	v8 =	vld [tilespmem:s22+$0xFFFFFFF0]  }
0x213: {  	v9 =	vld [tilespmem:s17+$0x0];
	v0 =	vmul.f32 $6.999999880e-01, v0;
	v1 =	vmul.f32 $3.000000120e-01, v1  }
0x214: {  	v11 =	vld [tilespmem:s22+$0x0];
	v10 =	vmul.f32 $6.999999880e-01, v2;
	v4 =	vmul.f32 $3.000000120e-01, v4  }
0x215: {  	v5 =	vmul.f32 $6.999999880e-01, v5;
	v6 =	vmul.f32 $3.000000120e-01, v6;
	v2 =	vld [tilespmem:s17+$0x10];
	v0 =	vadd.f32 v1, v0  }
0x216: {  	v10 =	vadd.f32 v4, v10;
	v1 =	vld [tilespmem:s22+$0x10]  }
0x217: {  	v7 =	vmul.f32 $6.999999880e-01, v7;
	v8 =	vmul.f32 $3.000000120e-01, v8;
	v12 =	vadd.f32 v6, v5;
	v4 =	vld [tilespmem:s17+$0x20];
	[tilespmem:s17+$0x30] =	vst v0  }
0x218: {  	v6 =	vmul.f32 $6.999999880e-01, v9;
	v5 =	vld [tilespmem:s22+$0x20];
	[tilespmem:s17+$0xFFFFFFD0] =	vst v10  }
0x219: {  	s23 =	simm.s32 $0x0;
	s24 =	simm.s32 $0xC0;
	v7 =	vadd.f32 v8, v7;
	v8 =	vmul.f32 $3.000000120e-01, v11;
	v0 =	vmul.f32 $3.000000120e-01, v3;
	v3 =	vld [tilespmem:s17+$0xFFFFFFC0];
	[tilespmem:s17+$0xFFFFFFE0] =	vst v12  }
.LBB2_22:
0x21a: {  	v9 =	vld [tilespmem:s24+$0x30];
	v2 =	vmul.f32 $6.999999880e-01, v2;
	s22 =	sadd.s32 $0x80, s22  }
0x21b: {  	s23 =	sadd.s32 $0x8, s23;
	v10 =	vld [tilespmem:s22+$0x30];
	[tilespmem:s17+$0xFFFFFFF0] =	vst v7;
	v6 =	vadd.f32 v8, v6;
	v1 =	vmul.f32 $3.000000120e-01, v1  }
0x21c: {  	p0 =	slt.u32 s23, $0x3F8;
	v7 =	vld [tilespmem:s22+$0xFFFFFFC0];
	v4 =	vmul.f32 $6.999999880e-01, v4  }
0x21d: {  	v8 =	vld [tilespmem:s24+$0xFFFFFFD0];
	[tilespmem:s17+$0x0] =	vst v6;
	v1 =	vadd.f32 v1, v2;
	v2 =	vmul.f32 $3.000000120e-01, v5  }
0x21e: {  	v5 =	vld [tilespmem:s22+$0xFFFFFFD0];
	v3 =	vmul.f32 $6.999999880e-01, v3  }
0x21f: {  	v6 =	vld [tilespmem:s24+$0xFFFFFFE0];
	[tilespmem:s17+$0x10] =	vst v1;
	v1 =	vadd.f32 v2, v4  }
0x220: {  	v4 =	vmul.f32 $6.999999880e-01, v9;
	v2 =	vld [tilespmem:s22+$0xFFFFFFE0];
	v9 =	vmul.f32 $3.000000120e-01, v10;
	v3 =	vadd.f32 v0, v3  }
0x221: {  	v0 =	vmul.f32 $3.000000120e-01, v7;
	v7 =	vld [tilespmem:s24+$0xFFFFFFF0];
	[tilespmem:s17+$0x20] =	vst v1  }
0x222: {  	v1 =	vmul.f32 $6.999999880e-01, v8;
	v8 =	vld [tilespmem:s22+$0xFFFFFFF0];
	v4 =	vadd.f32 v9, v4;
	[tilespmem:s17+$0xFFFFFFC0] =	vst v3;
	s17 =	smov.u32 s24  }
0x223: {  	v3 =	vmul.f32 $3.000000120e-01, v5;
	v5 =	vld [tilespmem:s24+$0x0]  }
0x224: {  	v6 =	vmul.f32 $6.999999880e-01, v6;
	v9 =	vld [tilespmem:s22+$0x0];
	[tilespmem:s24+$0x30] =	vst v4  }
.Ltmp10:
0x225: {  	v3 =	vadd.f32 v3, v1;
	v4 =	vmul.f32 $3.000000120e-01, v2;
	v2 =	vld [tilespmem:s24+$0x10];
	(pc) =	sbr.rel @p0 .LBB2_22-.Ltmp10, $4  }
0x226: {  	v7 =	vmul.f32 $6.999999880e-01, v7;
	v1 =	vld [tilespmem:s22+$0x10]  }
0x227: {  	[tilespmem:s24+$0xFFFFFFD0] =	vst v3;
	v10 =	vadd.f32 v4, v6;
	v8 =	vmul.f32 $3.000000120e-01, v8;
	v4 =	vld [tilespmem:s24+$0x20]  }
0x228: {  	v6 =	vmul.f32 $6.999999880e-01, v5;
	v5 =	vld [tilespmem:s22+$0x20]  }
0x229: {  	s24 =	sadd.s32 $0x80, s24;
	v3 =	vld [tilespmem:s17+$0xFFFFFFC0];
	[tilespmem:s17+$0xFFFFFFE0] =	vst v10;
	v7 =	vadd.f32 v8, v7;
	v8 =	vmul.f32 $3.000000120e-01, v9  }
0x22a: {  	_ =	sdelay $0x1  }
0x22b: {  	v2 =	vmul.f32 $6.999999880e-01, v2;
	v1 =	vmul.f32 $3.000000120e-01, v1  }
0x22c: {  	v6 =	vadd.f32 v8, v6;
	v4 =	vmul.f32 $6.999999880e-01, v4;
	v5 =	vmul.f32 $3.000000120e-01, v5  }
0x22d: {  	[tilespmem:s17+$0xFFFFFFF0] =	vst v7;
	v1 =	vadd.f32 v1, v2;
	v2 =	vmul.f32 $6.999999880e-01, v3  }
0x22e: {  	[tilespmem:s17+$0x0] =	vst v6;
	v3 =	vadd.f32 v5, v4  }
0x22f: {  	[tilespmem:s17+$0x10] =	vst v1;
	v0 =	vadd.f32 v0, v2  }
0x230: {  	[tilespmem:s17+$0x20] =	vst v3  }
0x231: {  	[tilespmem:s17+$0xFFFFFFC0] =	vst v0  }
0x232: {  	_ =	swait.ge [sflag:s18], $0x4000  }
0x233: {  	[sflag:s18] =	ssyncset.done $0x0  }
0x234: {  	[sflag:s18] =	ssyncadd.s32 $0xFFFFC000  }
0x235: {  	_ =	swait.ge [sflag:s16], $0x4000  }
0x236: {  	[sflag:s16] =	ssyncset.done $0x0  }
0x237: {  	s17 =	simm.s32 $0x10040;
	[sflag:s16] =	ssyncadd.s32 $0xFFFFC000  }
0x238: {  	[tilespmem:s13], [sflag:$0x3] =	stream.linear.gather [hbm4b:s26+s1], $0x4000, $0x38;
	[tilespmem:$0x18000] =	vst v63  }
0x239: {  	s22 =	simm.s32 $0x40;
	v1 =	vld [tilespmem:s17+$0x30]  }
0x23a: {  	v2 =	vld [tilespmem:s22+$0x30]  }
0x23b: {  	v0 =	vld [tilespmem:s22+$0xFFFFFFC0]  }
0x23c: {  	v3 =	vld [tilespmem:s17+$0xFFFFFFD0]  }
0x23d: {  	v4 =	vld [tilespmem:s22+$0xFFFFFFD0]  }
0x23e: {  	v5 =	vld [tilespmem:s17+$0xFFFFFFE0]  }
0x23f: {  	v6 =	vld [tilespmem:s22+$0xFFFFFFE0]  }
0x240: {  	v7 =	vld [tilespmem:s17+$0xFFFFFFF0]  }
0x241: {  	v8 =	vld [tilespmem:s22+$0xFFFFFFF0]  }
0x242: {  	v9 =	vld [tilespmem:s17+$0x0]  }
0x243: {  	v10 =	vld [tilespmem:s22+$0x0];
	v2 =	vadd.f32 v2, v1  }
0x244: {  	v4 =	vadd.f32 v4, v3;
	v1 =	vld [tilespmem:s17+$0x10]  }
0x245: {  	v5 =	vadd.f32 v6, v5;
	v3 =	vld [tilespmem:s22+$0x10];
	[tilespmem:s17+$0x30] =	vst v2  }
0x246: {  	v6 =	vadd.f32 v8, v7;
	[tilespmem:s17+$0xFFFFFFD0] =	vst v4;
	v2 =	vld [tilespmem:s17+$0x20]  }
0x247: {  	[tilespmem:s17+$0xFFFFFFE0] =	vst v5;
	v5 =	vld [tilespmem:s22+$0x20]  }
0x248: {  	s23 =	simm.s32 $0x0;
	s24 =	simm.s32 $0x100C0;
	v4 =	vld [tilespmem:s17+$0xFFFFFFC0];
	[tilespmem:s17+$0xFFFFFFF0] =	vst v6;
	v6 =	vadd.f32 v10, v9  }
.LBB2_24:
0x249: {  	v7 =	vld [tilespmem:s24+$0x30];
	s22 =	sadd.s32 $0x80, s22  }
0x24a: {  	s23 =	sadd.s32 $0x8, s23;
	v8 =	vld [tilespmem:s22+$0x30];
	[tilespmem:s17+$0x0] =	vst v6;
	v1 =	vadd.f32 v3, v1  }
0x24b: {  	p0 =	slt.u32 s23, $0x3F8;
	v3 =	vld [tilespmem:s22+$0xFFFFFFC0]  }
0x24c: {  	v6 =	vld [tilespmem:s24+$0xFFFFFFD0];
	[tilespmem:s17+$0x10] =	vst v1;
	v1 =	vadd.f32 v5, v2  }
0x24d: {  	v2 =	vld [tilespmem:s22+$0xFFFFFFD0];
	v9 =	vadd.f32 v0, v4  }
0x24e: {  	v4 =	vld [tilespmem:s24+$0xFFFFFFE0];
	[tilespmem:s17+$0x20] =	vst v1  }
0x24f: {  	v1 =	vld [tilespmem:s22+$0xFFFFFFE0];
	v5 =	vadd.f32 v8, v7;
	[tilespmem:s17+$0xFFFFFFC0] =	vst v9;
	s17 =	smov.u32 s24  }
0x250: {  	v7 =	vld [tilespmem:s24+$0xFFFFFFF0];
	v0 =	vmov v3  }
0x251: {  	v8 =	vld [tilespmem:s22+$0xFFFFFFF0];
	[tilespmem:s24+$0x30] =	vst v5  }
0x252: {  	v2 =	vadd.f32 v2, v6;
	v6 =	vld [tilespmem:s24+$0x0]  }
0x253: {  	v9 =	vld [tilespmem:s22+$0x0]  }
.Ltmp11:
0x254: {  	[tilespmem:s24+$0xFFFFFFD0] =	vst v2;
	v2 =	vadd.f32 v1, v4;
	v1 =	vld [tilespmem:s24+$0x10];
	(pc) =	sbr.rel @p0 .LBB2_24-.Ltmp11, $4  }
0x255: {  	v3 =	vld [tilespmem:s22+$0x10]  }
0x256: {  	[tilespmem:s24+$0xFFFFFFE0] =	vst v2;
	v7 =	vadd.f32 v8, v7;
	v2 =	vld [tilespmem:s24+$0x20]  }
0x257: {  	v5 =	vld [tilespmem:s22+$0x20]  }
0x258: {  	s24 =	sadd.s32 $0x80, s24;
	v4 =	vld [tilespmem:s17+$0xFFFFFFC0];
	[tilespmem:s17+$0xFFFFFFF0] =	vst v7;
	v6 =	vadd.f32 v9, v6  }
0x259: {  	_ =	sdelay $0x1  }
0x25a: {  	v1 =	vadd.f32 v3, v1  }
0x25b: {  	[tilespmem:s17+$0x0] =	vst v6;
	v2 =	vadd.f32 v5, v2  }
0x25c: {  	[tilespmem:s17+$0x10] =	vst v1;
	v0 =	vadd.f32 v0, v4  }
0x25d: {  	[tilespmem:s17+$0x20] =	vst v2  }
0x25e: {  	[tilespmem:s17+$0xFFFFFFC0] =	vst v0  }
0x25f: {  	[hbm4b:s25+s1] =	stream.linear.scatter [tilespmem:s14], [sflag:$0x4], $0x4000, $0x38;
	[tilespmem:$0x18000] =	vst v63  }
0x260: {  	_ =	swait.ge [sflag:s19], $0x4000  }
0x261: {  	[sflag:s19] =	ssyncset.done $0x0  }
0x262: {  	[sflag:s19] =	ssyncadd.s32 $0xFFFFC000  }
0x263: {  	_ =	swait.ge [sflag:s20], $0x4000  }
0x264: {  	[sflag:s20] =	ssyncset.done $0x0  }
0x265: {  	s17 =	simm.s32 $0x14040;
	[sflag:s20] =	ssyncadd.s32 $0xFFFFC000  }
0x266: {  	[tilespmem:s14], [sflag:$0x2] =	stream.linear.gather [hbm4b:s29+s1], $0x4000, $0x38;
	[tilespmem:$0x18000] =	vst v63  }
0x267: {  	s22 =	simm.s32 $0x40;
	v1 =	vld [tilespmem:s17+$0x30]  }
0x268: {  	v2 =	vld [tilespmem:s22+$0x30]  }
0x269: {  	v0 =	vld [tilespmem:s22+$0xFFFFFFC0]  }
0x26a: {  	v3 =	vld [tilespmem:s17+$0xFFFFFFD0]  }
0x26b: {  	v4 =	vld [tilespmem:s22+$0xFFFFFFD0]  }
0x26c: {  	v5 =	vld [tilespmem:s17+$0xFFFFFFE0]  }
0x26d: {  	v6 =	vld [tilespmem:s22+$0xFFFFFFE0]  }
0x26e: {  	v7 =	vld [tilespmem:s17+$0xFFFFFFF0]  }
0x26f: {  	v8 =	vld [tilespmem:s22+$0xFFFFFFF0]  }
0x270: {  	v9 =	vld [tilespmem:s17+$0x0]  }
0x271: {  	v10 =	vld [tilespmem:s22+$0x0];
	v2 =	vadd.f32 v2, v1  }
0x272: {  	v4 =	vadd.f32 v4, v3;
	v1 =	vld [tilespmem:s17+$0x10]  }
0x273: {  	v5 =	vadd.f32 v6, v5;
	v3 =	vld [tilespmem:s22+$0x10];
	[tilespmem:s17+$0x30] =	vst v2  }
0x274: {  	v6 =	vadd.f32 v8, v7;
	[tilespmem:s17+$0xFFFFFFD0] =	vst v4;
	v2 =	vld [tilespmem:s17+$0x20]  }
0x275: {  	[tilespmem:s17+$0xFFFFFFE0] =	vst v5;
	v5 =	vld [tilespmem:s22+$0x20]  }
0x276: {  	s23 =	simm.s32 $0x0;
	s24 =	simm.s32 $0x140C0;
	v4 =	vld [tilespmem:s17+$0xFFFFFFC0];
	[tilespmem:s17+$0xFFFFFFF0] =	vst v6;
	v6 =	vadd.f32 v10, v9  }
.LBB2_26:
0x277: {  	v7 =	vld [tilespmem:s24+$0x30];
	s22 =	sadd.s32 $0x80, s22  }
0x278: {  	s23 =	sadd.s32 $0x8, s23;
	v8 =	vld [tilespmem:s22+$0x30];
	[tilespmem:s17+$0x0] =	vst v6;
	v1 =	vadd.f32 v3, v1  }
0x279: {  	p0 =	slt.u32 s23, $0x3F8;
	v3 =	vld [tilespmem:s22+$0xFFFFFFC0]  }
0x27a: {  	v6 =	vld [tilespmem:s24+$0xFFFFFFD0];
	[tilespmem:s17+$0x10] =	vst v1;
	v1 =	vadd.f32 v5, v2  }
0x27b: {  	v2 =	vld [tilespmem:s22+$0xFFFFFFD0];
	v9 =	vadd.f32 v0, v4  }
0x27c: {  	v4 =	vld [tilespmem:s24+$0xFFFFFFE0];
	[tilespmem:s17+$0x20] =	vst v1  }
0x27d: {  	v1 =	vld [tilespmem:s22+$0xFFFFFFE0];
	v5 =	vadd.f32 v8, v7;
	[tilespmem:s17+$0xFFFFFFC0] =	vst v9;
	s17 =	smov.u32 s24  }
0x27e: {  	v7 =	vld [tilespmem:s24+$0xFFFFFFF0];
	v0 =	vmov v3  }
0x27f: {  	v8 =	vld [tilespmem:s22+$0xFFFFFFF0];
	[tilespmem:s24+$0x30] =	vst v5  }
0x280: {  	v2 =	vadd.f32 v2, v6;
	v6 =	vld [tilespmem:s24+$0x0]  }
0x281: {  	v9 =	vld [tilespmem:s22+$0x0]  }
.Ltmp12:
0x282: {  	[tilespmem:s24+$0xFFFFFFD0] =	vst v2;
	v2 =	vadd.f32 v1, v4;
	v1 =	vld [tilespmem:s24+$0x10];
	(pc) =	sbr.rel @p0 .LBB2_26-.Ltmp12, $4  }
0x283: {  	v3 =	vld [tilespmem:s22+$0x10]  }
0x284: {  	[tilespmem:s24+$0xFFFFFFE0] =	vst v2;
	v7 =	vadd.f32 v8, v7;
	v2 =	vld [tilespmem:s24+$0x20]  }
0x285: {  	v5 =	vld [tilespmem:s22+$0x20]  }
0x286: {  	s24 =	sadd.s32 $0x80, s24;
	v4 =	vld [tilespmem:s17+$0xFFFFFFC0];
	[tilespmem:s17+$0xFFFFFFF0] =	vst v7;
	v6 =	vadd.f32 v9, v6  }
0x287: {  	_ =	sdelay $0x1  }
0x288: {  	v1 =	vadd.f32 v3, v1  }
0x289: {  	[tilespmem:s17+$0x0] =	vst v6;
	v2 =	vadd.f32 v5, v2  }
0x28a: {  	[tilespmem:s17+$0x10] =	vst v1;
	v0 =	vadd.f32 v0, v4  }
0x28b: {  	[tilespmem:s17+$0x20] =	vst v2  }
0x28c: {  	[tilespmem:s17+$0xFFFFFFC0] =	vst v0  }
0x28d: {  	[hbm4b:s28+s1] =	stream.linear.scatter [tilespmem:s13], [sflag:$0x5], $0x4000, $0x38;
	[tilespmem:$0x18000] =	vst v63  }
0x28e: {  	_ =	swait.ge [sflag:s18], $0x4000  }
0x28f: {  	[sflag:s18] =	ssyncset.done $0x0  }
0x290: {  	[sflag:s18] =	ssyncadd.s32 $0xFFFFC000  }
0x291: {  	_ =	swait.ge [sflag:s16], $0x4000  }
0x292: {  	[sflag:s16] =	ssyncset.done $0x0  }
0x293: {  	s17 =	simm.s32 $0x10040;
	[sflag:s16] =	ssyncadd.s32 $0xFFFFC000  }
0x294: {  	[tilespmem:s13], [sflag:$0x3] =	stream.linear.gather [hbm4b:s31+s1], $0x4000, $0x38;
	[tilespmem:$0x18000] =	vst v63  }
0x295: {  	s22 =	simm.s32 $0x40;
	v1 =	vld [tilespmem:s17+$0x30]  }
0x296: {  	v2 =	vld [tilespmem:s22+$0x30]  }
0x297: {  	v0 =	vld [tilespmem:s22+$0xFFFFFFC0]  }
0x298: {  	v3 =	vld [tilespmem:s17+$0xFFFFFFD0]  }
0x299: {  	v4 =	vld [tilespmem:s22+$0xFFFFFFD0]  }
0x29a: {  	v5 =	vld [tilespmem:s17+$0xFFFFFFE0]  }
0x29b: {  	v6 =	vld [tilespmem:s22+$0xFFFFFFE0]  }
0x29c: {  	v7 =	vld [tilespmem:s17+$0xFFFFFFF0]  }
0x29d: {  	v8 =	vld [tilespmem:s22+$0xFFFFFFF0]  }
0x29e: {  	v9 =	vld [tilespmem:s17+$0x0]  }
0x29f: {  	v10 =	vld [tilespmem:s22+$0x0];
	v2 =	vadd.f32 v2, v1  }
0x2a0: {  	v4 =	vadd.f32 v4, v3;
	v1 =	vld [tilespmem:s17+$0x10]  }
0x2a1: {  	v5 =	vadd.f32 v6, v5;
	v3 =	vld [tilespmem:s22+$0x10];
	[tilespmem:s17+$0x30] =	vst v2  }
0x2a2: {  	v6 =	vadd.f32 v8, v7;
	[tilespmem:s17+$0xFFFFFFD0] =	vst v4;
	v2 =	vld [tilespmem:s17+$0x20]  }
0x2a3: {  	[tilespmem:s17+$0xFFFFFFE0] =	vst v5;
	v5 =	vld [tilespmem:s22+$0x20]  }
0x2a4: {  	s23 =	simm.s32 $0x0;
	s24 =	simm.s32 $0x100C0;
	v4 =	vld [tilespmem:s17+$0xFFFFFFC0];
	[tilespmem:s17+$0xFFFFFFF0] =	vst v6;
	v6 =	vadd.f32 v10, v9  }
.LBB2_28:
0x2a5: {  	v7 =	vld [tilespmem:s24+$0x30];
	s22 =	sadd.s32 $0x80, s22  }
0x2a6: {  	s23 =	sadd.s32 $0x8, s23;
	v8 =	vld [tilespmem:s22+$0x30];
	[tilespmem:s17+$0x0] =	vst v6;
	v1 =	vadd.f32 v3, v1  }
0x2a7: {  	p0 =	slt.u32 s23, $0x3F8;
	v3 =	vld [tilespmem:s22+$0xFFFFFFC0]  }
0x2a8: {  	v6 =	vld [tilespmem:s24+$0xFFFFFFD0];
	[tilespmem:s17+$0x10] =	vst v1;
	v1 =	vadd.f32 v5, v2  }
0x2a9: {  	v2 =	vld [tilespmem:s22+$0xFFFFFFD0];
	v9 =	vadd.f32 v0, v4  }
0x2aa: {  	v4 =	vld [tilespmem:s24+$0xFFFFFFE0];
	[tilespmem:s17+$0x20] =	vst v1  }
0x2ab: {  	v1 =	vld [tilespmem:s22+$0xFFFFFFE0];
	v5 =	vadd.f32 v8, v7;
	[tilespmem:s17+$0xFFFFFFC0] =	vst v9;
	s17 =	smov.u32 s24  }
0x2ac: {  	v7 =	vld [tilespmem:s24+$0xFFFFFFF0];
	v0 =	vmov v3  }
0x2ad: {  	v8 =	vld [tilespmem:s22+$0xFFFFFFF0];
	[tilespmem:s24+$0x30] =	vst v5  }
0x2ae: {  	v2 =	vadd.f32 v2, v6;
	v6 =	vld [tilespmem:s24+$0x0]  }
0x2af: {  	v9 =	vld [tilespmem:s22+$0x0]  }
.Ltmp13:
0x2b0: {  	[tilespmem:s24+$0xFFFFFFD0] =	vst v2;
	v2 =	vadd.f32 v1, v4;
	v1 =	vld [tilespmem:s24+$0x10];
	(pc) =	sbr.rel @p0 .LBB2_28-.Ltmp13, $4  }
0x2b1: {  	v3 =	vld [tilespmem:s22+$0x10]  }
0x2b2: {  	[tilespmem:s24+$0xFFFFFFE0] =	vst v2;
	v7 =	vadd.f32 v8, v7;
	v2 =	vld [tilespmem:s24+$0x20]  }
0x2b3: {  	v5 =	vld [tilespmem:s22+$0x20]  }
0x2b4: {  	s24 =	sadd.s32 $0x80, s24;
	v4 =	vld [tilespmem:s17+$0xFFFFFFC0];
	[tilespmem:s17+$0xFFFFFFF0] =	vst v7;
	v6 =	vadd.f32 v9, v6  }
0x2b5: {  	_ =	sdelay $0x1  }
0x2b6: {  	v1 =	vadd.f32 v3, v1  }
0x2b7: {  	[tilespmem:s17+$0x0] =	vst v6;
	v2 =	vadd.f32 v5, v2  }
0x2b8: {  	[tilespmem:s17+$0x10] =	vst v1;
	v0 =	vadd.f32 v0, v4  }
0x2b9: {  	[tilespmem:s17+$0x20] =	vst v2  }
0x2ba: {  	[tilespmem:s17+$0xFFFFFFC0] =	vst v0  }
0x2bb: {  	[hbm4b:s30+s1] =	stream.linear.scatter [tilespmem:s14], [sflag:$0x4], $0x4000, $0x38;
	[tilespmem:$0x18000] =	vst v63  }
0x2bc: {  	_ =	swait.ge [sflag:s19], $0x4000  }
0x2bd: {  	[sflag:s19] =	ssyncset.done $0x0  }
0x2be: {  	[sflag:s19] =	ssyncadd.s32 $0xFFFFC000  }
0x2bf: {  	_ =	swait.ge [sflag:s20], $0x4000  }
0x2c0: {  	[sflag:s20] =	ssyncset.done $0x0  }
0x2c1: {  	s17 =	simm.s32 $0x14040;
	[sflag:s20] =	ssyncadd.s32 $0xFFFFC000  }
0x2c2: {  	[tilespmem:s14], [sflag:$0x2] =	stream.linear.gather [hbm4b:s2+s1], $0x4000, $0x38;
	[tilespmem:$0x18000] =	vst v63  }
0x2c3: {  	s22 =	simm.s32 $0x40;
	v1 =	vld [tilespmem:s17+$0x30]  }
0x2c4: {  	v2 =	vld [tilespmem:s22+$0x30]  }
0x2c5: {  	v0 =	vld [tilespmem:s22+$0xFFFFFFC0]  }
0x2c6: {  	v3 =	vld [tilespmem:s17+$0xFFFFFFD0]  }
0x2c7: {  	v4 =	vld [tilespmem:s22+$0xFFFFFFD0]  }
0x2c8: {  	v5 =	vld [tilespmem:s17+$0xFFFFFFE0]  }
0x2c9: {  	v6 =	vld [tilespmem:s22+$0xFFFFFFE0]  }
0x2ca: {  	v7 =	vld [tilespmem:s17+$0xFFFFFFF0]  }
0x2cb: {  	v8 =	vld [tilespmem:s22+$0xFFFFFFF0]  }
0x2cc: {  	v9 =	vld [tilespmem:s17+$0x0]  }
0x2cd: {  	v10 =	vld [tilespmem:s22+$0x0];
	v2 =	vadd.f32 v2, v1  }
0x2ce: {  	v4 =	vadd.f32 v4, v3;
	v1 =	vld [tilespmem:s17+$0x10]  }
0x2cf: {  	v5 =	vadd.f32 v6, v5;
	v3 =	vld [tilespmem:s22+$0x10];
	[tilespmem:s17+$0x30] =	vst v2  }
0x2d0: {  	v6 =	vadd.f32 v8, v7;
	[tilespmem:s17+$0xFFFFFFD0] =	vst v4;
	v2 =	vld [tilespmem:s17+$0x20]  }
0x2d1: {  	[tilespmem:s17+$0xFFFFFFE0] =	vst v5;
	v5 =	vld [tilespmem:s22+$0x20]  }
0x2d2: {  	s23 =	simm.s32 $0x0;
	s24 =	simm.s32 $0x140C0;
	v4 =	vld [tilespmem:s17+$0xFFFFFFC0];
	[tilespmem:s17+$0xFFFFFFF0] =	vst v6;
	v6 =	vadd.f32 v10, v9  }
.LBB2_30:
0x2d3: {  	v7 =	vld [tilespmem:s24+$0x30];
	s22 =	sadd.s32 $0x80, s22  }
0x2d4: {  	s23 =	sadd.s32 $0x8, s23;
	v8 =	vld [tilespmem:s22+$0x30];
	[tilespmem:s17+$0x0] =	vst v6;
	v1 =	vadd.f32 v3, v1  }
0x2d5: {  	p0 =	slt.u32 s23, $0x3F8;
	v3 =	vld [tilespmem:s22+$0xFFFFFFC0]  }
0x2d6: {  	v6 =	vld [tilespmem:s24+$0xFFFFFFD0];
	[tilespmem:s17+$0x10] =	vst v1;
	v1 =	vadd.f32 v5, v2  }
0x2d7: {  	v2 =	vld [tilespmem:s22+$0xFFFFFFD0];
	v9 =	vadd.f32 v0, v4  }
0x2d8: {  	v4 =	vld [tilespmem:s24+$0xFFFFFFE0];
	[tilespmem:s17+$0x20] =	vst v1  }
0x2d9: {  	v1 =	vld [tilespmem:s22+$0xFFFFFFE0];
	v5 =	vadd.f32 v8, v7;
	[tilespmem:s17+$0xFFFFFFC0] =	vst v9;
	s17 =	smov.u32 s24  }
0x2da: {  	v7 =	vld [tilespmem:s24+$0xFFFFFFF0];
	v0 =	vmov v3  }
0x2db: {  	v8 =	vld [tilespmem:s22+$0xFFFFFFF0];
	[tilespmem:s24+$0x30] =	vst v5  }
0x2dc: {  	v2 =	vadd.f32 v2, v6;
	v6 =	vld [tilespmem:s24+$0x0]  }
0x2dd: {  	v9 =	vld [tilespmem:s22+$0x0]  }
.Ltmp14:
0x2de: {  	[tilespmem:s24+$0xFFFFFFD0] =	vst v2;
	v2 =	vadd.f32 v1, v4;
	v1 =	vld [tilespmem:s24+$0x10];
	(pc) =	sbr.rel @p0 .LBB2_30-.Ltmp14, $4  }
0x2df: {  	v3 =	vld [tilespmem:s22+$0x10]  }
0x2e0: {  	[tilespmem:s24+$0xFFFFFFE0] =	vst v2;
	v7 =	vadd.f32 v8, v7;
	v2 =	vld [tilespmem:s24+$0x20]  }
0x2e1: {  	v5 =	vld [tilespmem:s22+$0x20]  }
0x2e2: {  	s24 =	sadd.s32 $0x80, s24;
	v4 =	vld [tilespmem:s17+$0xFFFFFFC0];
	[tilespmem:s17+$0xFFFFFFF0] =	vst v7;
	v6 =	vadd.f32 v9, v6  }
0x2e3: {  	_ =	sdelay $0x1  }
0x2e4: {  	v1 =	vadd.f32 v3, v1  }
0x2e5: {  	[tilespmem:s17+$0x0] =	vst v6;
	v2 =	vadd.f32 v5, v2  }
0x2e6: {  	[tilespmem:s17+$0x10] =	vst v1;
	v0 =	vadd.f32 v0, v4  }
0x2e7: {  	[tilespmem:s17+$0x20] =	vst v2  }
0x2e8: {  	[tilespmem:s17+$0xFFFFFFC0] =	vst v0  }
0x2e9: {  	[hbm4b:s0+s1] =	stream.linear.scatter [tilespmem:s13], [sflag:$0x5], $0x4000, $0x38;
	[tilespmem:$0x18000] =	vst v63  }
0x2ea: {  	_ =	swait.ge [sflag:s15], $0x4000  }
0x2eb: {  	[sflag:s15] =	ssyncset.done $0x0  }
0x2ec: {  	[sflag:s15] =	ssyncadd.s32 $0xFFFFC000  }
0x2ed: {  	_ =	swait.ge [sflag:s15], $0x4000  }
0x2ee: {  	[sflag:s15] =	ssyncset.done $0x0  }
0x2ef: {  	s17 =	simm.s32 $0x4040;
	[sflag:s15] =	ssyncadd.s32 $0xFFFFC000  }
0x2f0: {  	s22 =	simm.s32 $0xC040;
	v0 =	vld [tilespmem:s17+$0x30]  }
0x2f1: {  	v1 =	vld [tilespmem:s22+$0x30]  }
0x2f2: {  	v3 =	vld [tilespmem:s22+$0xFFFFFFC0]  }
0x2f3: {  	v2 =	vld [tilespmem:s17+$0xFFFFFFD0]  }
0x2f4: {  	v4 =	vld [tilespmem:s22+$0xFFFFFFD0]  }
0x2f5: {  	v5 =	vld [tilespmem:s17+$0xFFFFFFE0]  }
0x2f6: {  	v6 =	vld [tilespmem:s22+$0xFFFFFFE0]  }
0x2f7: {  	v7 =	vld [tilespmem:s17+$0xFFFFFFF0]  }
0x2f8: {  	v8 =	vld [tilespmem:s22+$0xFFFFFFF0]  }
0x2f9: {  	v9 =	vld [tilespmem:s17+$0x0];
	v0 =	vmul.f32 $6.999999880e-01, v0;
	v1 =	vmul.f32 $3.000000120e-01, v1  }
0x2fa: {  	v11 =	vld [tilespmem:s22+$0x0];
	v10 =	vmul.f32 $6.999999880e-01, v2;
	v4 =	vmul.f32 $3.000000120e-01, v4  }
0x2fb: {  	v5 =	vmul.f32 $6.999999880e-01, v5;
	v6 =	vmul.f32 $3.000000120e-01, v6;
	v2 =	vld [tilespmem:s17+$0x10];
	v0 =	vadd.f32 v1, v0  }
0x2fc: {  	v10 =	vadd.f32 v4, v10;
	v1 =	vld [tilespmem:s22+$0x10]  }
0x2fd: {  	v7 =	vmul.f32 $6.999999880e-01, v7;
	v8 =	vmul.f32 $3.000000120e-01, v8;
	v12 =	vadd.f32 v6, v5;
	v4 =	vld [tilespmem:s17+$0x20];
	[tilespmem:s17+$0x30] =	vst v0  }
0x2fe: {  	v6 =	vmul.f32 $6.999999880e-01, v9;
	v5 =	vld [tilespmem:s22+$0x20];
	[tilespmem:s17+$0xFFFFFFD0] =	vst v10  }
0x2ff: {  	s23 =	simm.s32 $0x0;
	s24 =	simm.s32 $0x40C0;
	v7 =	vadd.f32 v8, v7;
	v8 =	vmul.f32 $3.000000120e-01, v11;
	v0 =	vmul.f32 $3.000000120e-01, v3;
	v3 =	vld [tilespmem:s17+$0xFFFFFFC0];
	[tilespmem:s17+$0xFFFFFFE0] =	vst v12  }
.LBB2_32:
0x300: {  	v9 =	vld [tilespmem:s24+$0x30];
	v2 =	vmul.f32 $6.999999880e-01, v2;
	s22 =	sadd.s32 $0x80, s22  }
0x301: {  	s23 =	sadd.s32 $0x8, s23;
	v10 =	vld [tilespmem:s22+$0x30];
	[tilespmem:s17+$0xFFFFFFF0] =	vst v7;
	v6 =	vadd.f32 v8, v6;
	v1 =	vmul.f32 $3.000000120e-01, v1  }
0x302: {  	p0 =	slt.u32 s23, $0x3F8;
	v7 =	vld [tilespmem:s22+$0xFFFFFFC0];
	v4 =	vmul.f32 $6.999999880e-01, v4  }
0x303: {  	v8 =	vld [tilespmem:s24+$0xFFFFFFD0];
	[tilespmem:s17+$0x0] =	vst v6;
	v1 =	vadd.f32 v1, v2;
	v2 =	vmul.f32 $3.000000120e-01, v5  }
0x304: {  	v5 =	vld [tilespmem:s22+$0xFFFFFFD0];
	v3 =	vmul.f32 $6.999999880e-01, v3  }
0x305: {  	v6 =	vld [tilespmem:s24+$0xFFFFFFE0];
	[tilespmem:s17+$0x10] =	vst v1;
	v1 =	vadd.f32 v2, v4  }
0x306: {  	v4 =	vmul.f32 $6.999999880e-01, v9;
	v2 =	vld [tilespmem:s22+$0xFFFFFFE0];
	v9 =	vmul.f32 $3.000000120e-01, v10;
	v3 =	vadd.f32 v0, v3  }
0x307: {  	v0 =	vmul.f32 $3.000000120e-01, v7;
	v7 =	vld [tilespmem:s24+$0xFFFFFFF0];
	[tilespmem:s17+$0x20] =	vst v1  }
0x308: {  	v1 =	vmul.f32 $6.999999880e-01, v8;
	v8 =	vld [tilespmem:s22+$0xFFFFFFF0];
	v4 =	vadd.f32 v9, v4;
	[tilespmem:s17+$0xFFFFFFC0] =	vst v3;
	s17 =	smov.u32 s24  }
0x309: {  	v3 =	vmul.f32 $3.000000120e-01, v5;
	v5 =	vld [tilespmem:s24+$0x0]  }
0x30a: {  	v6 =	vmul.f32 $6.999999880e-01, v6;
	v9 =	vld [tilespmem:s22+$0x0];
	[tilespmem:s24+$0x30] =	vst v4  }
.Ltmp15:
0x30b: {  	v3 =	vadd.f32 v3, v1;
	v4 =	vmul.f32 $3.000000120e-01, v2;
	v2 =	vld [tilespmem:s24+$0x10];
	(pc) =	sbr.rel @p0 .LBB2_32-.Ltmp15, $4  }
0x30c: {  	v7 =	vmul.f32 $6.999999880e-01, v7;
	v1 =	vld [tilespmem:s22+$0x10]  }
0x30d: {  	[tilespmem:s24+$0xFFFFFFD0] =	vst v3;
	v10 =	vadd.f32 v4, v6;
	v8 =	vmul.f32 $3.000000120e-01, v8;
	v4 =	vld [tilespmem:s24+$0x20]  }
0x30e: {  	v6 =	vmul.f32 $6.999999880e-01, v5;
	v5 =	vld [tilespmem:s22+$0x20]  }
0x30f: {  	s24 =	sadd.s32 $0x80, s24;
	v3 =	vld [tilespmem:s17+$0xFFFFFFC0];
	[tilespmem:s17+$0xFFFFFFE0] =	vst v10;
	v7 =	vadd.f32 v8, v7;
	v8 =	vmul.f32 $3.000000120e-01, v9  }
0x310: {  	_ =	sdelay $0x1  }
0x311: {  	v2 =	vmul.f32 $6.999999880e-01, v2;
	v1 =	vmul.f32 $3.000000120e-01, v1  }
0x312: {  	v6 =	vadd.f32 v8, v6;
	v4 =	vmul.f32 $6.999999880e-01, v4;
	v5 =	vmul.f32 $3.000000120e-01, v5  }
0x313: {  	[tilespmem:s17+$0xFFFFFFF0] =	vst v7;
	v1 =	vadd.f32 v1, v2;
	v2 =	vmul.f32 $6.999999880e-01, v3  }
0x314: {  	[tilespmem:s17+$0x0] =	vst v6;
	v3 =	vadd.f32 v5, v4  }
0x315: {  	[tilespmem:s17+$0x10] =	vst v1;
	v0 =	vadd.f32 v0, v2  }
0x316: {  	[tilespmem:s17+$0x20] =	vst v3  }
0x317: {  	[tilespmem:s17+$0xFFFFFFC0] =	vst v0  }
0x318: {  	_ =	swait.ge [sflag:s18], $0x4000  }
0x319: {  	[sflag:s18] =	ssyncset.done $0x0  }
0x31a: {  	[sflag:s18] =	ssyncadd.s32 $0xFFFFC000  }
0x31b: {  	_ =	swait.ge [sflag:s16], $0x4000  }
0x31c: {  	[sflag:s16] =	ssyncset.done $0x0  }
0x31d: {  	s17 =	simm.s32 $0x10040;
	[sflag:s16] =	ssyncadd.s32 $0xFFFFC000  }
0x31e: {  	[tilespmem:s13], [sflag:$0x3] =	stream.linear.gather [hbm4b:s4+s1], $0x4000, $0x38;
	[tilespmem:$0x18000] =	vst v63  }
0x31f: {  	s22 =	simm.s32 $0x4040;
	v1 =	vld [tilespmem:s17+$0x30]  }
0x320: {  	v2 =	vld [tilespmem:s22+$0x30]  }
0x321: {  	v0 =	vld [tilespmem:s22+$0xFFFFFFC0]  }
0x322: {  	v3 =	vld [tilespmem:s17+$0xFFFFFFD0]  }
0x323: {  	v4 =	vld [tilespmem:s22+$0xFFFFFFD0]  }
0x324: {  	v5 =	vld [tilespmem:s17+$0xFFFFFFE0]  }
0x325: {  	v6 =	vld [tilespmem:s22+$0xFFFFFFE0]  }
0x326: {  	v7 =	vld [tilespmem:s17+$0xFFFFFFF0]  }
0x327: {  	v8 =	vld [tilespmem:s22+$0xFFFFFFF0]  }
0x328: {  	v9 =	vld [tilespmem:s17+$0x0]  }
0x329: {  	v10 =	vld [tilespmem:s22+$0x0];
	v2 =	vadd.f32 v2, v1  }
0x32a: {  	v4 =	vadd.f32 v4, v3;
	v1 =	vld [tilespmem:s17+$0x10]  }
0x32b: {  	v5 =	vadd.f32 v6, v5;
	v3 =	vld [tilespmem:s22+$0x10];
	[tilespmem:s17+$0x30] =	vst v2  }
0x32c: {  	v6 =	vadd.f32 v8, v7;
	[tilespmem:s17+$0xFFFFFFD0] =	vst v4;
	v2 =	vld [tilespmem:s17+$0x20]  }
0x32d: {  	[tilespmem:s17+$0xFFFFFFE0] =	vst v5;
	v5 =	vld [tilespmem:s22+$0x20]  }
0x32e: {  	s23 =	simm.s32 $0x0;
	s24 =	simm.s32 $0x100C0;
	v4 =	vld [tilespmem:s17+$0xFFFFFFC0];
	[tilespmem:s17+$0xFFFFFFF0] =	vst v6;
	v6 =	vadd.f32 v10, v9  }
.LBB2_34:
0x32f: {  	v7 =	vld [tilespmem:s24+$0x30];
	s22 =	sadd.s32 $0x80, s22  }
0x330: {  	s23 =	sadd.s32 $0x8, s23;
	v8 =	vld [tilespmem:s22+$0x30];
	[tilespmem:s17+$0x0] =	vst v6;
	v1 =	vadd.f32 v3, v1  }
0x331: {  	p0 =	slt.u32 s23, $0x3F8;
	v3 =	vld [tilespmem:s22+$0xFFFFFFC0]  }
0x332: {  	v6 =	vld [tilespmem:s24+$0xFFFFFFD0];
	[tilespmem:s17+$0x10] =	vst v1;
	v1 =	vadd.f32 v5, v2  }
0x333: {  	v2 =	vld [tilespmem:s22+$0xFFFFFFD0];
	v9 =	vadd.f32 v0, v4  }
0x334: {  	v4 =	vld [tilespmem:s24+$0xFFFFFFE0];
	[tilespmem:s17+$0x20] =	vst v1  }
0x335: {  	v1 =	vld [tilespmem:s22+$0xFFFFFFE0];
	v5 =	vadd.f32 v8, v7;
	[tilespmem:s17+$0xFFFFFFC0] =	vst v9;
	s17 =	smov.u32 s24  }
0x336: {  	v7 =	vld [tilespmem:s24+$0xFFFFFFF0];
	v0 =	vmov v3  }
0x337: {  	v8 =	vld [tilespmem:s22+$0xFFFFFFF0];
	[tilespmem:s24+$0x30] =	vst v5  }
0x338: {  	v2 =	vadd.f32 v2, v6;
	v6 =	vld [tilespmem:s24+$0x0]  }
0x339: {  	v9 =	vld [tilespmem:s22+$0x0]  }
.Ltmp16:
0x33a: {  	[tilespmem:s24+$0xFFFFFFD0] =	vst v2;
	v2 =	vadd.f32 v1, v4;
	v1 =	vld [tilespmem:s24+$0x10];
	(pc) =	sbr.rel @p0 .LBB2_34-.Ltmp16, $4  }
0x33b: {  	v3 =	vld [tilespmem:s22+$0x10]  }
0x33c: {  	[tilespmem:s24+$0xFFFFFFE0] =	vst v2;
	v7 =	vadd.f32 v8, v7;
	v2 =	vld [tilespmem:s24+$0x20]  }
0x33d: {  	v5 =	vld [tilespmem:s22+$0x20]  }
0x33e: {  	s24 =	sadd.s32 $0x80, s24;
	v4 =	vld [tilespmem:s17+$0xFFFFFFC0];
	[tilespmem:s17+$0xFFFFFFF0] =	vst v7;
	v6 =	vadd.f32 v9, v6  }
0x33f: {  	_ =	sdelay $0x1  }
0x340: {  	v1 =	vadd.f32 v3, v1  }
0x341: {  	[tilespmem:s17+$0x0] =	vst v6;
	v2 =	vadd.f32 v5, v2  }
0x342: {  	[tilespmem:s17+$0x10] =	vst v1;
	v0 =	vadd.f32 v0, v4  }
0x343: {  	[tilespmem:s17+$0x20] =	vst v2  }
0x344: {  	[tilespmem:s17+$0xFFFFFFC0] =	vst v0  }
0x345: {  	[hbm4b:s3+s1] =	stream.linear.scatter [tilespmem:s14], [sflag:$0x4], $0x4000, $0x38;
	[tilespmem:$0x18000] =	vst v63  }
0x346: {  	_ =	swait.ge [sflag:s19], $0x4000  }
0x347: {  	[sflag:s19] =	ssyncset.done $0x0  }
0x348: {  	[sflag:s19] =	ssyncadd.s32 $0xFFFFC000  }
0x349: {  	_ =	swait.ge [sflag:s20], $0x4000  }
0x34a: {  	[sflag:s20] =	ssyncset.done $0x0  }
0x34b: {  	s17 =	simm.s32 $0x14040;
	[sflag:s20] =	ssyncadd.s32 $0xFFFFC000  }
0x34c: {  	[tilespmem:s14], [sflag:$0x2] =	stream.linear.gather [hbm4b:s8+s1], $0x4000, $0x38;
	[tilespmem:$0x18000] =	vst v63  }
0x34d: {  	s22 =	simm.s32 $0x4040;
	v1 =	vld [tilespmem:s17+$0x30]  }
0x34e: {  	v2 =	vld [tilespmem:s22+$0x30]  }
0x34f: {  	v0 =	vld [tilespmem:s22+$0xFFFFFFC0]  }
0x350: {  	v3 =	vld [tilespmem:s17+$0xFFFFFFD0]  }
0x351: {  	v4 =	vld [tilespmem:s22+$0xFFFFFFD0]  }
0x352: {  	v5 =	vld [tilespmem:s17+$0xFFFFFFE0]  }
0x353: {  	v6 =	vld [tilespmem:s22+$0xFFFFFFE0]  }
0x354: {  	v7 =	vld [tilespmem:s17+$0xFFFFFFF0]  }
0x355: {  	v8 =	vld [tilespmem:s22+$0xFFFFFFF0]  }
0x356: {  	v9 =	vld [tilespmem:s17+$0x0]  }
0x357: {  	v10 =	vld [tilespmem:s22+$0x0];
	v2 =	vadd.f32 v2, v1  }
0x358: {  	v4 =	vadd.f32 v4, v3;
	v1 =	vld [tilespmem:s17+$0x10]  }
0x359: {  	v5 =	vadd.f32 v6, v5;
	v3 =	vld [tilespmem:s22+$0x10];
	[tilespmem:s17+$0x30] =	vst v2  }
0x35a: {  	v6 =	vadd.f32 v8, v7;
	[tilespmem:s17+$0xFFFFFFD0] =	vst v4;
	v2 =	vld [tilespmem:s17+$0x20]  }
0x35b: {  	[tilespmem:s17+$0xFFFFFFE0] =	vst v5;
	v5 =	vld [tilespmem:s22+$0x20]  }
0x35c: {  	s23 =	simm.s32 $0x0;
	s24 =	simm.s32 $0x140C0;
	v4 =	vld [tilespmem:s17+$0xFFFFFFC0];
	[tilespmem:s17+$0xFFFFFFF0] =	vst v6;
	v6 =	vadd.f32 v10, v9  }
.LBB2_36:
0x35d: {  	v7 =	vld [tilespmem:s24+$0x30];
	s22 =	sadd.s32 $0x80, s22  }
0x35e: {  	s23 =	sadd.s32 $0x8, s23;
	v8 =	vld [tilespmem:s22+$0x30];
	[tilespmem:s17+$0x0] =	vst v6;
	v1 =	vadd.f32 v3, v1  }
0x35f: {  	p0 =	slt.u32 s23, $0x3F8;
	v3 =	vld [tilespmem:s22+$0xFFFFFFC0]  }
0x360: {  	v6 =	vld [tilespmem:s24+$0xFFFFFFD0];
	[tilespmem:s17+$0x10] =	vst v1;
	v1 =	vadd.f32 v5, v2  }
0x361: {  	v2 =	vld [tilespmem:s22+$0xFFFFFFD0];
	v9 =	vadd.f32 v0, v4  }
0x362: {  	v4 =	vld [tilespmem:s24+$0xFFFFFFE0];
	[tilespmem:s17+$0x20] =	vst v1  }
0x363: {  	v1 =	vld [tilespmem:s22+$0xFFFFFFE0];
	v5 =	vadd.f32 v8, v7;
	[tilespmem:s17+$0xFFFFFFC0] =	vst v9;
	s17 =	smov.u32 s24  }
0x364: {  	v7 =	vld [tilespmem:s24+$0xFFFFFFF0];
	v0 =	vmov v3  }
0x365: {  	v8 =	vld [tilespmem:s22+$0xFFFFFFF0];
	[tilespmem:s24+$0x30] =	vst v5  }
0x366: {  	v2 =	vadd.f32 v2, v6;
	v6 =	vld [tilespmem:s24+$0x0]  }
0x367: {  	v9 =	vld [tilespmem:s22+$0x0]  }
.Ltmp17:
0x368: {  	[tilespmem:s24+$0xFFFFFFD0] =	vst v2;
	v2 =	vadd.f32 v1, v4;
	v1 =	vld [tilespmem:s24+$0x10];
	(pc) =	sbr.rel @p0 .LBB2_36-.Ltmp17, $4  }
0x369: {  	v3 =	vld [tilespmem:s22+$0x10]  }
0x36a: {  	[tilespmem:s24+$0xFFFFFFE0] =	vst v2;
	v7 =	vadd.f32 v8, v7;
	v2 =	vld [tilespmem:s24+$0x20]  }
0x36b: {  	v5 =	vld [tilespmem:s22+$0x20]  }
0x36c: {  	s24 =	sadd.s32 $0x80, s24;
	v4 =	vld [tilespmem:s17+$0xFFFFFFC0];
	[tilespmem:s17+$0xFFFFFFF0] =	vst v7;
	v6 =	vadd.f32 v9, v6  }
0x36d: {  	_ =	sdelay $0x1  }
0x36e: {  	v1 =	vadd.f32 v3, v1  }
0x36f: {  	[tilespmem:s17+$0x0] =	vst v6;
	v2 =	vadd.f32 v5, v2  }
0x370: {  	[tilespmem:s17+$0x10] =	vst v1;
	v0 =	vadd.f32 v0, v4  }
0x371: {  	[tilespmem:s17+$0x20] =	vst v2  }
0x372: {  	[tilespmem:s17+$0xFFFFFFC0] =	vst v0  }
0x373: {  	[hbm4b:s5+s1] =	stream.linear.scatter [tilespmem:s13], [sflag:$0x5], $0x4000, $0x38;
	[tilespmem:$0x18000] =	vst v63  }
0x374: {  	_ =	swait.ge [sflag:s18], $0x4000  }
0x375: {  	[sflag:s18] =	ssyncset.done $0x0  }
0x376: {  	[sflag:s18] =	ssyncadd.s32 $0xFFFFC000  }
0x377: {  	_ =	swait.ge [sflag:s16], $0x4000  }
0x378: {  	[sflag:s16] =	ssyncset.done $0x0  }
0x379: {  	s17 =	simm.s32 $0x10040;
	[sflag:s16] =	ssyncadd.s32 $0xFFFFC000  }
0x37a: {  	[tilespmem:s13], [sflag:$0x3] =	stream.linear.gather [hbm4b:s9+s1], $0x4000, $0x38;
	[tilespmem:$0x18000] =	vst v63  }
0x37b: {  	s22 =	simm.s32 $0x4040;
	v1 =	vld [tilespmem:s17+$0x30]  }
0x37c: {  	v2 =	vld [tilespmem:s22+$0x30]  }
0x37d: {  	v0 =	vld [tilespmem:s22+$0xFFFFFFC0]  }
0x37e: {  	v3 =	vld [tilespmem:s17+$0xFFFFFFD0]  }
0x37f: {  	v4 =	vld [tilespmem:s22+$0xFFFFFFD0]  }
0x380: {  	v5 =	vld [tilespmem:s17+$0xFFFFFFE0]  }
0x381: {  	v6 =	vld [tilespmem:s22+$0xFFFFFFE0]  }
0x382: {  	v7 =	vld [tilespmem:s17+$0xFFFFFFF0]  }
0x383: {  	v8 =	vld [tilespmem:s22+$0xFFFFFFF0]  }
0x384: {  	v9 =	vld [tilespmem:s17+$0x0]  }
0x385: {  	v10 =	vld [tilespmem:s22+$0x0];
	v2 =	vadd.f32 v2, v1  }
0x386: {  	v4 =	vadd.f32 v4, v3;
	v1 =	vld [tilespmem:s17+$0x10]  }
0x387: {  	v5 =	vadd.f32 v6, v5;
	v3 =	vld [tilespmem:s22+$0x10];
	[tilespmem:s17+$0x30] =	vst v2  }
0x388: {  	v6 =	vadd.f32 v8, v7;
	[tilespmem:s17+$0xFFFFFFD0] =	vst v4;
	v2 =	vld [tilespmem:s17+$0x20]  }
0x389: {  	[tilespmem:s17+$0xFFFFFFE0] =	vst v5;
	v5 =	vld [tilespmem:s22+$0x20]  }
0x38a: {  	s23 =	simm.s32 $0x0;
	s24 =	simm.s32 $0x100C0;
	v4 =	vld [tilespmem:s17+$0xFFFFFFC0];
	[tilespmem:s17+$0xFFFFFFF0] =	vst v6;
	v6 =	vadd.f32 v10, v9  }
.LBB2_38:
0x38b: {  	v7 =	vld [tilespmem:s24+$0x30];
	s22 =	sadd.s32 $0x80, s22  }
0x38c: {  	s23 =	sadd.s32 $0x8, s23;
	v8 =	vld [tilespmem:s22+$0x30];
	[tilespmem:s17+$0x0] =	vst v6;
	v1 =	vadd.f32 v3, v1  }
0x38d: {  	p0 =	slt.u32 s23, $0x3F8;
	v3 =	vld [tilespmem:s22+$0xFFFFFFC0]  }
0x38e: {  	v6 =	vld [tilespmem:s24+$0xFFFFFFD0];
	[tilespmem:s17+$0x10] =	vst v1;
	v1 =	vadd.f32 v5, v2  }
0x38f: {  	v2 =	vld [tilespmem:s22+$0xFFFFFFD0];
	v9 =	vadd.f32 v0, v4  }
0x390: {  	v4 =	vld [tilespmem:s24+$0xFFFFFFE0];
	[tilespmem:s17+$0x20] =	vst v1  }
0x391: {  	v1 =	vld [tilespmem:s22+$0xFFFFFFE0];
	v5 =	vadd.f32 v8, v7;
	[tilespmem:s17+$0xFFFFFFC0] =	vst v9;
	s17 =	smov.u32 s24  }
0x392: {  	v7 =	vld [tilespmem:s24+$0xFFFFFFF0];
	v0 =	vmov v3  }
0x393: {  	v8 =	vld [tilespmem:s22+$0xFFFFFFF0];
	[tilespmem:s24+$0x30] =	vst v5  }
0x394: {  	v2 =	vadd.f32 v2, v6;
	v6 =	vld [tilespmem:s24+$0x0]  }
0x395: {  	v9 =	vld [tilespmem:s22+$0x0]  }
.Ltmp18:
0x396: {  	[tilespmem:s24+$0xFFFFFFD0] =	vst v2;
	v2 =	vadd.f32 v1, v4;
	v1 =	vld [tilespmem:s24+$0x10];
	(pc) =	sbr.rel @p0 .LBB2_38-.Ltmp18, $4  }
0x397: {  	v3 =	vld [tilespmem:s22+$0x10]  }
0x398: {  	[tilespmem:s24+$0xFFFFFFE0] =	vst v2;
	v7 =	vadd.f32 v8, v7;
	v2 =	vld [tilespmem:s24+$0x20]  }
0x399: {  	v5 =	vld [tilespmem:s22+$0x20]  }
0x39a: {  	s24 =	sadd.s32 $0x80, s24;
	v4 =	vld [tilespmem:s17+$0xFFFFFFC0];
	[tilespmem:s17+$0xFFFFFFF0] =	vst v7;
	v6 =	vadd.f32 v9, v6  }
0x39b: {  	_ =	sdelay $0x1  }
0x39c: {  	v1 =	vadd.f32 v3, v1  }
0x39d: {  	[tilespmem:s17+$0x0] =	vst v6;
	v2 =	vadd.f32 v5, v2  }
0x39e: {  	[tilespmem:s17+$0x10] =	vst v1;
	v0 =	vadd.f32 v0, v4  }
0x39f: {  	[tilespmem:s17+$0x20] =	vst v2  }
0x3a0: {  	[tilespmem:s17+$0xFFFFFFC0] =	vst v0  }
0x3a1: {  	[hbm4b:s10+s1] =	stream.linear.scatter [tilespmem:s14], [sflag:$0x4], $0x4000, $0x38;
	[tilespmem:$0x18000] =	vst v63  }
0x3a2: {  	_ =	swait.ge [sflag:s19], $0x4000  }
0x3a3: {  	[sflag:s19] =	ssyncset.done $0x0  }
0x3a4: {  	s17 =	simm.s32 $0x14040;
	[sflag:s19] =	ssyncadd.s32 $0xFFFFC000  }
0x3a5: {  	s22 =	simm.s32 $0x4040;
	v1 =	vld [tilespmem:s17+$0x30]  }
0x3a6: {  	v2 =	vld [tilespmem:s22+$0x30]  }
0x3a7: {  	v0 =	vld [tilespmem:s22+$0xFFFFFFC0]  }
0x3a8: {  	v3 =	vld [tilespmem:s17+$0xFFFFFFD0]  }
0x3a9: {  	v4 =	vld [tilespmem:s22+$0xFFFFFFD0]  }
0x3aa: {  	v5 =	vld [tilespmem:s17+$0xFFFFFFE0]  }
0x3ab: {  	v6 =	vld [tilespmem:s22+$0xFFFFFFE0]  }
0x3ac: {  	v7 =	vld [tilespmem:s17+$0xFFFFFFF0]  }
0x3ad: {  	v8 =	vld [tilespmem:s22+$0xFFFFFFF0]  }
0x3ae: {  	v9 =	vld [tilespmem:s17+$0x0]  }
0x3af: {  	v10 =	vld [tilespmem:s22+$0x0];
	v2 =	vadd.f32 v2, v1  }
0x3b0: {  	v4 =	vadd.f32 v4, v3;
	v1 =	vld [tilespmem:s17+$0x10]  }
0x3b1: {  	v5 =	vadd.f32 v6, v5;
	v3 =	vld [tilespmem:s22+$0x10];
	[tilespmem:s17+$0x30] =	vst v2  }
0x3b2: {  	v6 =	vadd.f32 v8, v7;
	[tilespmem:s17+$0xFFFFFFD0] =	vst v4;
	v2 =	vld [tilespmem:s17+$0x20]  }
0x3b3: {  	[tilespmem:s17+$0xFFFFFFE0] =	vst v5;
	v5 =	vld [tilespmem:s22+$0x20]  }
0x3b4: {  	s23 =	simm.s32 $0x0;
	s24 =	simm.s32 $0x140C0;
	v4 =	vld [tilespmem:s17+$0xFFFFFFC0];
	[tilespmem:s17+$0xFFFFFFF0] =	vst v6;
	v6 =	vadd.f32 v10, v9  }
.LBB2_40:
0x3b5: {  	v7 =	vld [tilespmem:s24+$0x30];
	s22 =	sadd.s32 $0x80, s22  }
0x3b6: {  	s23 =	sadd.s32 $0x8, s23;
	v8 =	vld [tilespmem:s22+$0x30];
	[tilespmem:s17+$0x0] =	vst v6;
	v1 =	vadd.f32 v3, v1  }
0x3b7: {  	p0 =	slt.u32 s23, $0x3F8;
	v3 =	vld [tilespmem:s22+$0xFFFFFFC0]  }
0x3b8: {  	v6 =	vld [tilespmem:s24+$0xFFFFFFD0];
	[tilespmem:s17+$0x10] =	vst v1;
	v1 =	vadd.f32 v5, v2  }
0x3b9: {  	v2 =	vld [tilespmem:s22+$0xFFFFFFD0];
	v9 =	vadd.f32 v0, v4  }
0x3ba: {  	v4 =	vld [tilespmem:s24+$0xFFFFFFE0];
	[tilespmem:s17+$0x20] =	vst v1  }
0x3bb: {  	v1 =	vld [tilespmem:s22+$0xFFFFFFE0];
	v5 =	vadd.f32 v8, v7;
	[tilespmem:s17+$0xFFFFFFC0] =	vst v9;
	s17 =	smov.u32 s24  }
0x3bc: {  	v7 =	vld [tilespmem:s24+$0xFFFFFFF0];
	v0 =	vmov v3  }
0x3bd: {  	v8 =	vld [tilespmem:s22+$0xFFFFFFF0];
	[tilespmem:s24+$0x30] =	vst v5  }
0x3be: {  	v2 =	vadd.f32 v2, v6;
	v6 =	vld [tilespmem:s24+$0x0]  }
0x3bf: {  	v9 =	vld [tilespmem:s22+$0x0]  }
.Ltmp19:
0x3c0: {  	[tilespmem:s24+$0xFFFFFFD0] =	vst v2;
	v2 =	vadd.f32 v1, v4;
	v1 =	vld [tilespmem:s24+$0x10];
	(pc) =	sbr.rel @p0 .LBB2_40-.Ltmp19, $4  }
0x3c1: {  	v3 =	vld [tilespmem:s22+$0x10]  }
0x3c2: {  	[tilespmem:s24+$0xFFFFFFE0] =	vst v2;
	v7 =	vadd.f32 v8, v7;
	v2 =	vld [tilespmem:s24+$0x20]  }
0x3c3: {  	v5 =	vld [tilespmem:s22+$0x20]  }
0x3c4: {  	s24 =	sadd.s32 $0x80, s24;
	v4 =	vld [tilespmem:s17+$0xFFFFFFC0];
	[tilespmem:s17+$0xFFFFFFF0] =	vst v7;
	v6 =	vadd.f32 v9, v6  }
0x3c5: {  	_ =	sdelay $0x1  }
0x3c6: {  	v1 =	vadd.f32 v3, v1  }
0x3c7: {  	[tilespmem:s17+$0x0] =	vst v6;
	v2 =	vadd.f32 v5, v2  }
0x3c8: {  	[tilespmem:s17+$0x10] =	vst v1;
	v0 =	vadd.f32 v0, v4  }
0x3c9: {  	[tilespmem:s17+$0x20] =	vst v2  }
0x3ca: {  	s21 =	sadd.s32 $0x1, s21;
	[tilespmem:s17+$0xFFFFFFC0] =	vst v0  }
0x3cb: {  	[hbm4b:s11+s1] =	stream.linear.scatter [tilespmem:s13], [sflag:$0x5], $0x4000, $0x38;
	[tilespmem:$0x18000] =	vst v63  }
0x3cc: {  	p0 =	sne.s32 s21, s12;
	_ =	swait.ge [sflag:s20], $0x4000  }
.Ltmp20:
0x3cd: {  	[sflag:s20] =	ssyncset.done $0x0;
	(pc) =	sbr.rel @p0 .LBB2_1-.Ltmp20, $4  }
0x3ce: {  	[sflag:s20] =	ssyncadd.s32 $0xFFFFC000  }
0x3cf: {  	_ =	swait.ge [sflag:s16], $0x4000  }
0x3d0: {  	[sflag:s16] =	ssyncset.done $0x0  }
0x3d1: {  	[sflag:s16] =	ssyncadd.s32 $0xFFFFC000  }
0x3d2: {  	_ =	sfence.sel $0x180000  }
0x3d3: {  	[bflag:$0x0] =	sbarrier.arrive $0xFFFF  }
0x3d4: {  	_ =	strace $0x9000004A  }
0x3d5: {  	s0 =	stileid.u32;
	[bflag:$0x2] =	sbarrier.arrive $0xFFFF  }
0x3d6: {  	p0 =	sne.s32 s0, $0x0;
	s0 =	rddreg [dreg:$0x2]  }
0x3d7: {  	s0 =	sadd.s32 @!p0 $0x100000, s0  }
0x3d8: {  	[sflag:s0] =	ssyncadd.tile.s32 @!p0 $0x1;
	_ =	shalt  }
.Lfunc_end2:
_tile_overlayer_lowered:
.L_overlay_start_2:
0x3d9: {  	(tag) =	ssettag $0x2  }
0x3da: {  	s0 =	rddreg [dreg:$0x0];
	s2 =	stileid.u32  }
0x3db: {  	s1 =	rddreg [dreg:$0x1];
	p0 =	sne.s32 s2, $0x0  }
0x3dc: {  	s3 =	rddreg [dreg:$0x2];
	[bflag:$0x3] =	sbarrier.arrive $0xFFFF;
	s2 =	simm.s32 @!p0 $0x1C06  }
0x3dd: {  	[timem:s3], [sflag:s2] =	dma.local @!p0 [hbm:s0], s1  }
0x3de: {  	s0 =	simm.s32 @!p0 $0x6  }
0x3df: {  	_ =	swait.ge @!p0 [sflag:s0], s1  }
0x3e0: {  	s1 =	ssub.s32 @!p0 $0x0, s1;
	[sflag:s0] =	ssyncset.done @!p0 $0x0  }
0x3e1: {  	[sflag:s0] =	ssyncadd.s32 @!p0 s1  }
0x3e2: {  	[bflag:$0x3] =	sbarrier.arrive $0xFFFF  }
0x3e3: {  	_ =	shalt  }

// kernel: sparse-core-data-format-call.cloned.1.call-start
scs
called_computation_lowered:
.L_overlay_start_0:
0x0: {  	s2 =	sld [smem:$0x3FD9]  }
0x1: {  	s3 =	sld [smem:$0x3FFE];
	_ =	sdelay $0x1  }
0x2: {  	s1 =	srdreg.scid  }
0x3: {  	s0 =	sand.u32 $0x1, s1  }
0x4: {  	s19 =	sshll.u32 s0, $0xA;
	s2 =	sadd.s32 s3, s2  }
0x5: {  	s2 =	sadd.s32 s2, s19  }
0x6: {  	[smem:$0x3FC5] =	sst s2  }
0x7: {  	_ = 	snop  }
0x8: {  	s2 =	sld [smem:$0x3FC9]  }
0x9: {  	s20 =	sld [smem:$0x3FD0];
	(tm) =	ssettm $0x1  }
0xa: {  	s4 =	sld [smem:$0x3FFB];
	_ =	sdelay $0x3  }
0xb: {  	_ =	strace s4  }
0xc: {  	s4 =	sld [smem:$0x3FFC];
	_ =	sdelay $0x3  }
0xd: {  	_ =	strace s4  }
0xe: {  	s4 =	sld [smem:$0x3FFD];
	_ =	sdelay $0x3  }
0xf: {  	_ =	strace s4  }
0x10: {  	_ =	strace $0x8FFFFFFF  }
0x11: {  	s21 =	sld [smem:$0x3FDB];
	_ =	sdelay $0x1  }
0x12: {  	s5 =	simm.s32 $_scs_section_size  }
0x13: {  	s6 =	simm.s32 $_size__tile_overlayer_lowered;
	s7 =	simm.s32 $_tile_overlayer_lowered  }
0x14: {  	s24 =	simm.s32 $0x1BFF;
	s23 =	sshll.u32 s7, $0x1;
	s4 =	sadd.s32 s5, s21  }
0x15: {  	s8 =	simm.s32 $0x0;
	s22 =	sshll.u32 s6, $0x1;
	s6 =	sadd.s32 s23, s4  }
0x16: {  	[timem:s8], [sflag:s24] =	dma.local [hbm:s6], s22  }
0x17: {  	_ =	swait.ge [sflag:s24], s22  }
0x18: {  	s5 =	ssub.s32 $0x0, s22;
	[sflag:s24] =	ssyncset.done $0x0  }
0x19: {  	[sflag:s24] =	ssyncadd.s32 s5;
	_ =	sdelay $0x1  }
0x1a: {  	s25 =	simm.s32 $0x1B8B  }
0x1b: {  	_ =	swait.ge [sflag:s25], $0x1  }
0x1c: {  	[sflag:s25] =	ssyncset.done $0x0  }
0x1d: {  	s26 =	simm.s32 $0x1B8E;
	[sflag:s25] =	ssyncadd.s32 $0xFFFFFFFF  }
0x1e: {  	s27 =	simm.s32 $execute0_lowered;
	[smem:$0x3FD2] =	sst s26  }
0x1f: {  	s5 =	sshll.u32 s27, $0x1;
	_ =	strace $0x80000046;
	[dreg:$0x1] =	wrdreg $0xFFFFFFFF  }
0x20: {  	s28 =	simm.s32 $_size_execute0_lowered;
	s4 =	sadd.s32 s4, s5;
	[dreg:$0x0] =	wrdreg $0x0  }
0x21: {  	s5 =	sshll.u32 s28, $0x1;
	[dreg:$0x2] =	wrdreg s4  }
0x22: {  	[dreg:$0x3] =	wrdreg s5  }
0x23: {  	[dreg:$0x4] =	wrdreg $0xC0  }
0x24: {  	_ =	task [dreg:s8], $0x5FFFF  }
0x25: {  	[dreg:$0x1] =	wrdreg $0xFFFFFFFF  }
0x26: {  	[dreg:$0x0] =	wrdreg $0x60  }
0x27: {  	[dreg:$0x2] =	wrdreg s2  }
0x28: {  	[dreg:$0x3] =	wrdreg s20  }
0x29: {  	[dreg:$0x4] =	wrdreg $0x9  }
0x2a: {  	_ =	task.clear_ibuf [dreg:s8], $0x5FFFF;
	_ =	strace $0x90000046  }
0x2b: {  	s29 =	simm.s32 $0x9;
	_ =	strace $0x80000048  }
0x2c: {  	_ =	swait.ge [sflag:s29], $0x1  }
0x2d: {  	[sflag:s29] =	ssyncadd.s32 $0xFFFFFFFF  }
0x2e: {  	_ =	strace $0x90000048  }
0x2f: {  	_ =	sfence  }
0x30: {  	s30 =	sld [smem:$0x0];
	_ =	sdelay $0x2  }
0x31: {  	s31 =	sshll.u32 s1, $0xD;
	s1 =	sshrl.u32 s1, $0x2  }
0x32: {  	s3 =	sand.u32 $0x4000, s31;
	s1 =	sadd.s32 s1, s30  }
0x33: {  	s0 =	sor.u32 s3, s0;
	s1 =	sshll.u32 s1, $0x11  }
0x34: {  	s0 =	sor.u32 s1, s0  }
0x35: {  	s0 =	sadd.s32 $0x8F2B, s0  }
0x36: {  	[sflag:s0] =	ssyncadd.remote.s32 $0x1  }
0x37: {  	_ =	sfence.sel $0xFFFF  }
0x38: {  	[dreg:$0x0] =	wrdreg $0xFFFFFFFF;
	(pc) =	sbr.abs _section_cstart, $3  }
0x39: {  	[dreg:$0x1] =	wrdreg $0xFFFFFFFF  }
0x3a: {  	_ =	task.clear_ibuf [dreg:s8], $0x2FFFF;
	_ =	strace $0x9FFFFFFF  }
0x3b: {  	(tm) =	ssettm $0x7FFFFFFF  }
tec
execute0_lowered:
.L_overlay_start_1:
0x0: {  	(tag) =	ssettag $0x1  }
0x1: {  	s0 =	srdreg.scid  }
0x2: {  	s1 =	sshll.u32 s0, $0x4  }
0x3: {  	s2 =	rddreg [dreg:$0x0];
	s0 =	stileid.u32;
	s1 =	sand.u32 $0x10, s1  }
0x4: {  	s4 =	rddreg [dreg:$0x1];
	s1 =	sor.u32 s0, s1  }
0x5: {  	s7 =	simm.s32 $0x1;
	s8 =	simm.s32 $0x2;
	s3 =	sshll.u32 s1, $0x1  }
0x6: {  	s9 =	simm.s32 $0x0;
	s12 =	simm.s32 $0x0;
	s6 =	ssub.s32 $0x400, s3  }
.Ltmp0:
0x7: {  	s11 =	simm.s32 $0x0;
	s5 =	sand.u32 $0x3E, s6;
	(pc) =	sbr.rel .LBB1_1-.Ltmp0, $4  }
0x8: {  	s1 =	rddreg [dreg:$0x2];
	_ =	strace $0x80000047;
	p0 =	sne.s32 s5, $0x0  }
0x9: {  	s6 =	sshrl.u32 s6, $0x6;
	s5 =	simm.s32 $0x1;
	s7 =	simm.s32 @!p0 $0x0  }
0xa: {  	s10 =	smov.u32 s3;
	[sflag:s5] =	ssyncpa.u1 $0x0;
	s6 =	sadd.s32 s7, s6  }
0xb: {  	[sflag:s8] =	ssyncpa.u1 $0x0;
	s8 =	simm.s32 $0x0;
	s7 =	sadd.s32 $0x1, s6  }
.LBB1_9:
0xc: {  	s14 =	sadd.s32 $0x40, s10  }
0xd: {  	p1 =	sgt.s32 s14, $0x3FF  }
0xe: {  	s14 =	smov.u32 @p1 s3;
	p1 =	sne.s32 s11, s7  }
.Ltmp1:
0xf: {  	p0 =	slt.u32 s11, $0x2;
	(pc) =	sbr.rel @!p1 .LBB1_10-.Ltmp1, $4  }
0x10: {  	s13 =	simm.s32 @!p0 $0x2  }
0x11: {  	s15 =	sadd.s32 $0x1, s11;
	_ =	swait.ge @!p0 [sflag:s13], $0x4000  }
0x12: {  	s12 =	smov.u32 s10;
	s9 =	sadd.s32 $0x4000, s9;
	[sflag:s13] =	ssyncset.done @!p0 $0x0  }
0x13: {  	s11 =	smov.u32 s15;
	s10 =	smov.u32 s14;
	[sflag:s13] =	ssyncadd.s32 @!p0 $0xFFFFC000  }
.LBB1_1:
0x14: {  	p0 =	sge.u32 s11, s6  }
0x15: {  	s13 =	sxor.u32 @!p0 $0xFFFFFFFF, s11  }
0x16: {  	s31 =	sadd.s32 $0xFFFFFFFF, s11;
	s14 =	sshll.u32 @!p0 s10, $0xA;
	s13 =	sshll.u32 @!p0 s13, $0xE  }
0x17: {  	s15 =	simm.s32 @!p0 $0x0;
	s14 =	sadd.s32 @!p0 s2, s14;
	s13 =	sand.u32 @!p0 $0x4000, s13  }
0x18: {  	[tilespmem:s13], [sflag:$0x1] =	stream.linear.gather @!p0 [hbm4b:s14+s15], $0x4000, $0x38;
	[tilespmem:$0x10000] =	vst v63  }
0x19: {  	p0 =	sge.u32 s31, s6  }
.Ltmp2:
0x1a: {  	_ = 	snop;
	(pc) =	sbr.rel @p0 .LBB1_9-.Ltmp2, $1  }
0x1b: {  	_ =	sdelay $0x3  }
0x1c: {  	s13 =	sshll.u32 s9, $0x2  }
0x1d: {  	_ =	swait.ge [sflag:s5], $0x4000;
	s14 =	sshll.u32 s11, $0xE;
	s16 =	simm.s32 $0x0  }
0x1e: {  	p1 =	por $0x1, $0x1;
	s13 =	sand.u32 $0x10000, s13;
	[sflag:s5] =	ssyncset.done $0x0  }
0x1f: {  	s14 =	sand.u32 $0x4000, s14;
	s15 =	sshrl.u32 s13, $0x2;
	[sflag:s5] =	ssyncadd.s32 $0xFFFFC000  }
0x20: {  	s13 =	sor.u32 $0x8000, s14;
	s14 =	sadd.s32 $0x8040, s15;
	s15 =	sadd.s32 $0x40, s15  }
.LBB1_3:
0x21: {  	s16 =	sshll.u32 s16, $0x2  }
0x22: {  	p0 =	por p1, p1;
	s17 =	sshra.s32 s16, $0x2  }
0x23: {  	s18 =	simm.s32 $0x0;
	s16 =	sadd.s32 s17, s14;
	s17 =	sadd.s32 s17, s15  }
.LBB1_4:
0x24: {  	v0 =	vmov s17;
	_ =	sdelay $0x3  }
0x25: {  	s20 =	simm.s32 $0x0  }
0x26: {  	v6 =	vld.idx.msk [tilespmem:v0+s20+$0x30 ss:$0x1], $0xffff  }
0x27: {  	v7 =	vld.idx.msk [tilespmem:v0+s20+$0xFFFFFFC0 ss:$0x1], $0xffff  }
0x28: {  	v5 =	vld.idx.msk [tilespmem:v0+s20+$0xFFFFFFD0 ss:$0x1], $0xffff  }
0x29: {  	v4 =	vld.idx.msk [tilespmem:v0+s20+$0xFFFFFFE0 ss:$0x1], $0xffff  }
0x2a: {  	v3 =	vld.idx.msk [tilespmem:v0+s20+$0xFFFFFFF0 ss:$0x1], $0xffff  }
0x2b: {  	v1 =	vld.idx.msk [tilespmem:v0+s20+$0x0 ss:$0x1], $0xffff  }
0x2c: {  	v2 =	vld.idx.msk [tilespmem:v0+s20+$0x10 ss:$0x1], $0xffff;
	[tilespmem:s16+$0x30] =	vst v6  }
0x2d: {  	s19 =	simm.s32 $0x80;
	s21 =	simm.s32 $0x400;
	[tilespmem:s16+$0xFFFFFFC0] =	vst v7;
	v6 =	vld.idx.msk [tilespmem:v0+s20+$0x20 ss:$0x1], $0xffff;
	s20 =	smov.u32 s16  }
.LBB1_5:
0x2e: {  	p1 =	sne.s32 s21, $0xE00;
	v7 =	vld.idx.msk [tilespmem:v0+s19+$0x30 ss:$0x1], $0xffff;
	[tilespmem:s20+$0xFFFFFFD0] =	vst v5  }
0x2f: {  	v8 =	vld.idx.msk [tilespmem:v0+s19+$0xFFFFFFC0 ss:$0x1], $0xffff;
	[tilespmem:s20+$0xFFFFFFE0] =	vst v4  }
0x30: {  	v5 =	vld.idx.msk [tilespmem:v0+s19+$0xFFFFFFD0 ss:$0x1], $0xffff;
	[tilespmem:s20+$0xFFFFFFF0] =	vst v3  }
.Ltmp3:
0x31: {  	v4 =	vld.idx.msk [tilespmem:v0+s19+$0xFFFFFFE0 ss:$0x1], $0xffff;
	[tilespmem:s20+$0x0] =	vst v1;
	(pc) =	sbr.rel @p1 .LBB1_5-.Ltmp3, $4  }
0x32: {  	v3 =	vld.idx.msk [tilespmem:v0+s19+$0xFFFFFFF0 ss:$0x1], $0xffff;
	[tilespmem:s20+$0x10] =	vst v2  }
0x33: {  	v1 =	vld.idx.msk [tilespmem:v0+s19+$0x0 ss:$0x1], $0xffff;
	[tilespmem:s20+$0x20] =	vst v6;
	s20 =	sadd.s32 $0x400, s20  }
0x34: {  	v2 =	vld.idx.msk [tilespmem:v0+s19+$0x10 ss:$0x1], $0xffff;
	[tilespmem:s20+$0x30] =	vst v7  }
0x35: {  	[tilespmem:s20+$0xFFFFFFC0] =	vst v8;
	v6 =	vld.idx.msk [tilespmem:v0+s19+$0x20 ss:$0x1], $0xffff;
	s19 =	sshra.s32 s21, $0x2;
	s21 =	sadd.s32 $0x200, s21  }
0x36: {  	_ =	sdelay $0x2  }
0x37: {  	[tilespmem:s20+$0xFFFFFFD0] =	vst v5  }
0x38: {  	v56 =	vld.idx.msk [tilespmem:v0+s19+$0x30 ss:$0x1], $0xffff;
	[tilespmem:s20+$0xFFFFFFE0] =	vst v4  }
0x39: {  	v57 =	vld.idx.msk [tilespmem:v0+s19+$0xFFFFFFC0 ss:$0x1], $0xffff;
	[tilespmem:s20+$0xFFFFFFF0] =	vst v3  }
0x3a: {  	v58 =	vld.idx.msk [tilespmem:v0+s19+$0xFFFFFFD0 ss:$0x1], $0xffff;
	[tilespmem:s20+$0x0] =	vst v1  }
0x3b: {  	v59 =	vld.idx.msk [tilespmem:v0+s19+$0xFFFFFFE0 ss:$0x1], $0xffff;
	[tilespmem:s20+$0x10] =	vst v2  }
0x3c: {  	v60 =	vld.idx.msk [tilespmem:v0+s19+$0xFFFFFFF0 ss:$0x1], $0xffff;
	s31 =	sadd.s32 $0x400, s20;
	[tilespmem:s20+$0x20] =	vst v6  }
0x3d: {  	v61 =	vld.idx.msk [tilespmem:v0+s19+$0x0 ss:$0x1], $0xffff;
	[tilespmem:s31+$0x30] =	vst v56  }
0x3e: {  	v62 =	vld.idx.msk [tilespmem:v0+s19+$0x10 ss:$0x1], $0xffff;
	s18 =	sadd.s32 $0x1, s18;
	[tilespmem:s31+$0xFFFFFFC0] =	vst v57  }
0x3f: {  	v63 =	vld.idx.msk [tilespmem:v0+s19+$0x20 ss:$0x1], $0xffff;
	p1 =	sne.s32 s18, $0x8;
	[tilespmem:s31+$0xFFFFFFD0] =	vst v58  }
.Ltmp4:
0x40: {  	[tilespmem:s31+$0xFFFFFFE0] =	vst v59;
	(pc) =	sbr.rel @p1 .LBB1_4-.Ltmp4, $4  }
0x41: {  	[tilespmem:s31+$0xFFFFFFF0] =	vst v60  }
0x42: {  	[tilespmem:s31+$0x0] =	vst v61  }
0x43: {  	[tilespmem:s31+$0x10] =	vst v62  }
0x44: {  	s16 =	sadd.s32 $0x80, s16;
	s17 =	sadd.s32 $0x400, s17;
	[tilespmem:s31+$0x20] =	vst v63  }
.Ltmp5:
0x45: {  	(pc) =	sbr.rel @p0 .LBB1_3-.Ltmp5, $2  }
0x46: {  	_ =	sdelay $0x2  }
0x47: {  	s16 =	simm.s32 $0x2000;
	p1 =	por $0x0, $0x0  }
.Ltmp6:
0x48: {  	(pc) =	sbr.rel .LBB1_9-.Ltmp6, $4  }
0x49: {  	_ = 	snop  }
0x4a: {  	s12 =	sshll.u32 s12, $0xA  }
0x4b: {  	s12 =	sadd.s32 s4, s12  }
0x4c: {  	[hbm4b:s12+s8] =	stream.linear.scatter [tilespmem:s13], [sflag:$0x2], $0x4000, $0x38;
	[tilespmem:$0x10000] =	vst v63  }
.LBB1_10:
0x4d: {  	_ =	sfence.sel $0x180000  }
0x4e: {  	s2 =	simm.s32 $0x1;
	[bflag:$0x0] =	sbarrier.arrive $0xFFFF  }
0x4f: {  	s31 =	simm.s32 $0x2;
	[sflag:s2] =	ssyncpa.u1 $0x1  }
0x50: {  	[sflag:s31] =	ssyncpa.u1 $0x1  }
0x51: {  	p0 =	sne.s32 s0, $0x0;
	_ =	strace $0x90000047  }
0x52: {  	s0 =	sadd.s32 @!p0 $0x100000, s1;
	[bflag:$0x2] =	sbarrier.arrive $0xFFFF  }
0x53: {  	[sflag:s0] =	ssyncadd.tile.s32 @!p0 $0x1;
	_ =	shalt  }
.Lfunc_end1:
_tile_overlayer_lowered:
.L_overlay_start_2:
0x54: {  	(tag) =	ssettag $0x2  }
0x55: {  	s0 =	rddreg [dreg:$0x0];
	s2 =	stileid.u32  }
0x56: {  	s1 =	rddreg [dreg:$0x1];
	p0 =	sne.s32 s2, $0x0  }
0x57: {  	s3 =	rddreg [dreg:$0x2];
	[bflag:$0x3] =	sbarrier.arrive $0xFFFF;
	s2 =	simm.s32 @!p0 $0x1C01  }
0x58: {  	[timem:s3], [sflag:s2] =	dma.local @!p0 [hbm:s0], s1  }
0x59: {  	s0 =	simm.s32 @!p0 $0x1  }
0x5a: {  	_ =	swait.ge @!p0 [sflag:s0], s1  }
0x5b: {  	s1 =	ssub.s32 @!p0 $0x0, s1;
	[sflag:s0] =	ssyncset.done @!p0 $0x0  }
0x5c: {  	[sflag:s0] =	ssyncadd.s32 @!p0 s1  }
0x5d: {  	[bflag:$0x3] =	sbarrier.arrive $0xFFFF  }
0x5e: {  	_ =	shalt  }

</sc_bundles>
